<compile_context>
chip_gen: v7x
topology: tpu7x:2x2x1
jax: 0.10.2.dev20260603
libtpu: 0.0.44.dev20260713+nightly
codegen_flags: <defaults>
</compile_context>

<pallas_src>
import jax
import jax.numpy as jnp
from jax import lax
from jax.experimental import pallas as pl
from jax.experimental.pallas import tpu as pltpu
from jax.experimental.pallas import tpu_sc as plsc

N = 10000
E = 320000
D = 128
DH1 = 180
NCLS = 40

NC, NS = 2, 16
NW = NC * NS
EPW = E // NW
CH = 128
NCH = 80
PHASES = 2
PCH = NCH // PHASES
EPP = PCH * CH
EPAD = NCH * CH
NROWS = N + 112
RPT = NROWS // NS

_mesh = plsc.VectorSubcoreMesh(
    core_axis_name="c", subcore_axis_name="s", num_cores=NC, num_subcores=NS
)


HR = EPAD // 128


def _deg_body(dst_hbm, zeros_hbm, out_hbm, dst_v, hist_v, idx_v, accum):
    c = lax.axis_index("c")
    s = lax.axis_index("s")
    wid = c * NS + s
    ones = jnp.full((16,), 1.0, jnp.float32)
    pltpu.sync_copy(zeros_hbm.at[pl.ds(0, HR)], hist_v)
    for k in range(HR // 16):
        idx_v[pl.ds(16 * k, 16)] = lax.iota(jnp.int32, 16) + 16 * k

    @pl.when(s == 0)
    def _():
        pltpu.sync_copy(zeros_hbm.at[pl.ds(0, HR)], accum)

    plsc.subcore_barrier()

    for ph in range(PHASES):
        pltpu.sync_copy(dst_hbm.at[wid, ph], dst_v)

        def step(i, carry):
            for u in range(4):
                iv = dst_v[pl.ds((i * 4 + u) * 16, 16)]
                row = jax.lax.shift_right_logical(iv, 7)
                col = jnp.bitwise_and(iv, 127)
                plsc.addupdate_scatter(hist_v, [row, col], ones)
            return carry

        lax.fori_loop(0, EPP // 64, step, 0)

    pltpu.sync_copy(hist_v, accum.at[idx_v], add=True)
    plsc.subcore_barrier()

    @pl.when(s == 0)
    def _():
        pltpu.sync_copy(accum, out_hbm.at[c])


_deg_pass = pl.kernel(
    _deg_body,
    out_type=jax.ShapeDtypeStruct((NC, HR, 128), jnp.float32),
    mesh=_mesh,
    compiler_params=pltpu.CompilerParams(needs_layout_passes=False,
                                         skip_device_barrier=True),
    scratch_types=[
        pltpu.VMEM((EPP,), jnp.int32),
        pltpu.VMEM((HR, 128), jnp.float32),
        pltpu.VMEM((HR,), jnp.int32),
        pltpu.VMEM_SHARED((HR, 128), jnp.float32),
    ],
)


def _edge_body(h_hbm, src_hbm, dst_hbm, zeros_hbm, out_hbm,
               src_v, dst_v, buf0, buf1, accum, sem0, sem1, zsem):
    c = lax.axis_index("c")
    s = lax.axis_index("s")
    wid = c * NS + s
    r0 = s * RPT
    zcp = pltpu.async_copy(zeros_hbm.at[pl.ds(r0, RPT)],
                           accum.at[pl.ds(r0, RPT)], zsem)
    pltpu.sync_copy(src_hbm.at[wid, 0], src_v)
    pltpu.sync_copy(dst_hbm.at[wid, 0], dst_v)
    zcp.wait()
    plsc.subcore_barrier()

    for ph in range(PHASES):
        if ph > 0:
            pltpu.sync_copy(src_hbm.at[wid, ph], src_v)
            pltpu.sync_copy(dst_hbm.at[wid, ph], dst_v)

        pltpu.async_copy(h_hbm.at[src_v.at[pl.ds(0, CH)]], buf0, sem0)
        pltpu.async_copy(h_hbm.at[src_v.at[pl.ds(CH, CH)]], buf1, sem1)

        def step(j, carry):
            jj = 2 * j
            pltpu.make_async_copy(
                h_hbm.at[src_v.at[pl.ds(jj * CH, CH)]], buf0, sem0).wait()
            pltpu.sync_copy(buf0, accum.at[dst_v.at[jj]], add=True)
            pltpu.async_copy(
                h_hbm.at[src_v.at[pl.ds((jj + 2) * CH, CH)]], buf0, sem0)
            pltpu.make_async_copy(
                h_hbm.at[src_v.at[pl.ds((jj + 1) * CH, CH)]], buf1, sem1).wait()
            pltpu.sync_copy(buf1, accum.at[dst_v.at[jj + 1]], add=True)
            pltpu.async_copy(
                h_hbm.at[src_v.at[pl.ds((jj + 3) * CH, CH)]], buf1, sem1)
            return carry

        lax.fori_loop(0, PCH // 2 - 1, step, 0)

        jl = PCH - 2
        pltpu.make_async_copy(
            h_hbm.at[src_v.at[pl.ds(jl * CH, CH)]], buf0, sem0).wait()
        pltpu.sync_copy(buf0, accum.at[dst_v.at[jl]], add=True)
        pltpu.make_async_copy(
            h_hbm.at[src_v.at[pl.ds((jl + 1) * CH, CH)]], buf1, sem1).wait()
        pltpu.sync_copy(buf1, accum.at[dst_v.at[jl + 1]], add=True)

    plsc.subcore_barrier()
    pltpu.sync_copy(accum.at[pl.ds(r0, RPT)], out_hbm.at[c, pl.ds(r0, RPT)])


_edge_pass = pl.kernel(
    _edge_body,
    out_type=jax.ShapeDtypeStruct((NC, NROWS, D), jnp.float32),
    mesh=_mesh,
    compiler_params=pltpu.CompilerParams(skip_device_barrier=True),
    scratch_types=[
        pltpu.VMEM((EPP,), jnp.int32),
        pltpu.VMEM((PCH, CH), jnp.int32),
        pltpu.VMEM((CH, D), jnp.float32),
        pltpu.VMEM((CH, D), jnp.float32),
        pltpu.VMEM_SHARED((NROWS, D), jnp.float32),
        pltpu.SemaphoreType.DMA,
        pltpu.SemaphoreType.DMA,
        pltpu.SemaphoreType.DMA,
    ],
)


R = 5000
G = N // R


def _dinv_from(degp_ref):
    deg = degp_ref[0, :, 0] + degp_ref[1, :, 0] + 1.0
    return lax.rsqrt(deg)


def _tc1_body(x_ref, degp_ref, y_ref):
    dinv = _dinv_from(degp_ref)
    y_ref[...] = x_ref[...] * dinv[:, None]


def _tc2_body(p_ref, y_ref, degp_ref, w1_ref, b1_ref, w2_ref, out_ref):
    dinv = _dinv_from(degp_ref)
    s1 = (p_ref[0] + p_ref[1] + y_ref[...]) * dinv[:, None]
    z1 = jnp.dot(s1, w1_ref[...], preferred_element_type=jnp.float32) + b1_ref[...]
    a1 = jnp.where(z1 >= 0, z1, 0.01 * z1)
    out_ref[...] = (
        jnp.dot(a1, w2_ref[...], preferred_element_type=jnp.float32) * dinv[:, None]
    )


def _tc3_body(p_ref, h2_ref, degp_ref, b2_ref, wl_ref, bl_ref, out_ref):
    dinv = _dinv_from(degp_ref)
    z = (p_ref[0] + p_ref[1] + h2_ref[...]) * dinv[:, None] + b2_ref[...]
    a = jnp.where(z >= 0, z, 0.01 * z)
    logits = jnp.dot(a, wl_ref[...], preferred_element_type=jnp.float32) + bl_ref[...]
    m = jnp.max(logits, axis=1, keepdims=True)
    lse = jnp.log(jnp.sum(jnp.exp(logits - m), axis=1, keepdims=True)) + m
    out_ref[...] = logits - lse


def _tc1(x, degp):
    return pl.pallas_call(
        _tc1_body,
        grid=(G,),
        in_specs=[
            pl.BlockSpec((R, 128), lambda i: (i, 0)),
            pl.BlockSpec((NC, R, 1), lambda i: (0, i, 0)),
        ],
        out_specs=pl.BlockSpec((R, D), lambda i: (i, 0)),
        out_shape=jax.ShapeDtypeStruct((N, D), jnp.float32),
    )(x, degp)


def _tc2(p1, y, degp, w1, b1r, w2p):
    return pl.pallas_call(
        _tc2_body,
        grid=(G,),
        in_specs=[
            pl.BlockSpec((NC, R, D), lambda i: (0, i, 0)),
            pl.BlockSpec((R, D), lambda i: (i, 0)),
            pl.BlockSpec((NC, R, 1), lambda i: (0, i, 0)),
            pl.BlockSpec((128, DH1), lambda i: (0, 0)),
            pl.BlockSpec((1, DH1), lambda i: (0, 0)),
            pl.BlockSpec((DH1, D), lambda i: (0, 0)),
        ],
        out_specs=pl.BlockSpec((R, D), lambda i: (i, 0)),
        out_shape=jax.ShapeDtypeStruct((N, D), jnp.float32),
    )(p1, y, degp, w1, b1r, w2p)


def _tc3(p2, h2, degp, b2p, wlp, blp):
    return pl.pallas_call(
        _tc3_body,
        grid=(G,),
        in_specs=[
            pl.BlockSpec((NC, R, D), lambda i: (0, i, 0)),
            pl.BlockSpec((R, D), lambda i: (i, 0)),
            pl.BlockSpec((NC, R, 1), lambda i: (0, i, 0)),
            pl.BlockSpec((1, D), lambda i: (0, 0)),
            pl.BlockSpec((D, NCLS), lambda i: (0, 0)),
            pl.BlockSpec((1, NCLS), lambda i: (0, 0)),
        ],
        out_specs=pl.BlockSpec((R, NCLS), lambda i: (i, 0)),
        out_shape=jax.ShapeDtypeStruct((N, NCLS), jnp.float32),
    )(p2, h2, degp, b2p, wlp, blp)


def kernel(x, edge_index, W1, b1, W2, b2, Wl, bl):
    src = edge_index[0].reshape(NW, EPW)
    dst = edge_index[1].reshape(NW, EPW)
    npad = EPAD - EPW
    padc = jnp.arange(npad, dtype=jnp.int32) % 16
    src_g = jnp.concatenate(
        [src, jnp.broadcast_to(padc, (NW, npad))], axis=1
    ).reshape(NW, PHASES, EPP)
    dst_g = jnp.concatenate(
        [dst, jnp.broadcast_to(N + padc, (NW, npad))], axis=1
    ).reshape(NW, PHASES, PCH, CH)

    dst_f = dst_g.reshape(NW, PHASES, EPP)
    zacc = jnp.zeros((NROWS, D), jnp.float32)

    b1r = b1.reshape(1, DH1)
    w2p = jnp.pad(W2, ((0, 0), (0, D - W2.shape[1])))
    b2p = jnp.pad(b2, (0, D - b2.shape[0])).reshape(1, D)
    wlp = jnp.pad(Wl, ((0, D - Wl.shape[0]), (0, 0)))
    blp = bl.reshape(1, NCLS)

    degh = _deg_pass(dst_f, zacc)
    degp = degh.reshape(NC, HR * 128)[:, :N].reshape(NC, N, 1)
    y = _tc1(x, degp)
    p1 = _edge_pass(y, src_g, dst_g, zacc)
    h2 = _tc2(p1, y, degp, W1, b1r, w2p)
    p2 = _edge_pass(h2, src_g, dst_g, zacc)
    return _tc3(p2, h2, degp, b2p, wlp, blp)

# --- scband reference (transcript-rebuilt; emitter-appended) ---
"""Pipeline reference for scband-attacker-1606317769452 (READ-ONLY COPY).

The authoritative reference and input builder live on the scoring server;
editing this copy changes nothing except your own understanding.
"""

import jax, jax.numpy as jnp
import numpy as np

N_NODES = 10000
N_EDGES = 320000
D_IN = 128
D_H1 = 180
D_H2 = 120
N_CLASS = 40


def setup_inputs(seed: int = 0) -> dict:
    key = jax.random.key(seed)
    ks = jax.random.split(key, 8)
    x = jax.random.normal(ks[0], (N_NODES, D_IN), dtype=jnp.float32)
    edge_index = jax.random.randint(ks[1], (2, N_EDGES), 0, N_NODES, dtype=jnp.int32)
    W1 = jax.random.normal(ks[2], (D_IN, D_H1), dtype=jnp.float32) * (1.0 / np.sqrt(D_IN))
    b1 = jnp.zeros((D_H1,), dtype=jnp.float32)
    W2 = jax.random.normal(ks[3], (D_H1, D_H2), dtype=jnp.float32) * (1.0 / np.sqrt(D_H1))
    b2 = jnp.zeros((D_H2,), dtype=jnp.float32)
    Wl = jax.random.normal(ks[4], (D_H2, N_CLASS), dtype=jnp.float32) * (1.0 / np.sqrt(D_H2))
    bl = jnp.zeros((N_CLASS,), dtype=jnp.float32)
    return {"x": x, "edge_index": edge_index, "W1": W1, "b1": b1, "W2": W2, "b2": b2, "Wl": Wl, "bl": bl}


def _gcn_conv(x, src, dst, num_nodes, W, b):
    # PyG GCNConv: x' = D^{-1/2} A_hat D^{-1/2} (X W) + b  (self-loops already in edges)
    h = x @ W
    deg = jnp.zeros((num_nodes,), dtype=h.dtype).at[dst].add(1.0)
    dinv = jnp.where(deg > 0, deg ** -0.5, 0.0)
    norm = dinv[src] * dinv[dst]
    msg = h[src] * norm[:, None]
    out = jnp.zeros_like(h).at[dst].add(msg)
    return out + b


def reference(x, edge_index, W1, b1, W2, b2, Wl, bl):
    num_nodes = x.shape[0]
    # add_remaining_self_loops (append self loops for all nodes)
    loops = jnp.arange(num_nodes, dtype=edge_index.dtype)
    edges = jnp.concatenate([edge_index, jnp.stack([loops, loops])], axis=1)
    src, dst = edges[0], edges[1]
    h = _gcn_conv(x, src, dst, num_nodes, W1, b1)
    h = jax.nn.leaky_relu(h, negative_slope=0.01)
    h = _gcn_conv(h, src, dst, num_nodes, W2, b2)
    h = jax.nn.leaky_relu(h, negative_slope=0.01)
    logits = h @ Wl + bl
    return jax.nn.log_softmax(logits, axis=1)

if __name__ == "__main__":
    import jax
    _d = setup_inputs()
    print(jax.jit(kernel)(*tuple(_d.values())))

</pallas_src>

<mosaic_0001>
#map = affine_map<(d0, d1) -> (0, 0, 0)>
#map1 = affine_map<(d0, d1) -> (0, 0)>
module attributes {stable_mosaic.version = 14 : i64} {
  func.func @_deg_body(%arg0: i32, %arg1: i32, %arg2: memref<32x2x5120xi32, #tpu.memory_space<hbm>>, %arg3: memref<10112x128xf32, #tpu.memory_space<hbm>>, %arg4: memref<2x80x128xf32, #tpu.memory_space<hbm>>, %arg5: memref<5120xi32, #tpu.memory_space<vmem>>, %arg6: memref<80x128xf32, #tpu.memory_space<vmem>>, %arg7: memref<80xi32, #tpu.memory_space<vmem>>, %arg8: memref<80x128xf32, #tpu.memory_space<vmem_shared>>) attributes {dimension_semantics = [#tpu.dimension_semantics<core_parallel>, #tpu.dimension_semantics<subcore_parallel>], iteration_bounds = array<i64: 2, 16>, scalar_prefetch = 0 : i64, scratch_operands = 4 : i64, tpu.core_type = #tpu.core_type<sc_vector_subcore>, window_params = [{transform_indices = #map}, {transform_indices = #map1}, {transform_indices = #map}]} {
    %mul3A = arith.constant 16 : i32
    %mul3A_0 = arith.muli %arg0, %mul3A : i32
    %add3A = arith.addi %mul3A_0, %arg1 : i32
    %broadcast_in_dim3A = arith.constant 1.000000e+00 : f32
    %broadcast_in_dim3A_1 = vector.broadcast %broadcast_in_dim3A : f32 to vector<16xf32>
    "tpu.region"() ({
      %run_scoped3A_50 = tpu.sem_alloc : memref<!tpu.dma_semaphore, #tpu.memory_space<semaphore_mem>>
      %dma_start3A = arith.constant 0 : i32
      %dma_start3A_51 = arith.constant 0 : i32
      %dma_start3A_52 = tpu.memref_slice %arg3[%dma_start3A, %dma_start3A_51] : memref<10112x128xf32, #tpu.memory_space<hbm>> -> memref<80x128xf32, #tpu.memory_space<hbm>>
      %dma_start3A_53 = arith.constant 0 : i32
      %dma_start3A_54 = arith.constant 0 : i32
      %dma_start3A_55 = tpu.memref_slice %arg3[%dma_start3A_53, %dma_start3A_54] : memref<10112x128xf32, #tpu.memory_space<hbm>> -> memref<80x128xf32, #tpu.memory_space<hbm>>
      tpu.enqueue_dma source(%dma_start3A_55 : memref<80x128xf32, #tpu.memory_space<hbm>>) target(%arg6 : memref<80x128xf32, #tpu.memory_space<vmem>>) target_semaphore(%run_scoped3A_50 : memref<!tpu.dma_semaphore, #tpu.memory_space<semaphore_mem>>)
      %dma_wait3A = arith.constant 0 : i32
      %dma_wait3A_56 = arith.constant 0 : i32
      %dma_wait3A_57 = tpu.memref_slice %arg3[%dma_wait3A, %dma_wait3A_56] : memref<10112x128xf32, #tpu.memory_space<hbm>> -> memref<80x128xf32, #tpu.memory_space<hbm>>
      %dma_wait3A_58 = arith.constant 0 : i32
      %dma_wait3A_59 = arith.constant 0 : i32
      %dma_wait3A_60 = tpu.memref_slice %arg3[%dma_wait3A_58, %dma_wait3A_59] : memref<10112x128xf32, #tpu.memory_space<hbm>> -> memref<80x128xf32, #tpu.memory_space<hbm>>
      tpu.wait_dma2 semaphore(%run_scoped3A_50 : memref<!tpu.dma_semaphore, #tpu.memory_space<semaphore_mem>>) src(%dma_wait3A_60 : memref<80x128xf32, #tpu.memory_space<hbm>>) dst(%arg6 : memref<80x128xf32, #tpu.memory_space<vmem>>)
      tpu.yield
    }) : () -> ()
    %iota3A = tpu.iota {dimensions = array<i32: 0>} : vector<16xi32>
    %add3A_2 = arith.constant 0 : i32
    %add3A_3 = vector.broadcast %add3A_2 : i32 to vector<16xi32>
    %add3A_4 = arith.addi %iota3A, %add3A_3 : vector<16xi32>
    %swap3A = arith.constant 0 : index
    %swap3A_5 = tpu.vector_load %arg7[%swap3A] {strides = array<i32>} : memref<80xi32, #tpu.memory_space<vmem>>, vector<16xi32>,
    tpu.vector_store %arg7[%swap3A], %add3A_4 {strides = array<i32>} : memref<80xi32, #tpu.memory_space<vmem>>, vector<16xi32>,
    %iota3A_6 = tpu.iota {dimensions = array<i32: 0>} : vector<16xi32>
    %add3A_7 = arith.constant 16 : i32
    %add3A_8 = vector.broadcast %add3A_7 : i32 to vector<16xi32>
    %add3A_9 = arith.addi %iota3A_6, %add3A_8 : vector<16xi32>
    %swap3A_10 = arith.constant 16 : index
    %swap3A_11 = tpu.vector_load %arg7[%swap3A_10] {strides = array<i32>} : memref<80xi32, #tpu.memory_space<vmem>>, vector<16xi32>,
    tpu.vector_store %arg7[%swap3A_10], %add3A_9 {strides = array<i32>} : memref<80xi32, #tpu.memory_space<vmem>>, vector<16xi32>,
    %iota3A_12 = tpu.iota {dimensions = array<i32: 0>} : vector<16xi32>
    %add3A_13 = arith.constant 32 : i32
    %add3A_14 = vector.broadcast %add3A_13 : i32 to vector<16xi32>
    %add3A_15 = arith.addi %iota3A_12, %add3A_14 : vector<16xi32>
    %swap3A_16 = arith.constant 32 : index
    %swap3A_17 = tpu.vector_load %arg7[%swap3A_16] {strides = array<i32>} : memref<80xi32, #tpu.memory_space<vmem>>, vector<16xi32>,
    tpu.vector_store %arg7[%swap3A_16], %add3A_15 {strides = array<i32>} : memref<80xi32, #tpu.memory_space<vmem>>, vector<16xi32>,
    %iota3A_18 = tpu.iota {dimensions = array<i32: 0>} : vector<16xi32>
    %add3A_19 = arith.constant 48 : i32
    %add3A_20 = vector.broadcast %add3A_19 : i32 to vector<16xi32>
    %add3A_21 = arith.addi %iota3A_18, %add3A_20 : vector<16xi32>
    %swap3A_22 = arith.constant 48 : index
    %swap3A_23 = tpu.vector_load %arg7[%swap3A_22] {strides = array<i32>} : memref<80xi32, #tpu.memory_space<vmem>>, vector<16xi32>,
    tpu.vector_store %arg7[%swap3A_22], %add3A_21 {strides = array<i32>} : memref<80xi32, #tpu.memory_space<vmem>>, vector<16xi32>,
    %iota3A_24 = tpu.iota {dimensions = array<i32: 0>} : vector<16xi32>
    %add3A_25 = arith.constant 64 : i32
    %add3A_26 = vector.broadcast %add3A_25 : i32 to vector<16xi32>
    %add3A_27 = arith.addi %iota3A_24, %add3A_26 : vector<16xi32>
    %swap3A_28 = arith.constant 64 : index
    %swap3A_29 = tpu.vector_load %arg7[%swap3A_28] {strides = array<i32>} : memref<80xi32, #tpu.memory_space<vmem>>, vector<16xi32>,
    tpu.vector_store %arg7[%swap3A_28], %add3A_27 {strides = array<i32>} : memref<80xi32, #tpu.memory_space<vmem>>, vector<16xi32>,
    %eq3A = arith.constant 0 : i32
    %eq3A_30 = arith.cmpi eq, %arg1, %eq3A : i32
    %convert_element_type3A = arith.extui %eq3A_30 : i1 to i32
    %cond3A = arith.constant 0 : i32
    %cond3A_31 = arith.cmpi ne, %convert_element_type3A, %cond3A : i32
    scf.if %cond3A_31 {
      "tpu.region"() ({
        %run_scoped3A_50 = tpu.sem_alloc : memref<!tpu.dma_semaphore, #tpu.memory_space<semaphore_mem>>
        %dma_start3A = arith.constant 0 : i32
        %dma_start3A_51 = arith.constant 0 : i32
        %dma_start3A_52 = tpu.memref_slice %arg3[%dma_start3A, %dma_start3A_51] : memref<10112x128xf32, #tpu.memory_space<hbm>> -> memref<80x128xf32, #tpu.memory_space<hbm>>
        tpu.enqueue_dma source(%dma_start3A_52 : memref<80x128xf32, #tpu.memory_space<hbm>>) target(%arg8 : memref<80x128xf32, #tpu.memory_space<vmem_shared>>) target_semaphore(%run_scoped3A_50 : memref<!tpu.dma_semaphore, #tpu.memory_space<semaphore_mem>>)
        %dma_wait3A = arith.constant 0 : i32
        %dma_wait3A_53 = arith.constant 0 : i32
        %dma_wait3A_54 = tpu.memref_slice %arg3[%dma_wait3A, %dma_wait3A_53] : memref<10112x128xf32, #tpu.memory_space<hbm>> -> memref<80x128xf32, #tpu.memory_space<hbm>>
        tpu.wait_dma2 semaphore(%run_scoped3A_50 : memref<!tpu.dma_semaphore, #tpu.memory_space<semaphore_mem>>) src(%dma_wait3A_54 : memref<80x128xf32, #tpu.memory_space<hbm>>) dst(%arg8 : memref<80x128xf32, #tpu.memory_space<vmem_shared>>)
        tpu.yield
      }) : () -> ()
    } else {
    }
    %barrier3A = arith.constant 0 : index
    tpu.barrier barrier_id(%barrier3A)
    %run_scoped3A = arith.constant 0 : i32
    "tpu.region"() ({
      %run_scoped3A_50 = tpu.sem_alloc : memref<!tpu.dma_semaphore, #tpu.memory_space<semaphore_mem>>
      %dma_start3A = arith.constant 0 : i32
      %dma_start3A_51 = tpu.memref_slice %arg2[%add3A, %run_scoped3A, %dma_start3A] : memref<32x2x5120xi32, #tpu.memory_space<hbm>> -> memref<1x1x5120xi32, #tpu.memory_space<hbm>>
      %dma_start3A_52 = tpu.memref_squeeze %dma_start3A_51 : memref<1x1x5120xi32, #tpu.memory_space<hbm>> -> memref<5120xi32, #tpu.memory_space<hbm>>
      %dma_start3A_53 = arith.constant 0 : i32
      %dma_start3A_54 = tpu.memref_slice %arg2[%add3A, %run_scoped3A, %dma_start3A_53] : memref<32x2x5120xi32, #tpu.memory_space<hbm>> -> memref<1x1x5120xi32, #tpu.memory_space<hbm>>
      %dma_start3A_55 = tpu.memref_squeeze %dma_start3A_54 : memref<1x1x5120xi32, #tpu.memory_space<hbm>> -> memref<5120xi32, #tpu.memory_space<hbm>>
      tpu.enqueue_dma source(%dma_start3A_55 : memref<5120xi32, #tpu.memory_space<hbm>>) target(%arg5 : memref<5120xi32, #tpu.memory_space<vmem>>) target_semaphore(%run_scoped3A_50 : memref<!tpu.dma_semaphore, #tpu.memory_space<semaphore_mem>>)
      %dma_wait3A = arith.constant 0 : i32
      %dma_wait3A_56 = tpu.memref_slice %arg2[%add3A, %run_scoped3A, %dma_wait3A] : memref<32x2x5120xi32, #tpu.memory_space<hbm>> -> memref<1x1x5120xi32, #tpu.memory_space<hbm>>
      %dma_wait3A_57 = tpu.memref_squeeze %dma_wait3A_56 : memref<1x1x5120xi32, #tpu.memory_space<hbm>> -> memref<5120xi32, #tpu.memory_space<hbm>>
      %dma_wait3A_58 = arith.constant 0 : i32
      %dma_wait3A_59 = tpu.memref_slice %arg2[%add3A, %run_scoped3A, %dma_wait3A_58] : memref<32x2x5120xi32, #tpu.memory_space<hbm>> -> memref<1x1x5120xi32, #tpu.memory_space<hbm>>
      %dma_wait3A_60 = tpu.memref_squeeze %dma_wait3A_59 : memref<1x1x5120xi32, #tpu.memory_space<hbm>> -> memref<5120xi32, #tpu.memory_space<hbm>>
      tpu.wait_dma2 semaphore(%run_scoped3A_50 : memref<!tpu.dma_semaphore, #tpu.memory_space<semaphore_mem>>) src(%dma_wait3A_60 : memref<5120xi32, #tpu.memory_space<hbm>>) dst(%arg5 : memref<5120xi32, #tpu.memory_space<vmem>>)
      tpu.yield
    }) : () -> ()
    %scan3A = arith.constant 0 : i32
    %scan3A_32 = arith.constant 0 : i32
    %scan3A_33 = arith.constant 80 : i32
    %scan3A_34 = arith.addi %scan3A_32, %scan3A_33 : i32
    %scan3A_35 = arith.constant 1 : i32
    scf.for %scan3A_50 = %scan3A_32 to %scan3A_34 step %scan3A_35  : i32 {
      %mul3A_51 = arith.constant 4 : i32
      %mul3A_52 = arith.muli %scan3A_50, %mul3A_51 : i32
      %add3A_53 = arith.constant 0 : i32
      %add3A_54 = arith.addi %mul3A_52, %add3A_53 : i32
      %mul3A_55 = arith.constant 16 : i32
      %mul3A_56 = arith.muli %add3A_54, %mul3A_55 : i32
      %get3A = arith.index_cast %mul3A_56 : i32 to index
      %get3A_57 = tpu.vector_load %arg5[%get3A] {strides = array<i32>} : memref<5120xi32, #tpu.memory_space<vmem>>, vector<16xi32>,
      %shift_right_logical3A = arith.constant 7 : i32
      %shift_right_logical3A_58 = vector.broadcast %shift_right_logical3A : i32 to vector<16xi32>
      %shift_right_logical3A_59 = arith.shrui %get3A_57, %shift_right_logical3A_58 : vector<16xi32>
      %and3A = arith.constant 127 : i32
      %and3A_60 = vector.broadcast %and3A : i32 to vector<16xi32>
      %and3A_61 = arith.andi %get3A_57, %and3A_60 : vector<16xi32>
      tpu.vector_store_idx %arg6[%shift_right_logical3A_59, %and3A_61], %broadcast_in_dim3A_1 {add = true} : memref<80x128xf32, #tpu.memory_space<vmem>>[vector<16xi32>, vector<16xi32>], vector<16xf32>,
      %mul3A_62 = arith.constant 4 : i32
      %mul3A_63 = arith.muli %scan3A_50, %mul3A_62 : i32
      %add3A_64 = arith.constant 1 : i32
      %add3A_65 = arith.addi %mul3A_63, %add3A_64 : i32
      %mul3A_66 = arith.constant 16 : i32
      %mul3A_67 = arith.muli %add3A_65, %mul3A_66 : i32
      %get3A_68 = arith.index_cast %mul3A_67 : i32 to index
      %get3A_69 = tpu.vector_load %arg5[%get3A_68] {strides = array<i32>} : memref<5120xi32, #tpu.memory_space<vmem>>, vector<16xi32>,
      %shift_right_logical3A_70 = arith.constant 7 : i32
      %shift_right_logical3A_71 = vector.broadcast %shift_right_logical3A_70 : i32 to vector<16xi32>
      %shift_right_logical3A_72 = arith.shrui %get3A_69, %shift_right_logical3A_71 : vector<16xi32>
      %and3A_73 = arith.constant 127 : i32
      %and3A_74 = vector.broadcast %and3A_73 : i32 to vector<16xi32>
      %and3A_75 = arith.andi %get3A_69, %and3A_74 : vector<16xi32>
      tpu.vector_store_idx %arg6[%shift_right_logical3A_72, %and3A_75], %broadcast_in_dim3A_1 {add = true} : memref<80x128xf32, #tpu.memory_space<vmem>>[vector<16xi32>, vector<16xi32>], vector<16xf32>,
      %mul3A_76 = arith.constant 4 : i32
      %mul3A_77 = arith.muli %scan3A_50, %mul3A_76 : i32
      %add3A_78 = arith.constant 2 : i32
      %add3A_79 = arith.addi %mul3A_77, %add3A_78 : i32
      %mul3A_80 = arith.constant 16 : i32
      %mul3A_81 = arith.muli %add3A_79, %mul3A_80 : i32
      %get3A_82 = arith.index_cast %mul3A_81 : i32 to index
      %get3A_83 = tpu.vector_load %arg5[%get3A_82] {strides = array<i32>} : memref<5120xi32, #tpu.memory_space<vmem>>, vector<16xi32>,
      %shift_right_logical3A_84 = arith.constant 7 : i32
      %shift_right_logical3A_85 = vector.broadcast %shift_right_logical3A_84 : i32 to vector<16xi32>
      %shift_right_logical3A_86 = arith.shrui %get3A_83, %shift_right_logical3A_85 : vector<16xi32>
      %and3A_87 = arith.constant 127 : i32
      %and3A_88 = vector.broadcast %and3A_87 : i32 to vector<16xi32>
      %and3A_89 = arith.andi %get3A_83, %and3A_88 : vector<16xi32>
      tpu.vector_store_idx %arg6[%shift_right_logical3A_86, %and3A_89], %broadcast_in_dim3A_1 {add = true} : memref<80x128xf32, #tpu.memory_space<vmem>>[vector<16xi32>, vector<16xi32>], vector<16xf32>,
      %mul3A_90 = arith.constant 4 : i32
      %mul3A_91 = arith.muli %scan3A_50, %mul3A_90 : i32
      %add3A_92 = arith.constant 3 : i32
      %add3A_93 = arith.addi %mul3A_91, %add3A_92 : i32
      %mul3A_94 = arith.constant 16 : i32
      %mul3A_95 = arith.muli %add3A_93, %mul3A_94 : i32
      %get3A_96 = arith.index_cast %mul3A_95 : i32 to index
      %get3A_97 = tpu.vector_load %arg5[%get3A_96] {strides = array<i32>} : memref<5120xi32, #tpu.memory_space<vmem>>, vector<16xi32>,
      %shift_right_logical3A_98 = arith.constant 7 : i32
      %shift_right_logical3A_99 = vector.broadcast %shift_right_logical3A_98 : i32 to vector<16xi32>
      %shift_right_logical3A_100 = arith.shrui %get3A_97, %shift_right_logical3A_99 : vector<16xi32>
      %and3A_101 = arith.constant 127 : i32
      %and3A_102 = vector.broadcast %and3A_101 : i32 to vector<16xi32>
      %and3A_103 = arith.andi %get3A_97, %and3A_102 : vector<16xi32>
      tpu.vector_store_idx %arg6[%shift_right_logical3A_100, %and3A_103], %broadcast_in_dim3A_1 {add = true} : memref<80x128xf32, #tpu.memory_space<vmem>>[vector<16xi32>, vector<16xi32>], vector<16xf32>,
    }
    %scan3A_36 = arith.constant 80 : i32
    %run_scoped3A_37 = arith.constant 1 : i32
    "tpu.region"() ({
      %run_scoped3A_50 = tpu.sem_alloc : memref<!tpu.dma_semaphore, #tpu.memory_space<semaphore_mem>>
      %dma_start3A = arith.constant 0 : i32
      %dma_start3A_51 = tpu.memref_slice %arg2[%add3A, %run_scoped3A_37, %dma_start3A] : memref<32x2x5120xi32, #tpu.memory_space<hbm>> -> memref<1x1x5120xi32, #tpu.memory_space<hbm>>
      %dma_start3A_52 = tpu.memref_squeeze %dma_start3A_51 : memref<1x1x5120xi32, #tpu.memory_space<hbm>> -> memref<5120xi32, #tpu.memory_space<hbm>>
      %dma_start3A_53 = arith.constant 0 : i32
      %dma_start3A_54 = tpu.memref_slice %arg2[%add3A, %run_scoped3A_37, %dma_start3A_53] : memref<32x2x5120xi32, #tpu.memory_space<hbm>> -> memref<1x1x5120xi32, #tpu.memory_space<hbm>>
      %dma_start3A_55 = tpu.memref_squeeze %dma_start3A_54 : memref<1x1x5120xi32, #tpu.memory_space<hbm>> -> memref<5120xi32, #tpu.memory_space<hbm>>
      tpu.enqueue_dma source(%dma_start3A_55 : memref<5120xi32, #tpu.memory_space<hbm>>) target(%arg5 : memref<5120xi32, #tpu.memory_space<vmem>>) target_semaphore(%run_scoped3A_50 : memref<!tpu.dma_semaphore, #tpu.memory_space<semaphore_mem>>)
      %dma_wait3A = arith.constant 0 : i32
      %dma_wait3A_56 = tpu.memref_slice %arg2[%add3A, %run_scoped3A_37, %dma_wait3A] : memref<32x2x5120xi32, #tpu.memory_space<hbm>> -> memref<1x1x5120xi32, #tpu.memory_space<hbm>>
      %dma_wait3A_57 = tpu.memref_squeeze %dma_wait3A_56 : memref<1x1x5120xi32, #tpu.memory_space<hbm>> -> memref<5120xi32, #tpu.memory_space<hbm>>
      %dma_wait3A_58 = arith.constant 0 : i32
      %dma_wait3A_59 = tpu.memref_slice %arg2[%add3A, %run_scoped3A_37, %dma_wait3A_58] : memref<32x2x5120xi32, #tpu.memory_space<hbm>> -> memref<1x1x5120xi32, #tpu.memory_space<hbm>>
      %dma_wait3A_60 = tpu.memref_squeeze %dma_wait3A_59 : memref<1x1x5120xi32, #tpu.memory_space<hbm>> -> memref<5120xi32, #tpu.memory_space<hbm>>
      tpu.wait_dma2 semaphore(%run_scoped3A_50 : memref<!tpu.dma_semaphore, #tpu.memory_space<semaphore_mem>>) src(%dma_wait3A_60 : memref<5120xi32, #tpu.memory_space<hbm>>) dst(%arg5 : memref<5120xi32, #tpu.memory_space<vmem>>)
      tpu.yield
    }) : () -> ()
    %scan3A_38 = arith.constant 0 : i32
    %scan3A_39 = arith.constant 0 : i32
    %scan3A_40 = arith.constant 80 : i32
    %scan3A_41 = arith.addi %scan3A_39, %scan3A_40 : i32
    %scan3A_42 = arith.constant 1 : i32
    scf.for %scan3A_50 = %scan3A_39 to %scan3A_41 step %scan3A_42  : i32 {
      %mul3A_51 = arith.constant 4 : i32
      %mul3A_52 = arith.muli %scan3A_50, %mul3A_51 : i32
      %add3A_53 = arith.constant 0 : i32
      %add3A_54 = arith.addi %mul3A_52, %add3A_53 : i32
      %mul3A_55 = arith.constant 16 : i32
      %mul3A_56 = arith.muli %add3A_54, %mul3A_55 : i32
      %get3A = arith.index_cast %mul3A_56 : i32 to index
      %get3A_57 = tpu.vector_load %arg5[%get3A] {strides = array<i32>} : memref<5120xi32, #tpu.memory_space<vmem>>, vector<16xi32>,
      %shift_right_logical3A = arith.constant 7 : i32
      %shift_right_logical3A_58 = vector.broadcast %shift_right_logical3A : i32 to vector<16xi32>
      %shift_right_logical3A_59 = arith.shrui %get3A_57, %shift_right_logical3A_58 : vector<16xi32>
      %and3A = arith.constant 127 : i32
      %and3A_60 = vector.broadcast %and3A : i32 to vector<16xi32>
      %and3A_61 = arith.andi %get3A_57, %and3A_60 : vector<16xi32>
      tpu.vector_store_idx %arg6[%shift_right_logical3A_59, %and3A_61], %broadcast_in_dim3A_1 {add = true} : memref<80x128xf32, #tpu.memory_space<vmem>>[vector<16xi32>, vector<16xi32>], vector<16xf32>,
      %mul3A_62 = arith.constant 4 : i32
      %mul3A_63 = arith.muli %scan3A_50, %mul3A_62 : i32
      %add3A_64 = arith.constant 1 : i32
      %add3A_65 = arith.addi %mul3A_63, %add3A_64 : i32
      %mul3A_66 = arith.constant 16 : i32
      %mul3A_67 = arith.muli %add3A_65, %mul3A_66 : i32
      %get3A_68 = arith.index_cast %mul3A_67 : i32 to index
      %get3A_69 = tpu.vector_load %arg5[%get3A_68] {strides = array<i32>} : memref<5120xi32, #tpu.memory_space<vmem>>, vector<16xi32>,
      %shift_right_logical3A_70 = arith.constant 7 : i32
      %shift_right_logical3A_71 = vector.broadcast %shift_right_logical3A_70 : i32 to vector<16xi32>
      %shift_right_logical3A_72 = arith.shrui %get3A_69, %shift_right_logical3A_71 : vector<16xi32>
      %and3A_73 = arith.constant 127 : i32
      %and3A_74 = vector.broadcast %and3A_73 : i32 to vector<16xi32>
      %and3A_75 = arith.andi %get3A_69, %and3A_74 : vector<16xi32>
      tpu.vector_store_idx %arg6[%shift_right_logical3A_72, %and3A_75], %broadcast_in_dim3A_1 {add = true} : memref<80x128xf32, #tpu.memory_space<vmem>>[vector<16xi32>, vector<16xi32>], vector<16xf32>,
      %mul3A_76 = arith.constant 4 : i32
      %mul3A_77 = arith.muli %scan3A_50, %mul3A_76 : i32
      %add3A_78 = arith.constant 2 : i32
      %add3A_79 = arith.addi %mul3A_77, %add3A_78 : i32
      %mul3A_80 = arith.constant 16 : i32
      %mul3A_81 = arith.muli %add3A_79, %mul3A_80 : i32
      %get3A_82 = arith.index_cast %mul3A_81 : i32 to index
      %get3A_83 = tpu.vector_load %arg5[%get3A_82] {strides = array<i32>} : memref<5120xi32, #tpu.memory_space<vmem>>, vector<16xi32>,
      %shift_right_logical3A_84 = arith.constant 7 : i32
      %shift_right_logical3A_85 = vector.broadcast %shift_right_logical3A_84 : i32 to vector<16xi32>
      %shift_right_logical3A_86 = arith.shrui %get3A_83, %shift_right_logical3A_85 : vector<16xi32>
      %and3A_87 = arith.constant 127 : i32
      %and3A_88 = vector.broadcast %and3A_87 : i32 to vector<16xi32>
      %and3A_89 = arith.andi %get3A_83, %and3A_88 : vector<16xi32>
      tpu.vector_store_idx %arg6[%shift_right_logical3A_86, %and3A_89], %broadcast_in_dim3A_1 {add = true} : memref<80x128xf32, #tpu.memory_space<vmem>>[vector<16xi32>, vector<16xi32>], vector<16xf32>,
      %mul3A_90 = arith.constant 4 : i32
      %mul3A_91 = arith.muli %scan3A_50, %mul3A_90 : i32
      %add3A_92 = arith.constant 3 : i32
      %add3A_93 = arith.addi %mul3A_91, %add3A_92 : i32
      %mul3A_94 = arith.constant 16 : i32
      %mul3A_95 = arith.muli %add3A_93, %mul3A_94 : i32
      %get3A_96 = arith.index_cast %mul3A_95 : i32 to index
      %get3A_97 = tpu.vector_load %arg5[%get3A_96] {strides = array<i32>} : memref<5120xi32, #tpu.memory_space<vmem>>, vector<16xi32>,
      %shift_right_logical3A_98 = arith.constant 7 : i32
      %shift_right_logical3A_99 = vector.broadcast %shift_right_logical3A_98 : i32 to vector<16xi32>
      %shift_right_logical3A_100 = arith.shrui %get3A_97, %shift_right_logical3A_99 : vector<16xi32>
      %and3A_101 = arith.constant 127 : i32
      %and3A_102 = vector.broadcast %and3A_101 : i32 to vector<16xi32>
      %and3A_103 = arith.andi %get3A_97, %and3A_102 : vector<16xi32>
      tpu.vector_store_idx %arg6[%shift_right_logical3A_100, %and3A_103], %broadcast_in_dim3A_1 {add = true} : memref<80x128xf32, #tpu.memory_space<vmem>>[vector<16xi32>, vector<16xi32>], vector<16xf32>,
    }
    %scan3A_43 = arith.constant 80 : i32
    "tpu.region"() ({
      %run_scoped3A_50 = tpu.sem_alloc : memref<!tpu.dma_semaphore, #tpu.memory_space<semaphore_mem>>
      %dma_start3A = arith.constant 0 : i32
      %dma_start3A_51 = arith.constant 0 : i32
      %dma_start3A_52 = tpu.memref_slice %arg8[%dma_start3A, %dma_start3A_51] : memref<80x128xf32, #tpu.memory_space<vmem_shared>> -> memref<80x128xf32, #tpu.memory_space<vmem_shared>>
      tpu.enqueue_indirect_dma source(%arg6 : memref<80x128xf32, #tpu.memory_space<vmem>>) target(%dma_start3A_52 : memref<80x128xf32, #tpu.memory_space<vmem_shared>>) offsets(%arg7 : memref<80xi32, #tpu.memory_space<vmem>>) semaphore(%run_scoped3A_50 : memref<!tpu.dma_semaphore, #tpu.memory_space<semaphore_mem>>) {add = true}
      %dma_wait3A = arith.constant 0 : i32
      %dma_wait3A_53 = arith.constant 0 : i32
      %dma_wait3A_54 = tpu.memref_slice %arg8[%dma_wait3A, %dma_wait3A_53] : memref<80x128xf32, #tpu.memory_space<vmem_shared>> -> memref<80x128xf32, #tpu.memory_space<vmem_shared>>
      tpu.wait_indirect_dma semaphore(%run_scoped3A_50 : memref<!tpu.dma_semaphore, #tpu.memory_space<semaphore_mem>>) src(%arg6 : memref<80x128xf32, #tpu.memory_space<vmem>>) dst(%dma_wait3A_54 : memref<80x128xf32, #tpu.memory_space<vmem_shared>>)
      tpu.yield
    }) : () -> ()
    %barrier3A_44 = arith.constant 0 : index
    tpu.barrier barrier_id(%barrier3A_44)
    %eq3A_45 = arith.constant 0 : i32
    %eq3A_46 = arith.cmpi eq, %arg1, %eq3A_45 : i32
    %convert_element_type3A_47 = arith.extui %eq3A_46 : i1 to i32
    %cond3A_48 = arith.constant 0 : i32
    %cond3A_49 = arith.cmpi ne, %convert_element_type3A_47, %cond3A_48 : i32
    scf.if %cond3A_49 {
      "tpu.region"() ({
        %run_scoped3A_50 = tpu.sem_alloc : memref<!tpu.dma_semaphore, #tpu.memory_space<semaphore_mem>>
        %dma_start3A = arith.constant 0 : i32
        %dma_start3A_51 = arith.constant 0 : i32
        %dma_start3A_52 = tpu.memref_slice %arg4[%arg0, %dma_start3A, %dma_start3A_51] : memref<2x80x128xf32, #tpu.memory_space<hbm>> -> memref<1x80x128xf32, #tpu.memory_space<hbm>>
        %dma_start3A_53 = tpu.memref_squeeze %dma_start3A_52 : memref<1x80x128xf32, #tpu.memory_space<hbm>> -> memref<80x128xf32, #tpu.memory_space<hbm>>
        tpu.enqueue_dma source(%arg8 : memref<80x128xf32, #tpu.memory_space<vmem_shared>>) target(%dma_start3A_53 : memref<80x128xf32, #tpu.memory_space<hbm>>) target_semaphore(%run_scoped3A_50 : memref<!tpu.dma_semaphore, #tpu.memory_space<semaphore_mem>>)
        %dma_wait3A = arith.constant 0 : i32
        %dma_wait3A_54 = arith.constant 0 : i32
        %dma_wait3A_55 = tpu.memref_slice %arg4[%arg0, %dma_wait3A, %dma_wait3A_54] : memref<2x80x128xf32, #tpu.memory_space<hbm>> -> memref<1x80x128xf32, #tpu.memory_space<hbm>>
        %dma_wait3A_56 = tpu.memref_squeeze %dma_wait3A_55 : memref<1x80x128xf32, #tpu.memory_space<hbm>> -> memref<80x128xf32, #tpu.memory_space<hbm>>
        tpu.wait_dma2 semaphore(%run_scoped3A_50 : memref<!tpu.dma_semaphore, #tpu.memory_space<semaphore_mem>>) src(%arg8 : memref<80x128xf32, #tpu.memory_space<vmem_shared>>) dst(%dma_wait3A_56 : memref<80x128xf32, #tpu.memory_space<hbm>>)
        tpu.yield
      }) : () -> ()
    } else {
    }
    return
  }
}

#map = affine_map<(d0, d1) -> (0, 0)>
#map1 = affine_map<(d0, d1) -> (0, 0, 0)>
#map2 = affine_map<(d0, d1) -> (0, 0, 0, 0)>
module attributes {stable_mosaic.version = 14 : i64} {
  func.func @_edge_body(%arg0: i32, %arg1: i32, %arg2: memref<10000x128xf32, #tpu.memory_space<hbm>>, %arg3: memref<32x2x5120xi32, #tpu.memory_space<hbm>>, %arg4: memref<32x2x40x128xi32, #tpu.memory_space<hbm>>, %arg5: memref<10112x128xf32, #tpu.memory_space<hbm>>, %arg6: memref<2x10112x128xf32, #tpu.memory_space<hbm>>, %arg7: memref<5120xi32, #tpu.memory_space<vmem>>, %arg8: memref<40x128xi32, #tpu.memory_space<vmem>>, %arg9: memref<128x128xf32, #tpu.memory_space<vmem>>, %arg10: memref<128x128xf32, #tpu.memory_space<vmem>>, %arg11: memref<10112x128xf32, #tpu.memory_space<vmem_shared>>, %arg12: memref<!tpu.dma_semaphore, #tpu.memory_space<semaphore_mem>>, %arg13: memref<!tpu.dma_semaphore, #tpu.memory_space<semaphore_mem>>, %arg14: memref<!tpu.dma_semaphore, #tpu.memory_space<semaphore_mem>>) attributes {dimension_semantics = [#tpu.dimension_semantics<core_parallel>, #tpu.dimension_semantics<subcore_parallel>], iteration_bounds = array<i64: 2, 16>, scalar_prefetch = 0 : i64, scratch_operands = 8 : i64, tpu.core_type = #tpu.core_type<sc_vector_subcore>, window_params = [{transform_indices = #map}, {transform_indices = #map1}, {transform_indices = #map2}, {transform_indices = #map}, {transform_indices = #map1}]} {
    %mul3A = arith.constant 16 : i32
    %mul3A_0 = arith.muli %arg0, %mul3A : i32
    %add3A = arith.addi %mul3A_0, %arg1 : i32
    %mul3A_1 = arith.constant 632 : i32
    %mul3A_2 = arith.muli %arg1, %mul3A_1 : i32
    %dma_start3A = arith.constant 0 : i32
    %dma_start3A_3 = tpu.memref_slice %arg11[%mul3A_2, %dma_start3A] : memref<10112x128xf32, #tpu.memory_space<vmem_shared>> -> memref<632x128xf32, #tpu.memory_space<vmem_shared>>
    %dma_start3A_4 = arith.constant 0 : i32
    %dma_start3A_5 = tpu.memref_slice %arg5[%mul3A_2, %dma_start3A_4] : memref<10112x128xf32, #tpu.memory_space<hbm>> -> memref<632x128xf32, #tpu.memory_space<hbm>>
    tpu.enqueue_dma source(%dma_start3A_5 : memref<632x128xf32, #tpu.memory_space<hbm>>) target(%dma_start3A_3 : memref<632x128xf32, #tpu.memory_space<vmem_shared>>) target_semaphore(%arg14 : memref<!tpu.dma_semaphore, #tpu.memory_space<semaphore_mem>>)
    %run_scoped3A = arith.constant 0 : i32
    "tpu.region"() ({
      %run_scoped3A_68 = tpu.sem_alloc : memref<!tpu.dma_semaphore, #tpu.memory_space<semaphore_mem>>
      %dma_start3A_69 = arith.constant 0 : i32
      %dma_start3A_70 = tpu.memref_slice %arg3[%add3A, %run_scoped3A, %dma_start3A_69] : memref<32x2x5120xi32, #tpu.memory_space<hbm>> -> memref<1x1x5120xi32, #tpu.memory_space<hbm>>
      %dma_start3A_71 = tpu.memref_squeeze %dma_start3A_70 : memref<1x1x5120xi32, #tpu.memory_space<hbm>> -> memref<5120xi32, #tpu.memory_space<hbm>>
      %dma_start3A_72 = arith.constant 0 : i32
      %dma_start3A_73 = tpu.memref_slice %arg3[%add3A, %run_scoped3A, %dma_start3A_72] : memref<32x2x5120xi32, #tpu.memory_space<hbm>> -> memref<1x1x5120xi32, #tpu.memory_space<hbm>>
      %dma_start3A_74 = tpu.memref_squeeze %dma_start3A_73 : memref<1x1x5120xi32, #tpu.memory_space<hbm>> -> memref<5120xi32, #tpu.memory_space<hbm>>
      tpu.enqueue_dma source(%dma_start3A_74 : memref<5120xi32, #tpu.memory_space<hbm>>) target(%arg7 : memref<5120xi32, #tpu.memory_space<vmem>>) target_semaphore(%run_scoped3A_68 : memref<!tpu.dma_semaphore, #tpu.memory_space<semaphore_mem>>)
      %dma_wait3A_75 = arith.constant 0 : i32
      %dma_wait3A_76 = tpu.memref_slice %arg3[%add3A, %run_scoped3A, %dma_wait3A_75] : memref<32x2x5120xi32, #tpu.memory_space<hbm>> -> memref<1x1x5120xi32, #tpu.memory_space<hbm>>
      %dma_wait3A_77 = tpu.memref_squeeze %dma_wait3A_76 : memref<1x1x5120xi32, #tpu.memory_space<hbm>> -> memref<5120xi32, #tpu.memory_space<hbm>>
      %dma_wait3A_78 = arith.constant 0 : i32
      %dma_wait3A_79 = tpu.memref_slice %arg3[%add3A, %run_scoped3A, %dma_wait3A_78] : memref<32x2x5120xi32, #tpu.memory_space<hbm>> -> memref<1x1x5120xi32, #tpu.memory_space<hbm>>
      %dma_wait3A_80 = tpu.memref_squeeze %dma_wait3A_79 : memref<1x1x5120xi32, #tpu.memory_space<hbm>> -> memref<5120xi32, #tpu.memory_space<hbm>>
      tpu.wait_dma2 semaphore(%run_scoped3A_68 : memref<!tpu.dma_semaphore, #tpu.memory_space<semaphore_mem>>) src(%dma_wait3A_80 : memref<5120xi32, #tpu.memory_space<hbm>>) dst(%arg7 : memref<5120xi32, #tpu.memory_space<vmem>>)
      tpu.yield
    }) : () -> ()
    %run_scoped3A_6 = arith.constant 0 : i32
    "tpu.region"() ({
      %run_scoped3A_68 = tpu.sem_alloc : memref<!tpu.dma_semaphore, #tpu.memory_space<semaphore_mem>>
      %dma_start3A_69 = arith.constant 0 : i32
      %dma_start3A_70 = arith.constant 0 : i32
      %dma_start3A_71 = tpu.memref_slice %arg4[%add3A, %run_scoped3A_6, %dma_start3A_69, %dma_start3A_70] : memref<32x2x40x128xi32, #tpu.memory_space<hbm>> -> memref<1x1x40x128xi32, #tpu.memory_space<hbm>>
      %dma_start3A_72 = tpu.memref_squeeze %dma_start3A_71 : memref<1x1x40x128xi32, #tpu.memory_space<hbm>> -> memref<40x128xi32, #tpu.memory_space<hbm>>
      %dma_start3A_73 = arith.constant 0 : i32
      %dma_start3A_74 = arith.constant 0 : i32
      %dma_start3A_75 = tpu.memref_slice %arg4[%add3A, %run_scoped3A_6, %dma_start3A_73, %dma_start3A_74] : memref<32x2x40x128xi32, #tpu.memory_space<hbm>> -> memref<1x1x40x128xi32, #tpu.memory_space<hbm>>
      %dma_start3A_76 = tpu.memref_squeeze %dma_start3A_75 : memref<1x1x40x128xi32, #tpu.memory_space<hbm>> -> memref<40x128xi32, #tpu.memory_space<hbm>>
      tpu.enqueue_dma source(%dma_start3A_76 : memref<40x128xi32, #tpu.memory_space<hbm>>) target(%arg8 : memref<40x128xi32, #tpu.memory_space<vmem>>) target_semaphore(%run_scoped3A_68 : memref<!tpu.dma_semaphore, #tpu.memory_space<semaphore_mem>>)
      %dma_wait3A_77 = arith.constant 0 : i32
      %dma_wait3A_78 = arith.constant 0 : i32
      %dma_wait3A_79 = tpu.memref_slice %arg4[%add3A, %run_scoped3A_6, %dma_wait3A_77, %dma_wait3A_78] : memref<32x2x40x128xi32, #tpu.memory_space<hbm>> -> memref<1x1x40x128xi32, #tpu.memory_space<hbm>>
      %dma_wait3A_80 = tpu.memref_squeeze %dma_wait3A_79 : memref<1x1x40x128xi32, #tpu.memory_space<hbm>> -> memref<40x128xi32, #tpu.memory_space<hbm>>
      %dma_wait3A_81 = arith.constant 0 : i32
      %dma_wait3A_82 = arith.constant 0 : i32
      %dma_wait3A_83 = tpu.memref_slice %arg4[%add3A, %run_scoped3A_6, %dma_wait3A_81, %dma_wait3A_82] : memref<32x2x40x128xi32, #tpu.memory_space<hbm>> -> memref<1x1x40x128xi32, #tpu.memory_space<hbm>>
      %dma_wait3A_84 = tpu.memref_squeeze %dma_wait3A_83 : memref<1x1x40x128xi32, #tpu.memory_space<hbm>> -> memref<40x128xi32, #tpu.memory_space<hbm>>
      tpu.wait_dma2 semaphore(%run_scoped3A_68 : memref<!tpu.dma_semaphore, #tpu.memory_space<semaphore_mem>>) src(%dma_wait3A_84 : memref<40x128xi32, #tpu.memory_space<hbm>>) dst(%arg8 : memref<40x128xi32, #tpu.memory_space<vmem>>)
      tpu.yield
    }) : () -> ()
    %dma_wait3A = arith.constant 0 : i32
    %dma_wait3A_7 = tpu.memref_slice %arg11[%mul3A_2, %dma_wait3A] : memref<10112x128xf32, #tpu.memory_space<vmem_shared>> -> memref<632x128xf32, #tpu.memory_space<vmem_shared>>
    %dma_wait3A_8 = arith.constant 0 : i32
    %dma_wait3A_9 = tpu.memref_slice %arg5[%mul3A_2, %dma_wait3A_8] : memref<10112x128xf32, #tpu.memory_space<hbm>> -> memref<632x128xf32, #tpu.memory_space<hbm>>
    tpu.wait_dma2 semaphore(%arg14 : memref<!tpu.dma_semaphore, #tpu.memory_space<semaphore_mem>>) src(%dma_wait3A_9 : memref<632x128xf32, #tpu.memory_space<hbm>>) dst(%dma_wait3A_7 : memref<632x128xf32, #tpu.memory_space<vmem_shared>>)
    %barrier3A = arith.constant 0 : index
    tpu.barrier barrier_id(%barrier3A)
    %dma_start3A_10 = arith.constant 0 : i32
    %dma_start3A_11 = tpu.memref_slice %arg7[%dma_start3A_10] : memref<5120xi32, #tpu.memory_space<vmem>> -> memref<128xi32, #tpu.memory_space<vmem>>
    %dma_start3A_12 = arith.constant 0 : i32
    %dma_start3A_13 = arith.constant 0 : i32
    %dma_start3A_14 = tpu.memref_slice %arg2[%dma_start3A_12, %dma_start3A_13] : memref<10000x128xf32, #tpu.memory_space<hbm>> -> memref<10000x128xf32, #tpu.memory_space<hbm>>
    tpu.enqueue_indirect_dma source(%dma_start3A_14 : memref<10000x128xf32, #tpu.memory_space<hbm>>) target(%arg9 : memref<128x128xf32, #tpu.memory_space<vmem>>) offsets(%dma_start3A_11 : memref<128xi32, #tpu.memory_space<vmem>>) semaphore(%arg12 : memref<!tpu.dma_semaphore, #tpu.memory_space<semaphore_mem>>)
    %dma_start3A_15 = arith.constant 128 : i32
    %dma_start3A_16 = tpu.memref_slice %arg7[%dma_start3A_15] : memref<5120xi32, #tpu.memory_space<vmem>> -> memref<128xi32, #tpu.memory_space<vmem>>
    %dma_start3A_17 = arith.constant 0 : i32
    %dma_start3A_18 = arith.constant 0 : i32
    %dma_start3A_19 = tpu.memref_slice %arg2[%dma_start3A_17, %dma_start3A_18] : memref<10000x128xf32, #tpu.memory_space<hbm>> -> memref<10000x128xf32, #tpu.memory_space<hbm>>
    tpu.enqueue_indirect_dma source(%dma_start3A_19 : memref<10000x128xf32, #tpu.memory_space<hbm>>) target(%arg10 : memref<128x128xf32, #tpu.memory_space<vmem>>) offsets(%dma_start3A_16 : memref<128xi32, #tpu.memory_space<vmem>>) semaphore(%arg13 : memref<!tpu.dma_semaphore, #tpu.memory_space<semaphore_mem>>)
    %scan3A = arith.constant 0 : i32
    %scan3A_20 = arith.constant 0 : i32
    %scan3A_21 = arith.constant 19 : i32
    %scan3A_22 = arith.addi %scan3A_20, %scan3A_21 : i32
    %scan3A_23 = arith.constant 1 : i32
    scf.for %scan3A_68 = %scan3A_20 to %scan3A_22 step %scan3A_23  : i32 {
      %mul3A_69 = arith.constant 2 : i32
      %mul3A_70 = arith.muli %mul3A_69, %scan3A_68 : i32
      %mul3A_71 = arith.constant 128 : i32
      %mul3A_72 = arith.muli %mul3A_70, %mul3A_71 : i32
      %dma_wait3A_73 = tpu.memref_slice %arg7[%mul3A_72] : memref<5120xi32, #tpu.memory_space<vmem>> -> memref<128xi32, #tpu.memory_space<vmem>>
      %dma_wait3A_74 = arith.constant 0 : i32
      %dma_wait3A_75 = arith.constant 0 : i32
      %dma_wait3A_76 = tpu.memref_slice %arg2[%dma_wait3A_74, %dma_wait3A_75] : memref<10000x128xf32, #tpu.memory_space<hbm>> -> memref<10000x128xf32, #tpu.memory_space<hbm>>
      tpu.wait_indirect_dma semaphore(%arg12 : memref<!tpu.dma_semaphore, #tpu.memory_space<semaphore_mem>>) src(%dma_wait3A_76 : memref<10000x128xf32, #tpu.memory_space<hbm>>) dst(%arg9 : memref<128x128xf32, #tpu.memory_space<vmem>>)
      "tpu.region"() ({
        %run_scoped3A_103 = tpu.sem_alloc : memref<!tpu.dma_semaphore, #tpu.memory_space<semaphore_mem>>
        %dma_start3A_104 = arith.constant 0 : i32
        %dma_start3A_105 = tpu.memref_slice %arg8[%mul3A_70, %dma_start3A_104] : memref<40x128xi32, #tpu.memory_space<vmem>> -> memref<1x128xi32, #tpu.memory_space<vmem>>
        %dma_start3A_106 = tpu.memref_squeeze %dma_start3A_105 : memref<1x128xi32, #tpu.memory_space<vmem>> -> memref<128xi32, #tpu.memory_space<vmem>>
        %dma_start3A_107 = arith.constant 0 : i32
        %dma_start3A_108 = arith.constant 0 : i32
        %dma_start3A_109 = tpu.memref_slice %arg11[%dma_start3A_107, %dma_start3A_108] : memref<10112x128xf32, #tpu.memory_space<vmem_shared>> -> memref<10112x128xf32, #tpu.memory_space<vmem_shared>>
        tpu.enqueue_indirect_dma source(%arg9 : memref<128x128xf32, #tpu.memory_space<vmem>>) target(%dma_start3A_109 : memref<10112x128xf32, #tpu.memory_space<vmem_shared>>) offsets(%dma_start3A_106 : memref<128xi32, #tpu.memory_space<vmem>>) semaphore(%run_scoped3A_103 : memref<!tpu.dma_semaphore, #tpu.memory_space<semaphore_mem>>) {add = true}
        %dma_wait3A_110 = arith.constant 0 : i32
        %dma_wait3A_111 = tpu.memref_slice %arg8[%mul3A_70, %dma_wait3A_110] : memref<40x128xi32, #tpu.memory_space<vmem>> -> memref<1x128xi32, #tpu.memory_space<vmem>>
        %dma_wait3A_112 = tpu.memref_squeeze %dma_wait3A_111 : memref<1x128xi32, #tpu.memory_space<vmem>> -> memref<128xi32, #tpu.memory_space<vmem>>
        %dma_wait3A_113 = arith.constant 0 : i32
        %dma_wait3A_114 = arith.constant 0 : i32
        %dma_wait3A_115 = tpu.memref_slice %arg11[%dma_wait3A_113, %dma_wait3A_114] : memref<10112x128xf32, #tpu.memory_space<vmem_shared>> -> memref<10112x128xf32, #tpu.memory_space<vmem_shared>>
        tpu.wait_indirect_dma semaphore(%run_scoped3A_103 : memref<!tpu.dma_semaphore, #tpu.memory_space<semaphore_mem>>) src(%arg9 : memref<128x128xf32, #tpu.memory_space<vmem>>) dst(%dma_wait3A_115 : memref<10112x128xf32, #tpu.memory_space<vmem_shared>>)
        tpu.yield
      }) : () -> ()
      %add3A_77 = arith.constant 2 : i32
      %add3A_78 = arith.addi %mul3A_70, %add3A_77 : i32
      %mul3A_79 = arith.constant 128 : i32
      %mul3A_80 = arith.muli %add3A_78, %mul3A_79 : i32
      %dma_start3A_81 = tpu.memref_slice %arg7[%mul3A_80] : memref<5120xi32, #tpu.memory_space<vmem>> -> memref<128xi32, #tpu.memory_space<vmem>>
      %dma_start3A_82 = arith.constant 0 : i32
      %dma_start3A_83 = arith.constant 0 : i32
      %dma_start3A_84 = tpu.memref_slice %arg2[%dma_start3A_82, %dma_start3A_83] : memref<10000x128xf32, #tpu.memory_space<hbm>> -> memref<10000x128xf32, #tpu.memory_space<hbm>>
      tpu.enqueue_indirect_dma source(%dma_start3A_84 : memref<10000x128xf32, #tpu.memory_space<hbm>>) target(%arg9 : memref<128x128xf32, #tpu.memory_space<vmem>>) offsets(%dma_start3A_81 : memref<128xi32, #tpu.memory_space<vmem>>) semaphore(%arg12 : memref<!tpu.dma_semaphore, #tpu.memory_space<semaphore_mem>>)
      %add3A_85 = arith.constant 1 : i32
      %add3A_86 = arith.addi %mul3A_70, %add3A_85 : i32
      %mul3A_87 = arith.constant 128 : i32
      %mul3A_88 = arith.muli %add3A_86, %mul3A_87 : i32
      %dma_wait3A_89 = tpu.memref_slice %arg7[%mul3A_88] : memref<5120xi32, #tpu.memory_space<vmem>> -> memref<128xi32, #tpu.memory_space<vmem>>
      %dma_wait3A_90 = arith.constant 0 : i32
      %dma_wait3A_91 = arith.constant 0 : i32
      %dma_wait3A_92 = tpu.memref_slice %arg2[%dma_wait3A_90, %dma_wait3A_91] : memref<10000x128xf32, #tpu.memory_space<hbm>> -> memref<10000x128xf32, #tpu.memory_space<hbm>>
      tpu.wait_indirect_dma semaphore(%arg13 : memref<!tpu.dma_semaphore, #tpu.memory_space<semaphore_mem>>) src(%dma_wait3A_92 : memref<10000x128xf32, #tpu.memory_space<hbm>>) dst(%arg10 : memref<128x128xf32, #tpu.memory_space<vmem>>)
      %add3A_93 = arith.constant 1 : i32
      %add3A_94 = arith.addi %mul3A_70, %add3A_93 : i32
      "tpu.region"() ({
        %run_scoped3A_103 = tpu.sem_alloc : memref<!tpu.dma_semaphore, #tpu.memory_space<semaphore_mem>>
        %dma_start3A_104 = arith.constant 0 : i32
        %dma_start3A_105 = tpu.memref_slice %arg8[%add3A_94, %dma_start3A_104] : memref<40x128xi32, #tpu.memory_space<vmem>> -> memref<1x128xi32, #tpu.memory_space<vmem>>
        %dma_start3A_106 = tpu.memref_squeeze %dma_start3A_105 : memref<1x128xi32, #tpu.memory_space<vmem>> -> memref<128xi32, #tpu.memory_space<vmem>>
        %dma_start3A_107 = arith.constant 0 : i32
        %dma_start3A_108 = arith.constant 0 : i32
        %dma_start3A_109 = tpu.memref_slice %arg11[%dma_start3A_107, %dma_start3A_108] : memref<10112x128xf32, #tpu.memory_space<vmem_shared>> -> memref<10112x128xf32, #tpu.memory_space<vmem_shared>>
        tpu.enqueue_indirect_dma source(%arg10 : memref<128x128xf32, #tpu.memory_space<vmem>>) target(%dma_start3A_109 : memref<10112x128xf32, #tpu.memory_space<vmem_shared>>) offsets(%dma_start3A_106 : memref<128xi32, #tpu.memory_space<vmem>>) semaphore(%run_scoped3A_103 : memref<!tpu.dma_semaphore, #tpu.memory_space<semaphore_mem>>) {add = true}
        %dma_wait3A_110 = arith.constant 0 : i32
        %dma_wait3A_111 = tpu.memref_slice %arg8[%add3A_94, %dma_wait3A_110] : memref<40x128xi32, #tpu.memory_space<vmem>> -> memref<1x128xi32, #tpu.memory_space<vmem>>
        %dma_wait3A_112 = tpu.memref_squeeze %dma_wait3A_111 : memref<1x128xi32, #tpu.memory_space<vmem>> -> memref<128xi32, #tpu.memory_space<vmem>>
        %dma_wait3A_113 = arith.constant 0 : i32
        %dma_wait3A_114 = arith.constant 0 : i32
        %dma_wait3A_115 = tpu.memref_slice %arg11[%dma_wait3A_113, %dma_wait3A_114] : memref<10112x128xf32, #tpu.memory_space<vmem_shared>> -> memref<10112x128xf32, #tpu.memory_space<vmem_shared>>
        tpu.wait_indirect_dma semaphore(%run_scoped3A_103 : memref<!tpu.dma_semaphore, #tpu.memory_space<semaphore_mem>>) src(%arg10 : memref<128x128xf32, #tpu.memory_space<vmem>>) dst(%dma_wait3A_115 : memref<10112x128xf32, #tpu.memory_space<vmem_shared>>)
        tpu.yield
      }) : () -> ()
      %add3A_95 = arith.constant 3 : i32
      %add3A_96 = arith.addi %mul3A_70, %add3A_95 : i32
      %mul3A_97 = arith.constant 128 : i32
      %mul3A_98 = arith.muli %add3A_96, %mul3A_97 : i32
      %dma_start3A_99 = tpu.memref_slice %arg7[%mul3A_98] : memref<5120xi32, #tpu.memory_space<vmem>> -> memref<128xi32, #tpu.memory_space<vmem>>
      %dma_start3A_100 = arith.constant 0 : i32
      %dma_start3A_101 = arith.constant 0 : i32
      %dma_start3A_102 = tpu.memref_slice %arg2[%dma_start3A_100, %dma_start3A_101] : memref<10000x128xf32, #tpu.memory_space<hbm>> -> memref<10000x128xf32, #tpu.memory_space<hbm>>
      tpu.enqueue_indirect_dma source(%dma_start3A_102 : memref<10000x128xf32, #tpu.memory_space<hbm>>) target(%arg10 : memref<128x128xf32, #tpu.memory_space<vmem>>) offsets(%dma_start3A_99 : memref<128xi32, #tpu.memory_space<vmem>>) semaphore(%arg13 : memref<!tpu.dma_semaphore, #tpu.memory_space<semaphore_mem>>)
    }
    %scan3A_24 = arith.constant 19 : i32
    %dma_wait3A_25 = arith.constant 4864 : i32
    %dma_wait3A_26 = tpu.memref_slice %arg7[%dma_wait3A_25] : memref<5120xi32, #tpu.memory_space<vmem>> -> memref<128xi32, #tpu.memory_space<vmem>>
    %dma_wait3A_27 = arith.constant 0 : i32
    %dma_wait3A_28 = arith.constant 0 : i32
    %dma_wait3A_29 = tpu.memref_slice %arg2[%dma_wait3A_27, %dma_wait3A_28] : memref<10000x128xf32, #tpu.memory_space<hbm>> -> memref<10000x128xf32, #tpu.memory_space<hbm>>
    tpu.wait_indirect_dma semaphore(%arg12 : memref<!tpu.dma_semaphore, #tpu.memory_space<semaphore_mem>>) src(%dma_wait3A_29 : memref<10000x128xf32, #tpu.memory_space<hbm>>) dst(%arg9 : memref<128x128xf32, #tpu.memory_space<vmem>>)
    %run_scoped3A_30 = arith.constant 38 : i32
    "tpu.region"() ({
      %run_scoped3A_68 = tpu.sem_alloc : memref<!tpu.dma_semaphore, #tpu.memory_space<semaphore_mem>>
      %dma_start3A_69 = arith.constant 0 : i32
      %dma_start3A_70 = tpu.memref_slice %arg8[%run_scoped3A_30, %dma_start3A_69] : memref<40x128xi32, #tpu.memory_space<vmem>> -> memref<1x128xi32, #tpu.memory_space<vmem>>
      %dma_start3A_71 = tpu.memref_squeeze %dma_start3A_70 : memref<1x128xi32, #tpu.memory_space<vmem>> -> memref<128xi32, #tpu.memory_space<vmem>>
      %dma_start3A_72 = arith.constant 0 : i32
      %dma_start3A_73 = arith.constant 0 : i32
      %dma_start3A_74 = tpu.memref_slice %arg11[%dma_start3A_72, %dma_start3A_73] : memref<10112x128xf32, #tpu.memory_space<vmem_shared>> -> memref<10112x128xf32, #tpu.memory_space<vmem_shared>>
      tpu.enqueue_indirect_dma source(%arg9 : memref<128x128xf32, #tpu.memory_space<vmem>>) target(%dma_start3A_74 : memref<10112x128xf32, #tpu.memory_space<vmem_shared>>) offsets(%dma_start3A_71 : memref<128xi32, #tpu.memory_space<vmem>>) semaphore(%run_scoped3A_68 : memref<!tpu.dma_semaphore, #tpu.memory_space<semaphore_mem>>) {add = true}
      %dma_wait3A_75 = arith.constant 0 : i32
      %dma_wait3A_76 = tpu.memref_slice %arg8[%run_scoped3A_30, %dma_wait3A_75] : memref<40x128xi32, #tpu.memory_space<vmem>> -> memref<1x128xi32, #tpu.memory_space<vmem>>
      %dma_wait3A_77 = tpu.memref_squeeze %dma_wait3A_76 : memref<1x128xi32, #tpu.memory_space<vmem>> -> memref<128xi32, #tpu.memory_space<vmem>>
      %dma_wait3A_78 = arith.constant 0 : i32
      %dma_wait3A_79 = arith.constant 0 : i32
      %dma_wait3A_80 = tpu.memref_slice %arg11[%dma_wait3A_78, %dma_wait3A_79] : memref<10112x128xf32, #tpu.memory_space<vmem_shared>> -> memref<10112x128xf32, #tpu.memory_space<vmem_shared>>
      tpu.wait_indirect_dma semaphore(%run_scoped3A_68 : memref<!tpu.dma_semaphore, #tpu.memory_space<semaphore_mem>>) src(%arg9 : memref<128x128xf32, #tpu.memory_space<vmem>>) dst(%dma_wait3A_80 : memref<10112x128xf32, #tpu.memory_space<vmem_shared>>)
      tpu.yield
    }) : () -> ()
    %dma_wait3A_31 = arith.constant 4992 : i32
    %dma_wait3A_32 = tpu.memref_slice %arg7[%dma_wait3A_31] : memref<5120xi32, #tpu.memory_space<vmem>> -> memref<128xi32, #tpu.memory_space<vmem>>
    %dma_wait3A_33 = arith.constant 0 : i32
    %dma_wait3A_34 = arith.constant 0 : i32
    %dma_wait3A_35 = tpu.memref_slice %arg2[%dma_wait3A_33, %dma_wait3A_34] : memref<10000x128xf32, #tpu.memory_space<hbm>> -> memref<10000x128xf32, #tpu.memory_space<hbm>>
    tpu.wait_indirect_dma semaphore(%arg13 : memref<!tpu.dma_semaphore, #tpu.memory_space<semaphore_mem>>) src(%dma_wait3A_35 : memref<10000x128xf32, #tpu.memory_space<hbm>>) dst(%arg10 : memref<128x128xf32, #tpu.memory_space<vmem>>)
    %run_scoped3A_36 = arith.constant 39 : i32
    "tpu.region"() ({
      %run_scoped3A_68 = tpu.sem_alloc : memref<!tpu.dma_semaphore, #tpu.memory_space<semaphore_mem>>
      %dma_start3A_69 = arith.constant 0 : i32
      %dma_start3A_70 = tpu.memref_slice %arg8[%run_scoped3A_36, %dma_start3A_69] : memref<40x128xi32, #tpu.memory_space<vmem>> -> memref<1x128xi32, #tpu.memory_space<vmem>>
      %dma_start3A_71 = tpu.memref_squeeze %dma_start3A_70 : memref<1x128xi32, #tpu.memory_space<vmem>> -> memref<128xi32, #tpu.memory_space<vmem>>
      %dma_start3A_72 = arith.constant 0 : i32
      %dma_start3A_73 = arith.constant 0 : i32
      %dma_start3A_74 = tpu.memref_slice %arg11[%dma_start3A_72, %dma_start3A_73] : memref<10112x128xf32, #tpu.memory_space<vmem_shared>> -> memref<10112x128xf32, #tpu.memory_space<vmem_shared>>
      tpu.enqueue_indirect_dma source(%arg10 : memref<128x128xf32, #tpu.memory_space<vmem>>) target(%dma_start3A_74 : memref<10112x128xf32, #tpu.memory_space<vmem_shared>>) offsets(%dma_start3A_71 : memref<128xi32, #tpu.memory_space<vmem>>) semaphore(%run_scoped3A_68 : memref<!tpu.dma_semaphore, #tpu.memory_space<semaphore_mem>>) {add = true}
      %dma_wait3A_75 = arith.constant 0 : i32
      %dma_wait3A_76 = tpu.memref_slice %arg8[%run_scoped3A_36, %dma_wait3A_75] : memref<40x128xi32, #tpu.memory_space<vmem>> -> memref<1x128xi32, #tpu.memory_space<vmem>>
      %dma_wait3A_77 = tpu.memref_squeeze %dma_wait3A_76 : memref<1x128xi32, #tpu.memory_space<vmem>> -> memref<128xi32, #tpu.memory_space<vmem>>
      %dma_wait3A_78 = arith.constant 0 : i32
      %dma_wait3A_79 = arith.constant 0 : i32
      %dma_wait3A_80 = tpu.memref_slice %arg11[%dma_wait3A_78, %dma_wait3A_79] : memref<10112x128xf32, #tpu.memory_space<vmem_shared>> -> memref<10112x128xf32, #tpu.memory_space<vmem_shared>>
      tpu.wait_indirect_dma semaphore(%run_scoped3A_68 : memref<!tpu.dma_semaphore, #tpu.memory_space<semaphore_mem>>) src(%arg10 : memref<128x128xf32, #tpu.memory_space<vmem>>) dst(%dma_wait3A_80 : memref<10112x128xf32, #tpu.memory_space<vmem_shared>>)
      tpu.yield
    }) : () -> ()
    %run_scoped3A_37 = arith.constant 1 : i32
    "tpu.region"() ({
      %run_scoped3A_68 = tpu.sem_alloc : memref<!tpu.dma_semaphore, #tpu.memory_space<semaphore_mem>>
      %dma_start3A_69 = arith.constant 0 : i32
      %dma_start3A_70 = tpu.memref_slice %arg3[%add3A, %run_scoped3A_37, %dma_start3A_69] : memref<32x2x5120xi32, #tpu.memory_space<hbm>> -> memref<1x1x5120xi32, #tpu.memory_space<hbm>>
      %dma_start3A_71 = tpu.memref_squeeze %dma_start3A_70 : memref<1x1x5120xi32, #tpu.memory_space<hbm>> -> memref<5120xi32, #tpu.memory_space<hbm>>
      %dma_start3A_72 = arith.constant 0 : i32
      %dma_start3A_73 = tpu.memref_slice %arg3[%add3A, %run_scoped3A_37, %dma_start3A_72] : memref<32x2x5120xi32, #tpu.memory_space<hbm>> -> memref<1x1x5120xi32, #tpu.memory_space<hbm>>
      %dma_start3A_74 = tpu.memref_squeeze %dma_start3A_73 : memref<1x1x5120xi32, #tpu.memory_space<hbm>> -> memref<5120xi32, #tpu.memory_space<hbm>>
      tpu.enqueue_dma source(%dma_start3A_74 : memref<5120xi32, #tpu.memory_space<hbm>>) target(%arg7 : memref<5120xi32, #tpu.memory_space<vmem>>) target_semaphore(%run_scoped3A_68 : memref<!tpu.dma_semaphore, #tpu.memory_space<semaphore_mem>>)
      %dma_wait3A_75 = arith.constant 0 : i32
      %dma_wait3A_76 = tpu.memref_slice %arg3[%add3A, %run_scoped3A_37, %dma_wait3A_75] : memref<32x2x5120xi32, #tpu.memory_space<hbm>> -> memref<1x1x5120xi32, #tpu.memory_space<hbm>>
      %dma_wait3A_77 = tpu.memref_squeeze %dma_wait3A_76 : memref<1x1x5120xi32, #tpu.memory_space<hbm>> -> memref<5120xi32, #tpu.memory_space<hbm>>
      %dma_wait3A_78 = arith.constant 0 : i32
      %dma_wait3A_79 = tpu.memref_slice %arg3[%add3A, %run_scoped3A_37, %dma_wait3A_78] : memref<32x2x5120xi32, #tpu.memory_space<hbm>> -> memref<1x1x5120xi32, #tpu.memory_space<hbm>>
      %dma_wait3A_80 = tpu.memref_squeeze %dma_wait3A_79 : memref<1x1x5120xi32, #tpu.memory_space<hbm>> -> memref<5120xi32, #tpu.memory_space<hbm>>
      tpu.wait_dma2 semaphore(%run_scoped3A_68 : memref<!tpu.dma_semaphore, #tpu.memory_space<semaphore_mem>>) src(%dma_wait3A_80 : memref<5120xi32, #tpu.memory_space<hbm>>) dst(%arg7 : memref<5120xi32, #tpu.memory_space<vmem>>)
      tpu.yield
    }) : () -> ()
    %run_scoped3A_38 = arith.constant 1 : i32
    "tpu.region"() ({
      %run_scoped3A_68 = tpu.sem_alloc : memref<!tpu.dma_semaphore, #tpu.memory_space<semaphore_mem>>
      %dma_start3A_69 = arith.constant 0 : i32
      %dma_start3A_70 = arith.constant 0 : i32
      %dma_start3A_71 = tpu.memref_slice %arg4[%add3A, %run_scoped3A_38, %dma_start3A_69, %dma_start3A_70] : memref<32x2x40x128xi32, #tpu.memory_space<hbm>> -> memref<1x1x40x128xi32, #tpu.memory_space<hbm>>
      %dma_start3A_72 = tpu.memref_squeeze %dma_start3A_71 : memref<1x1x40x128xi32, #tpu.memory_space<hbm>> -> memref<40x128xi32, #tpu.memory_space<hbm>>
      %dma_start3A_73 = arith.constant 0 : i32
      %dma_start3A_74 = arith.constant 0 : i32
      %dma_start3A_75 = tpu.memref_slice %arg4[%add3A, %run_scoped3A_38, %dma_start3A_73, %dma_start3A_74] : memref<32x2x40x128xi32, #tpu.memory_space<hbm>> -> memref<1x1x40x128xi32, #tpu.memory_space<hbm>>
      %dma_start3A_76 = tpu.memref_squeeze %dma_start3A_75 : memref<1x1x40x128xi32, #tpu.memory_space<hbm>> -> memref<40x128xi32, #tpu.memory_space<hbm>>
      tpu.enqueue_dma source(%dma_start3A_76 : memref<40x128xi32, #tpu.memory_space<hbm>>) target(%arg8 : memref<40x128xi32, #tpu.memory_space<vmem>>) target_semaphore(%run_scoped3A_68 : memref<!tpu.dma_semaphore, #tpu.memory_space<semaphore_mem>>)
      %dma_wait3A_77 = arith.constant 0 : i32
      %dma_wait3A_78 = arith.constant 0 : i32
      %dma_wait3A_79 = tpu.memref_slice %arg4[%add3A, %run_scoped3A_38, %dma_wait3A_77, %dma_wait3A_78] : memref<32x2x40x128xi32, #tpu.memory_space<hbm>> -> memref<1x1x40x128xi32, #tpu.memory_space<hbm>>
      %dma_wait3A_80 = tpu.memref_squeeze %dma_wait3A_79 : memref<1x1x40x128xi32, #tpu.memory_space<hbm>> -> memref<40x128xi32, #tpu.memory_space<hbm>>
      %dma_wait3A_81 = arith.constant 0 : i32
      %dma_wait3A_82 = arith.constant 0 : i32
      %dma_wait3A_83 = tpu.memref_slice %arg4[%add3A, %run_scoped3A_38, %dma_wait3A_81, %dma_wait3A_82] : memref<32x2x40x128xi32, #tpu.memory_space<hbm>> -> memref<1x1x40x128xi32, #tpu.memory_space<hbm>>
      %dma_wait3A_84 = tpu.memref_squeeze %dma_wait3A_83 : memref<1x1x40x128xi32, #tpu.memory_space<hbm>> -> memref<40x128xi32, #tpu.memory_space<hbm>>
      tpu.wait_dma2 semaphore(%run_scoped3A_68 : memref<!tpu.dma_semaphore, #tpu.memory_space<semaphore_mem>>) src(%dma_wait3A_84 : memref<40x128xi32, #tpu.memory_space<hbm>>) dst(%arg8 : memref<40x128xi32, #tpu.memory_space<vmem>>)
      tpu.yield
    }) : () -> ()
    %dma_start3A_39 = arith.constant 0 : i32
    %dma_start3A_40 = tpu.memref_slice %arg7[%dma_start3A_39] : memref<5120xi32, #tpu.memory_space<vmem>> -> memref<128xi32, #tpu.memory_space<vmem>>
    %dma_start3A_41 = arith.constant 0 : i32
    %dma_start3A_42 = arith.constant 0 : i32
    %dma_start3A_43 = tpu.memref_slice %arg2[%dma_start3A_41, %dma_start3A_42] : memref<10000x128xf32, #tpu.memory_space<hbm>> -> memref<10000x128xf32, #tpu.memory_space<hbm>>
    tpu.enqueue_indirect_dma source(%dma_start3A_43 : memref<10000x128xf32, #tpu.memory_space<hbm>>) target(%arg9 : memref<128x128xf32, #tpu.memory_space<vmem>>) offsets(%dma_start3A_40 : memref<128xi32, #tpu.memory_space<vmem>>) semaphore(%arg12 : memref<!tpu.dma_semaphore, #tpu.memory_space<semaphore_mem>>)
    %dma_start3A_44 = arith.constant 128 : i32
    %dma_start3A_45 = tpu.memref_slice %arg7[%dma_start3A_44] : memref<5120xi32, #tpu.memory_space<vmem>> -> memref<128xi32, #tpu.memory_space<vmem>>
    %dma_start3A_46 = arith.constant 0 : i32
    %dma_start3A_47 = arith.constant 0 : i32
    %dma_start3A_48 = tpu.memref_slice %arg2[%dma_start3A_46, %dma_start3A_47] : memref<10000x128xf32, #tpu.memory_space<hbm>> -> memref<10000x128xf32, #tpu.memory_space<hbm>>
    tpu.enqueue_indirect_dma source(%dma_start3A_48 : memref<10000x128xf32, #tpu.memory_space<hbm>>) target(%arg10 : memref<128x128xf32, #tpu.memory_space<vmem>>) offsets(%dma_start3A_45 : memref<128xi32, #tpu.memory_space<vmem>>) semaphore(%arg13 : memref<!tpu.dma_semaphore, #tpu.memory_space<semaphore_mem>>)
    %scan3A_49 = arith.constant 0 : i32
    %scan3A_50 = arith.constant 0 : i32
    %scan3A_51 = arith.constant 19 : i32
    %scan3A_52 = arith.addi %scan3A_50, %scan3A_51 : i32
    %scan3A_53 = arith.constant 1 : i32
    scf.for %scan3A_68 = %scan3A_50 to %scan3A_52 step %scan3A_53  : i32 {
      %mul3A_69 = arith.constant 2 : i32
      %mul3A_70 = arith.muli %mul3A_69, %scan3A_68 : i32
      %mul3A_71 = arith.constant 128 : i32
      %mul3A_72 = arith.muli %mul3A_70, %mul3A_71 : i32
      %dma_wait3A_73 = tpu.memref_slice %arg7[%mul3A_72] : memref<5120xi32, #tpu.memory_space<vmem>> -> memref<128xi32, #tpu.memory_space<vmem>>
      %dma_wait3A_74 = arith.constant 0 : i32
      %dma_wait3A_75 = arith.constant 0 : i32
      %dma_wait3A_76 = tpu.memref_slice %arg2[%dma_wait3A_74, %dma_wait3A_75] : memref<10000x128xf32, #tpu.memory_space<hbm>> -> memref<10000x128xf32, #tpu.memory_space<hbm>>
      tpu.wait_indirect_dma semaphore(%arg12 : memref<!tpu.dma_semaphore, #tpu.memory_space<semaphore_mem>>) src(%dma_wait3A_76 : memref<10000x128xf32, #tpu.memory_space<hbm>>) dst(%arg9 : memref<128x128xf32, #tpu.memory_space<vmem>>)
      "tpu.region"() ({
        %run_scoped3A_103 = tpu.sem_alloc : memref<!tpu.dma_semaphore, #tpu.memory_space<semaphore_mem>>
        %dma_start3A_104 = arith.constant 0 : i32
        %dma_start3A_105 = tpu.memref_slice %arg8[%mul3A_70, %dma_start3A_104] : memref<40x128xi32, #tpu.memory_space<vmem>> -> memref<1x128xi32, #tpu.memory_space<vmem>>
        %dma_start3A_106 = tpu.memref_squeeze %dma_start3A_105 : memref<1x128xi32, #tpu.memory_space<vmem>> -> memref<128xi32, #tpu.memory_space<vmem>>
        %dma_start3A_107 = arith.constant 0 : i32
        %dma_start3A_108 = arith.constant 0 : i32
        %dma_start3A_109 = tpu.memref_slice %arg11[%dma_start3A_107, %dma_start3A_108] : memref<10112x128xf32, #tpu.memory_space<vmem_shared>> -> memref<10112x128xf32, #tpu.memory_space<vmem_shared>>
        tpu.enqueue_indirect_dma source(%arg9 : memref<128x128xf32, #tpu.memory_space<vmem>>) target(%dma_start3A_109 : memref<10112x128xf32, #tpu.memory_space<vmem_shared>>) offsets(%dma_start3A_106 : memref<128xi32, #tpu.memory_space<vmem>>) semaphore(%run_scoped3A_103 : memref<!tpu.dma_semaphore, #tpu.memory_space<semaphore_mem>>) {add = true}
        %dma_wait3A_110 = arith.constant 0 : i32
        %dma_wait3A_111 = tpu.memref_slice %arg8[%mul3A_70, %dma_wait3A_110] : memref<40x128xi32, #tpu.memory_space<vmem>> -> memref<1x128xi32, #tpu.memory_space<vmem>>
        %dma_wait3A_112 = tpu.memref_squeeze %dma_wait3A_111 : memref<1x128xi32, #tpu.memory_space<vmem>> -> memref<128xi32, #tpu.memory_space<vmem>>
        %dma_wait3A_113 = arith.constant 0 : i32
        %dma_wait3A_114 = arith.constant 0 : i32
        %dma_wait3A_115 = tpu.memref_slice %arg11[%dma_wait3A_113, %dma_wait3A_114] : memref<10112x128xf32, #tpu.memory_space<vmem_shared>> -> memref<10112x128xf32, #tpu.memory_space<vmem_shared>>
        tpu.wait_indirect_dma semaphore(%run_scoped3A_103 : memref<!tpu.dma_semaphore, #tpu.memory_space<semaphore_mem>>) src(%arg9 : memref<128x128xf32, #tpu.memory_space<vmem>>) dst(%dma_wait3A_115 : memref<10112x128xf32, #tpu.memory_space<vmem_shared>>)
        tpu.yield
      }) : () -> ()
      %add3A_77 = arith.constant 2 : i32
      %add3A_78 = arith.addi %mul3A_70, %add3A_77 : i32
      %mul3A_79 = arith.constant 128 : i32
      %mul3A_80 = arith.muli %add3A_78, %mul3A_79 : i32
      %dma_start3A_81 = tpu.memref_slice %arg7[%mul3A_80] : memref<5120xi32, #tpu.memory_space<vmem>> -> memref<128xi32, #tpu.memory_space<vmem>>
      %dma_start3A_82 = arith.constant 0 : i32
      %dma_start3A_83 = arith.constant 0 : i32
      %dma_start3A_84 = tpu.memref_slice %arg2[%dma_start3A_82, %dma_start3A_83] : memref<10000x128xf32, #tpu.memory_space<hbm>> -> memref<10000x128xf32, #tpu.memory_space<hbm>>
      tpu.enqueue_indirect_dma source(%dma_start3A_84 : memref<10000x128xf32, #tpu.memory_space<hbm>>) target(%arg9 : memref<128x128xf32, #tpu.memory_space<vmem>>) offsets(%dma_start3A_81 : memref<128xi32, #tpu.memory_space<vmem>>) semaphore(%arg12 : memref<!tpu.dma_semaphore, #tpu.memory_space<semaphore_mem>>)
      %add3A_85 = arith.constant 1 : i32
      %add3A_86 = arith.addi %mul3A_70, %add3A_85 : i32
      %mul3A_87 = arith.constant 128 : i32
      %mul3A_88 = arith.muli %add3A_86, %mul3A_87 : i32
      %dma_wait3A_89 = tpu.memref_slice %arg7[%mul3A_88] : memref<5120xi32, #tpu.memory_space<vmem>> -> memref<128xi32, #tpu.memory_space<vmem>>
      %dma_wait3A_90 = arith.constant 0 : i32
      %dma_wait3A_91 = arith.constant 0 : i32
      %dma_wait3A_92 = tpu.memref_slice %arg2[%dma_wait3A_90, %dma_wait3A_91] : memref<10000x128xf32, #tpu.memory_space<hbm>> -> memref<10000x128xf32, #tpu.memory_space<hbm>>
      tpu.wait_indirect_dma semaphore(%arg13 : memref<!tpu.dma_semaphore, #tpu.memory_space<semaphore_mem>>) src(%dma_wait3A_92 : memref<10000x128xf32, #tpu.memory_space<hbm>>) dst(%arg10 : memref<128x128xf32, #tpu.memory_space<vmem>>)
      %add3A_93 = arith.constant 1 : i32
      %add3A_94 = arith.addi %mul3A_70, %add3A_93 : i32
      "tpu.region"() ({
        %run_scoped3A_103 = tpu.sem_alloc : memref<!tpu.dma_semaphore, #tpu.memory_space<semaphore_mem>>
        %dma_start3A_104 = arith.constant 0 : i32
        %dma_start3A_105 = tpu.memref_slice %arg8[%add3A_94, %dma_start3A_104] : memref<40x128xi32, #tpu.memory_space<vmem>> -> memref<1x128xi32, #tpu.memory_space<vmem>>
        %dma_start3A_106 = tpu.memref_squeeze %dma_start3A_105 : memref<1x128xi32, #tpu.memory_space<vmem>> -> memref<128xi32, #tpu.memory_space<vmem>>
        %dma_start3A_107 = arith.constant 0 : i32
        %dma_start3A_108 = arith.constant 0 : i32
        %dma_start3A_109 = tpu.memref_slice %arg11[%dma_start3A_107, %dma_start3A_108] : memref<10112x128xf32, #tpu.memory_space<vmem_shared>> -> memref<10112x128xf32, #tpu.memory_space<vmem_shared>>
        tpu.enqueue_indirect_dma source(%arg10 : memref<128x128xf32, #tpu.memory_space<vmem>>) target(%dma_start3A_109 : memref<10112x128xf32, #tpu.memory_space<vmem_shared>>) offsets(%dma_start3A_106 : memref<128xi32, #tpu.memory_space<vmem>>) semaphore(%run_scoped3A_103 : memref<!tpu.dma_semaphore, #tpu.memory_space<semaphore_mem>>) {add = true}
        %dma_wait3A_110 = arith.constant 0 : i32
        %dma_wait3A_111 = tpu.memref_slice %arg8[%add3A_94, %dma_wait3A_110] : memref<40x128xi32, #tpu.memory_space<vmem>> -> memref<1x128xi32, #tpu.memory_space<vmem>>
        %dma_wait3A_112 = tpu.memref_squeeze %dma_wait3A_111 : memref<1x128xi32, #tpu.memory_space<vmem>> -> memref<128xi32, #tpu.memory_space<vmem>>
        %dma_wait3A_113 = arith.constant 0 : i32
        %dma_wait3A_114 = arith.constant 0 : i32
        %dma_wait3A_115 = tpu.memref_slice %arg11[%dma_wait3A_113, %dma_wait3A_114] : memref<10112x128xf32, #tpu.memory_space<vmem_shared>> -> memref<10112x128xf32, #tpu.memory_space<vmem_shared>>
        tpu.wait_indirect_dma semaphore(%run_scoped3A_103 : memref<!tpu.dma_semaphore, #tpu.memory_space<semaphore_mem>>) src(%arg10 : memref<128x128xf32, #tpu.memory_space<vmem>>) dst(%dma_wait3A_115 : memref<10112x128xf32, #tpu.memory_space<vmem_shared>>)
        tpu.yield
      }) : () -> ()
      %add3A_95 = arith.constant 3 : i32
      %add3A_96 = arith.addi %mul3A_70, %add3A_95 : i32
      %mul3A_97 = arith.constant 128 : i32
      %mul3A_98 = arith.muli %add3A_96, %mul3A_97 : i32
      %dma_start3A_99 = tpu.memref_slice %arg7[%mul3A_98] : memref<5120xi32, #tpu.memory_space<vmem>> -> memref<128xi32, #tpu.memory_space<vmem>>
      %dma_start3A_100 = arith.constant 0 : i32
      %dma_start3A_101 = arith.constant 0 : i32
      %dma_start3A_102 = tpu.memref_slice %arg2[%dma_start3A_100, %dma_start3A_101] : memref<10000x128xf32, #tpu.memory_space<hbm>> -> memref<10000x128xf32, #tpu.memory_space<hbm>>
      tpu.enqueue_indirect_dma source(%dma_start3A_102 : memref<10000x128xf32, #tpu.memory_space<hbm>>) target(%arg10 : memref<128x128xf32, #tpu.memory_space<vmem>>) offsets(%dma_start3A_99 : memref<128xi32, #tpu.memory_space<vmem>>) semaphore(%arg13 : memref<!tpu.dma_semaphore, #tpu.memory_space<semaphore_mem>>)
    }
    %scan3A_54 = arith.constant 19 : i32
    %dma_wait3A_55 = arith.constant 4864 : i32
    %dma_wait3A_56 = tpu.memref_slice %arg7[%dma_wait3A_55] : memref<5120xi32, #tpu.memory_space<vmem>> -> memref<128xi32, #tpu.memory_space<vmem>>
    %dma_wait3A_57 = arith.constant 0 : i32
    %dma_wait3A_58 = arith.constant 0 : i32
    %dma_wait3A_59 = tpu.memref_slice %arg2[%dma_wait3A_57, %dma_wait3A_58] : memref<10000x128xf32, #tpu.memory_space<hbm>> -> memref<10000x128xf32, #tpu.memory_space<hbm>>
    tpu.wait_indirect_dma semaphore(%arg12 : memref<!tpu.dma_semaphore, #tpu.memory_space<semaphore_mem>>) src(%dma_wait3A_59 : memref<10000x128xf32, #tpu.memory_space<hbm>>) dst(%arg9 : memref<128x128xf32, #tpu.memory_space<vmem>>)
    %run_scoped3A_60 = arith.constant 38 : i32
    "tpu.region"() ({
      %run_scoped3A_68 = tpu.sem_alloc : memref<!tpu.dma_semaphore, #tpu.memory_space<semaphore_mem>>
      %dma_start3A_69 = arith.constant 0 : i32
      %dma_start3A_70 = tpu.memref_slice %arg8[%run_scoped3A_60, %dma_start3A_69] : memref<40x128xi32, #tpu.memory_space<vmem>> -> memref<1x128xi32, #tpu.memory_space<vmem>>
      %dma_start3A_71 = tpu.memref_squeeze %dma_start3A_70 : memref<1x128xi32, #tpu.memory_space<vmem>> -> memref<128xi32, #tpu.memory_space<vmem>>
      %dma_start3A_72 = arith.constant 0 : i32
      %dma_start3A_73 = arith.constant 0 : i32
      %dma_start3A_74 = tpu.memref_slice %arg11[%dma_start3A_72, %dma_start3A_73] : memref<10112x128xf32, #tpu.memory_space<vmem_shared>> -> memref<10112x128xf32, #tpu.memory_space<vmem_shared>>
      tpu.enqueue_indirect_dma source(%arg9 : memref<128x128xf32, #tpu.memory_space<vmem>>) target(%dma_start3A_74 : memref<10112x128xf32, #tpu.memory_space<vmem_shared>>) offsets(%dma_start3A_71 : memref<128xi32, #tpu.memory_space<vmem>>) semaphore(%run_scoped3A_68 : memref<!tpu.dma_semaphore, #tpu.memory_space<semaphore_mem>>) {add = true}
      %dma_wait3A_75 = arith.constant 0 : i32
      %dma_wait3A_76 = tpu.memref_slice %arg8[%run_scoped3A_60, %dma_wait3A_75] : memref<40x128xi32, #tpu.memory_space<vmem>> -> memref<1x128xi32, #tpu.memory_space<vmem>>
      %dma_wait3A_77 = tpu.memref_squeeze %dma_wait3A_76 : memref<1x128xi32, #tpu.memory_space<vmem>> -> memref<128xi32, #tpu.memory_space<vmem>>
      %dma_wait3A_78 = arith.constant 0 : i32
      %dma_wait3A_79 = arith.constant 0 : i32
      %dma_wait3A_80 = tpu.memref_slice %arg11[%dma_wait3A_78, %dma_wait3A_79] : memref<10112x128xf32, #tpu.memory_space<vmem_shared>> -> memref<10112x128xf32, #tpu.memory_space<vmem_shared>>
      tpu.wait_indirect_dma semaphore(%run_scoped3A_68 : memref<!tpu.dma_semaphore, #tpu.memory_space<semaphore_mem>>) src(%arg9 : memref<128x128xf32, #tpu.memory_space<vmem>>) dst(%dma_wait3A_80 : memref<10112x128xf32, #tpu.memory_space<vmem_shared>>)
      tpu.yield
    }) : () -> ()
    %dma_wait3A_61 = arith.constant 4992 : i32
    %dma_wait3A_62 = tpu.memref_slice %arg7[%dma_wait3A_61] : memref<5120xi32, #tpu.memory_space<vmem>> -> memref<128xi32, #tpu.memory_space<vmem>>
    %dma_wait3A_63 = arith.constant 0 : i32
    %dma_wait3A_64 = arith.constant 0 : i32
    %dma_wait3A_65 = tpu.memref_slice %arg2[%dma_wait3A_63, %dma_wait3A_64] : memref<10000x128xf32, #tpu.memory_space<hbm>> -> memref<10000x128xf32, #tpu.memory_space<hbm>>
    tpu.wait_indirect_dma semaphore(%arg13 : memref<!tpu.dma_semaphore, #tpu.memory_space<semaphore_mem>>) src(%dma_wait3A_65 : memref<10000x128xf32, #tpu.memory_space<hbm>>) dst(%arg10 : memref<128x128xf32, #tpu.memory_space<vmem>>)
    %run_scoped3A_66 = arith.constant 39 : i32
    "tpu.region"() ({
      %run_scoped3A_68 = tpu.sem_alloc : memref<!tpu.dma_semaphore, #tpu.memory_space<semaphore_mem>>
      %dma_start3A_69 = arith.constant 0 : i32
      %dma_start3A_70 = tpu.memref_slice %arg8[%run_scoped3A_66, %dma_start3A_69] : memref<40x128xi32, #tpu.memory_space<vmem>> -> memref<1x128xi32, #tpu.memory_space<vmem>>
      %dma_start3A_71 = tpu.memref_squeeze %dma_start3A_70 : memref<1x128xi32, #tpu.memory_space<vmem>> -> memref<128xi32, #tpu.memory_space<vmem>>
      %dma_start3A_72 = arith.constant 0 : i32
      %dma_start3A_73 = arith.constant 0 : i32
      %dma_start3A_74 = tpu.memref_slice %arg11[%dma_start3A_72, %dma_start3A_73] : memref<10112x128xf32, #tpu.memory_space<vmem_shared>> -> memref<10112x128xf32, #tpu.memory_space<vmem_shared>>
      tpu.enqueue_indirect_dma source(%arg10 : memref<128x128xf32, #tpu.memory_space<vmem>>) target(%dma_start3A_74 : memref<10112x128xf32, #tpu.memory_space<vmem_shared>>) offsets(%dma_start3A_71 : memref<128xi32, #tpu.memory_space<vmem>>) semaphore(%run_scoped3A_68 : memref<!tpu.dma_semaphore, #tpu.memory_space<semaphore_mem>>) {add = true}
      %dma_wait3A_75 = arith.constant 0 : i32
      %dma_wait3A_76 = tpu.memref_slice %arg8[%run_scoped3A_66, %dma_wait3A_75] : memref<40x128xi32, #tpu.memory_space<vmem>> -> memref<1x128xi32, #tpu.memory_space<vmem>>
      %dma_wait3A_77 = tpu.memref_squeeze %dma_wait3A_76 : memref<1x128xi32, #tpu.memory_space<vmem>> -> memref<128xi32, #tpu.memory_space<vmem>>
      %dma_wait3A_78 = arith.constant 0 : i32
      %dma_wait3A_79 = arith.constant 0 : i32
      %dma_wait3A_80 = tpu.memref_slice %arg11[%dma_wait3A_78, %dma_wait3A_79] : memref<10112x128xf32, #tpu.memory_space<vmem_shared>> -> memref<10112x128xf32, #tpu.memory_space<vmem_shared>>
      tpu.wait_indirect_dma semaphore(%run_scoped3A_68 : memref<!tpu.dma_semaphore, #tpu.memory_space<semaphore_mem>>) src(%arg10 : memref<128x128xf32, #tpu.memory_space<vmem>>) dst(%dma_wait3A_80 : memref<10112x128xf32, #tpu.memory_space<vmem_shared>>)
      tpu.yield
    }) : () -> ()
    %barrier3A_67 = arith.constant 0 : index
    tpu.barrier barrier_id(%barrier3A_67)
    "tpu.region"() ({
      %run_scoped3A_68 = tpu.sem_alloc : memref<!tpu.dma_semaphore, #tpu.memory_space<semaphore_mem>>
      %dma_start3A_69 = arith.constant 0 : i32
      %dma_start3A_70 = tpu.memref_slice %arg6[%arg0, %mul3A_2, %dma_start3A_69] : memref<2x10112x128xf32, #tpu.memory_space<hbm>> -> memref<1x632x128xf32, #tpu.memory_space<hbm>>
      %dma_start3A_71 = tpu.memref_squeeze %dma_start3A_70 : memref<1x632x128xf32, #tpu.memory_space<hbm>> -> memref<632x128xf32, #tpu.memory_space<hbm>>
      %dma_start3A_72 = arith.constant 0 : i32
      %dma_start3A_73 = tpu.memref_slice %arg11[%mul3A_2, %dma_start3A_72] : memref<10112x128xf32, #tpu.memory_space<vmem_shared>> -> memref<632x128xf32, #tpu.memory_space<vmem_shared>>
      tpu.enqueue_dma source(%dma_start3A_73 : memref<632x128xf32, #tpu.memory_space<vmem_shared>>) target(%dma_start3A_71 : memref<632x128xf32, #tpu.memory_space<hbm>>) target_semaphore(%run_scoped3A_68 : memref<!tpu.dma_semaphore, #tpu.memory_space<semaphore_mem>>)
      %dma_wait3A_74 = arith.constant 0 : i32
      %dma_wait3A_75 = tpu.memref_slice %arg6[%arg0, %mul3A_2, %dma_wait3A_74] : memref<2x10112x128xf32, #tpu.memory_space<hbm>> -> memref<1x632x128xf32, #tpu.memory_space<hbm>>
      %dma_wait3A_76 = tpu.memref_squeeze %dma_wait3A_75 : memref<1x632x128xf32, #tpu.memory_space<hbm>> -> memref<632x128xf32, #tpu.memory_space<hbm>>
      %dma_wait3A_77 = arith.constant 0 : i32
      %dma_wait3A_78 = tpu.memref_slice %arg11[%mul3A_2, %dma_wait3A_77] : memref<10112x128xf32, #tpu.memory_space<vmem_shared>> -> memref<632x128xf32, #tpu.memory_space<vmem_shared>>
      tpu.wait_dma2 semaphore(%run_scoped3A_68 : memref<!tpu.dma_semaphore, #tpu.memory_space<semaphore_mem>>) src(%dma_wait3A_78 : memref<632x128xf32, #tpu.memory_space<vmem_shared>>) dst(%dma_wait3A_76 : memref<632x128xf32, #tpu.memory_space<hbm>>)
      tpu.yield
    }) : () -> ()
    return
  }
}

#map = affine_map<(d0, d1) -> (0, 0)>
#map1 = affine_map<(d0, d1) -> (0, 0, 0)>
#map2 = affine_map<(d0, d1) -> (0, 0, 0, 0)>
module attributes {stable_mosaic.version = 14 : i64} {
  func.func @_edge_body(%arg0: i32, %arg1: i32, %arg2: memref<10000x128xf32, #tpu.memory_space<hbm>>, %arg3: memref<32x2x5120xi32, #tpu.memory_space<hbm>>, %arg4: memref<32x2x40x128xi32, #tpu.memory_space<hbm>>, %arg5: memref<10112x128xf32, #tpu.memory_space<hbm>>, %arg6: memref<2x10112x128xf32, #tpu.memory_space<hbm>>, %arg7: memref<5120xi32, #tpu.memory_space<vmem>>, %arg8: memref<40x128xi32, #tpu.memory_space<vmem>>, %arg9: memref<128x128xf32, #tpu.memory_space<vmem>>, %arg10: memref<128x128xf32, #tpu.memory_space<vmem>>, %arg11: memref<10112x128xf32, #tpu.memory_space<vmem_shared>>, %arg12: memref<!tpu.dma_semaphore, #tpu.memory_space<semaphore_mem>>, %arg13: memref<!tpu.dma_semaphore, #tpu.memory_space<semaphore_mem>>, %arg14: memref<!tpu.dma_semaphore, #tpu.memory_space<semaphore_mem>>) attributes {dimension_semantics = [#tpu.dimension_semantics<core_parallel>, #tpu.dimension_semantics<subcore_parallel>], iteration_bounds = array<i64: 2, 16>, scalar_prefetch = 0 : i64, scratch_operands = 8 : i64, tpu.core_type = #tpu.core_type<sc_vector_subcore>, window_params = [{transform_indices = #map}, {transform_indices = #map1}, {transform_indices = #map2}, {transform_indices = #map}, {transform_indices = #map1}]} {
    %mul3A = arith.constant 16 : i32
    %mul3A_0 = arith.muli %arg0, %mul3A : i32
    %add3A = arith.addi %mul3A_0, %arg1 : i32
    %mul3A_1 = arith.constant 632 : i32
    %mul3A_2 = arith.muli %arg1, %mul3A_1 : i32
    %dma_start3A = arith.constant 0 : i32
    %dma_start3A_3 = tpu.memref_slice %arg11[%mul3A_2, %dma_start3A] : memref<10112x128xf32, #tpu.memory_space<vmem_shared>> -> memref<632x128xf32, #tpu.memory_space<vmem_shared>>
    %dma_start3A_4 = arith.constant 0 : i32
    %dma_start3A_5 = tpu.memref_slice %arg5[%mul3A_2, %dma_start3A_4] : memref<10112x128xf32, #tpu.memory_space<hbm>> -> memref<632x128xf32, #tpu.memory_space<hbm>>
    tpu.enqueue_dma source(%dma_start3A_5 : memref<632x128xf32, #tpu.memory_space<hbm>>) target(%dma_start3A_3 : memref<632x128xf32, #tpu.memory_space<vmem_shared>>) target_semaphore(%arg14 : memref<!tpu.dma_semaphore, #tpu.memory_space<semaphore_mem>>)
    %run_scoped3A = arith.constant 0 : i32
    "tpu.region"() ({
      %run_scoped3A_68 = tpu.sem_alloc : memref<!tpu.dma_semaphore, #tpu.memory_space<semaphore_mem>>
      %dma_start3A_69 = arith.constant 0 : i32
      %dma_start3A_70 = tpu.memref_slice %arg3[%add3A, %run_scoped3A, %dma_start3A_69] : memref<32x2x5120xi32, #tpu.memory_space<hbm>> -> memref<1x1x5120xi32, #tpu.memory_space<hbm>>
      %dma_start3A_71 = tpu.memref_squeeze %dma_start3A_70 : memref<1x1x5120xi32, #tpu.memory_space<hbm>> -> memref<5120xi32, #tpu.memory_space<hbm>>
      %dma_start3A_72 = arith.constant 0 : i32
      %dma_start3A_73 = tpu.memref_slice %arg3[%add3A, %run_scoped3A, %dma_start3A_72] : memref<32x2x5120xi32, #tpu.memory_space<hbm>> -> memref<1x1x5120xi32, #tpu.memory_space<hbm>>
      %dma_start3A_74 = tpu.memref_squeeze %dma_start3A_73 : memref<1x1x5120xi32, #tpu.memory_space<hbm>> -> memref<5120xi32, #tpu.memory_space<hbm>>
      tpu.enqueue_dma source(%dma_start3A_74 : memref<5120xi32, #tpu.memory_space<hbm>>) target(%arg7 : memref<5120xi32, #tpu.memory_space<vmem>>) target_semaphore(%run_scoped3A_68 : memref<!tpu.dma_semaphore, #tpu.memory_space<semaphore_mem>>)
      %dma_wait3A_75 = arith.constant 0 : i32
      %dma_wait3A_76 = tpu.memref_slice %arg3[%add3A, %run_scoped3A, %dma_wait3A_75] : memref<32x2x5120xi32, #tpu.memory_space<hbm>> -> memref<1x1x5120xi32, #tpu.memory_space<hbm>>
      %dma_wait3A_77 = tpu.memref_squeeze %dma_wait3A_76 : memref<1x1x5120xi32, #tpu.memory_space<hbm>> -> memref<5120xi32, #tpu.memory_space<hbm>>
      %dma_wait3A_78 = arith.constant 0 : i32
      %dma_wait3A_79 = tpu.memref_slice %arg3[%add3A, %run_scoped3A, %dma_wait3A_78] : memref<32x2x5120xi32, #tpu.memory_space<hbm>> -> memref<1x1x5120xi32, #tpu.memory_space<hbm>>
      %dma_wait3A_80 = tpu.memref_squeeze %dma_wait3A_79 : memref<1x1x5120xi32, #tpu.memory_space<hbm>> -> memref<5120xi32, #tpu.memory_space<hbm>>
      tpu.wait_dma2 semaphore(%run_scoped3A_68 : memref<!tpu.dma_semaphore, #tpu.memory_space<semaphore_mem>>) src(%dma_wait3A_80 : memref<5120xi32, #tpu.memory_space<hbm>>) dst(%arg7 : memref<5120xi32, #tpu.memory_space<vmem>>)
      tpu.yield
    }) : () -> ()
    %run_scoped3A_6 = arith.constant 0 : i32
    "tpu.region"() ({
      %run_scoped3A_68 = tpu.sem_alloc : memref<!tpu.dma_semaphore, #tpu.memory_space<semaphore_mem>>
      %dma_start3A_69 = arith.constant 0 : i32
      %dma_start3A_70 = arith.constant 0 : i32
      %dma_start3A_71 = tpu.memref_slice %arg4[%add3A, %run_scoped3A_6, %dma_start3A_69, %dma_start3A_70] : memref<32x2x40x128xi32, #tpu.memory_space<hbm>> -> memref<1x1x40x128xi32, #tpu.memory_space<hbm>>
      %dma_start3A_72 = tpu.memref_squeeze %dma_start3A_71 : memref<1x1x40x128xi32, #tpu.memory_space<hbm>> -> memref<40x128xi32, #tpu.memory_space<hbm>>
      %dma_start3A_73 = arith.constant 0 : i32
      %dma_start3A_74 = arith.constant 0 : i32
      %dma_start3A_75 = tpu.memref_slice %arg4[%add3A, %run_scoped3A_6, %dma_start3A_73, %dma_start3A_74] : memref<32x2x40x128xi32, #tpu.memory_space<hbm>> -> memref<1x1x40x128xi32, #tpu.memory_space<hbm>>
      %dma_start3A_76 = tpu.memref_squeeze %dma_start3A_75 : memref<1x1x40x128xi32, #tpu.memory_space<hbm>> -> memref<40x128xi32, #tpu.memory_space<hbm>>
      tpu.enqueue_dma source(%dma_start3A_76 : memref<40x128xi32, #tpu.memory_space<hbm>>) target(%arg8 : memref<40x128xi32, #tpu.memory_space<vmem>>) target_semaphore(%run_scoped3A_68 : memref<!tpu.dma_semaphore, #tpu.memory_space<semaphore_mem>>)
      %dma_wait3A_77 = arith.constant 0 : i32
      %dma_wait3A_78 = arith.constant 0 : i32
      %dma_wait3A_79 = tpu.memref_slice %arg4[%add3A, %run_scoped3A_6, %dma_wait3A_77, %dma_wait3A_78] : memref<32x2x40x128xi32, #tpu.memory_space<hbm>> -> memref<1x1x40x128xi32, #tpu.memory_space<hbm>>
      %dma_wait3A_80 = tpu.memref_squeeze %dma_wait3A_79 : memref<1x1x40x128xi32, #tpu.memory_space<hbm>> -> memref<40x128xi32, #tpu.memory_space<hbm>>
      %dma_wait3A_81 = arith.constant 0 : i32
      %dma_wait3A_82 = arith.constant 0 : i32
      %dma_wait3A_83 = tpu.memref_slice %arg4[%add3A, %run_scoped3A_6, %dma_wait3A_81, %dma_wait3A_82] : memref<32x2x40x128xi32, #tpu.memory_space<hbm>> -> memref<1x1x40x128xi32, #tpu.memory_space<hbm>>
      %dma_wait3A_84 = tpu.memref_squeeze %dma_wait3A_83 : memref<1x1x40x128xi32, #tpu.memory_space<hbm>> -> memref<40x128xi32, #tpu.memory_space<hbm>>
      tpu.wait_dma2 semaphore(%run_scoped3A_68 : memref<!tpu.dma_semaphore, #tpu.memory_space<semaphore_mem>>) src(%dma_wait3A_84 : memref<40x128xi32, #tpu.memory_space<hbm>>) dst(%arg8 : memref<40x128xi32, #tpu.memory_space<vmem>>)
      tpu.yield
    }) : () -> ()
    %dma_wait3A = arith.constant 0 : i32
    %dma_wait3A_7 = tpu.memref_slice %arg11[%mul3A_2, %dma_wait3A] : memref<10112x128xf32, #tpu.memory_space<vmem_shared>> -> memref<632x128xf32, #tpu.memory_space<vmem_shared>>
    %dma_wait3A_8 = arith.constant 0 : i32
    %dma_wait3A_9 = tpu.memref_slice %arg5[%mul3A_2, %dma_wait3A_8] : memref<10112x128xf32, #tpu.memory_space<hbm>> -> memref<632x128xf32, #tpu.memory_space<hbm>>
    tpu.wait_dma2 semaphore(%arg14 : memref<!tpu.dma_semaphore, #tpu.memory_space<semaphore_mem>>) src(%dma_wait3A_9 : memref<632x128xf32, #tpu.memory_space<hbm>>) dst(%dma_wait3A_7 : memref<632x128xf32, #tpu.memory_space<vmem_shared>>)
    %barrier3A = arith.constant 0 : index
    tpu.barrier barrier_id(%barrier3A)
    %dma_start3A_10 = arith.constant 0 : i32
    %dma_start3A_11 = tpu.memref_slice %arg7[%dma_start3A_10] : memref<5120xi32, #tpu.memory_space<vmem>> -> memref<128xi32, #tpu.memory_space<vmem>>
    %dma_start3A_12 = arith.constant 0 : i32
    %dma_start3A_13 = arith.constant 0 : i32
    %dma_start3A_14 = tpu.memref_slice %arg2[%dma_start3A_12, %dma_start3A_13] : memref<10000x128xf32, #tpu.memory_space<hbm>> -> memref<10000x128xf32, #tpu.memory_space<hbm>>
    tpu.enqueue_indirect_dma source(%dma_start3A_14 : memref<10000x128xf32, #tpu.memory_space<hbm>>) target(%arg9 : memref<128x128xf32, #tpu.memory_space<vmem>>) offsets(%dma_start3A_11 : memref<128xi32, #tpu.memory_space<vmem>>) semaphore(%arg12 : memref<!tpu.dma_semaphore, #tpu.memory_space<semaphore_mem>>)
    %dma_start3A_15 = arith.constant 128 : i32
    %dma_start3A_16 = tpu.memref_slice %arg7[%dma_start3A_15] : memref<5120xi32, #tpu.memory_space<vmem>> -> memref<128xi32, #tpu.memory_space<vmem>>
    %dma_start3A_17 = arith.constant 0 : i32
    %dma_start3A_18 = arith.constant 0 : i32
    %dma_start3A_19 = tpu.memref_slice %arg2[%dma_start3A_17, %dma_start3A_18] : memref<10000x128xf32, #tpu.memory_space<hbm>> -> memref<10000x128xf32, #tpu.memory_space<hbm>>
    tpu.enqueue_indirect_dma source(%dma_start3A_19 : memref<10000x128xf32, #tpu.memory_space<hbm>>) target(%arg10 : memref<128x128xf32, #tpu.memory_space<vmem>>) offsets(%dma_start3A_16 : memref<128xi32, #tpu.memory_space<vmem>>) semaphore(%arg13 : memref<!tpu.dma_semaphore, #tpu.memory_space<semaphore_mem>>)
    %scan3A = arith.constant 0 : i32
    %scan3A_20 = arith.constant 0 : i32
    %scan3A_21 = arith.constant 19 : i32
    %scan3A_22 = arith.addi %scan3A_20, %scan3A_21 : i32
    %scan3A_23 = arith.constant 1 : i32
    scf.for %scan3A_68 = %scan3A_20 to %scan3A_22 step %scan3A_23  : i32 {
      %mul3A_69 = arith.constant 2 : i32
      %mul3A_70 = arith.muli %mul3A_69, %scan3A_68 : i32
      %mul3A_71 = arith.constant 128 : i32
      %mul3A_72 = arith.muli %mul3A_70, %mul3A_71 : i32
      %dma_wait3A_73 = tpu.memref_slice %arg7[%mul3A_72] : memref<5120xi32, #tpu.memory_space<vmem>> -> memref<128xi32, #tpu.memory_space<vmem>>
      %dma_wait3A_74 = arith.constant 0 : i32
      %dma_wait3A_75 = arith.constant 0 : i32
      %dma_wait3A_76 = tpu.memref_slice %arg2[%dma_wait3A_74, %dma_wait3A_75] : memref<10000x128xf32, #tpu.memory_space<hbm>> -> memref<10000x128xf32, #tpu.memory_space<hbm>>
      tpu.wait_indirect_dma semaphore(%arg12 : memref<!tpu.dma_semaphore, #tpu.memory_space<semaphore_mem>>) src(%dma_wait3A_76 : memref<10000x128xf32, #tpu.memory_space<hbm>>) dst(%arg9 : memref<128x128xf32, #tpu.memory_space<vmem>>)
      "tpu.region"() ({
        %run_scoped3A_103 = tpu.sem_alloc : memref<!tpu.dma_semaphore, #tpu.memory_space<semaphore_mem>>
        %dma_start3A_104 = arith.constant 0 : i32
        %dma_start3A_105 = tpu.memref_slice %arg8[%mul3A_70, %dma_start3A_104] : memref<40x128xi32, #tpu.memory_space<vmem>> -> memref<1x128xi32, #tpu.memory_space<vmem>>
        %dma_start3A_106 = tpu.memref_squeeze %dma_start3A_105 : memref<1x128xi32, #tpu.memory_space<vmem>> -> memref<128xi32, #tpu.memory_space<vmem>>
        %dma_start3A_107 = arith.constant 0 : i32
        %dma_start3A_108 = arith.constant 0 : i32
        %dma_start3A_109 = tpu.memref_slice %arg11[%dma_start3A_107, %dma_start3A_108] : memref<10112x128xf32, #tpu.memory_space<vmem_shared>> -> memref<10112x128xf32, #tpu.memory_space<vmem_shared>>
        tpu.enqueue_indirect_dma source(%arg9 : memref<128x128xf32, #tpu.memory_space<vmem>>) target(%dma_start3A_109 : memref<10112x128xf32, #tpu.memory_space<vmem_shared>>) offsets(%dma_start3A_106 : memref<128xi32, #tpu.memory_space<vmem>>) semaphore(%run_scoped3A_103 : memref<!tpu.dma_semaphore, #tpu.memory_space<semaphore_mem>>) {add = true}
        %dma_wait3A_110 = arith.constant 0 : i32
        %dma_wait3A_111 = tpu.memref_slice %arg8[%mul3A_70, %dma_wait3A_110] : memref<40x128xi32, #tpu.memory_space<vmem>> -> memref<1x128xi32, #tpu.memory_space<vmem>>
        %dma_wait3A_112 = tpu.memref_squeeze %dma_wait3A_111 : memref<1x128xi32, #tpu.memory_space<vmem>> -> memref<128xi32, #tpu.memory_space<vmem>>
        %dma_wait3A_113 = arith.constant 0 : i32
        %dma_wait3A_114 = arith.constant 0 : i32
        %dma_wait3A_115 = tpu.memref_slice %arg11[%dma_wait3A_113, %dma_wait3A_114] : memref<10112x128xf32, #tpu.memory_space<vmem_shared>> -> memref<10112x128xf32, #tpu.memory_space<vmem_shared>>
        tpu.wait_indirect_dma semaphore(%run_scoped3A_103 : memref<!tpu.dma_semaphore, #tpu.memory_space<semaphore_mem>>) src(%arg9 : memref<128x128xf32, #tpu.memory_space<vmem>>) dst(%dma_wait3A_115 : memref<10112x128xf32, #tpu.memory_space<vmem_shared>>)
        tpu.yield
      }) : () -> ()
      %add3A_77 = arith.constant 2 : i32
      %add3A_78 = arith.addi %mul3A_70, %add3A_77 : i32
      %mul3A_79 = arith.constant 128 : i32
      %mul3A_80 = arith.muli %add3A_78, %mul3A_79 : i32
      %dma_start3A_81 = tpu.memref_slice %arg7[%mul3A_80] : memref<5120xi32, #tpu.memory_space<vmem>> -> memref<128xi32, #tpu.memory_space<vmem>>
      %dma_start3A_82 = arith.constant 0 : i32
      %dma_start3A_83 = arith.constant 0 : i32
      %dma_start3A_84 = tpu.memref_slice %arg2[%dma_start3A_82, %dma_start3A_83] : memref<10000x128xf32, #tpu.memory_space<hbm>> -> memref<10000x128xf32, #tpu.memory_space<hbm>>
      tpu.enqueue_indirect_dma source(%dma_start3A_84 : memref<10000x128xf32, #tpu.memory_space<hbm>>) target(%arg9 : memref<128x128xf32, #tpu.memory_space<vmem>>) offsets(%dma_start3A_81 : memref<128xi32, #tpu.memory_space<vmem>>) semaphore(%arg12 : memref<!tpu.dma_semaphore, #tpu.memory_space<semaphore_mem>>)
      %add3A_85 = arith.constant 1 : i32
      %add3A_86 = arith.addi %mul3A_70, %add3A_85 : i32
      %mul3A_87 = arith.constant 128 : i32
      %mul3A_88 = arith.muli %add3A_86, %mul3A_87 : i32
      %dma_wait3A_89 = tpu.memref_slice %arg7[%mul3A_88] : memref<5120xi32, #tpu.memory_space<vmem>> -> memref<128xi32, #tpu.memory_space<vmem>>
      %dma_wait3A_90 = arith.constant 0 : i32
      %dma_wait3A_91 = arith.constant 0 : i32
      %dma_wait3A_92 = tpu.memref_slice %arg2[%dma_wait3A_90, %dma_wait3A_91] : memref<10000x128xf32, #tpu.memory_space<hbm>> -> memref<10000x128xf32, #tpu.memory_space<hbm>>
      tpu.wait_indirect_dma semaphore(%arg13 : memref<!tpu.dma_semaphore, #tpu.memory_space<semaphore_mem>>) src(%dma_wait3A_92 : memref<10000x128xf32, #tpu.memory_space<hbm>>) dst(%arg10 : memref<128x128xf32, #tpu.memory_space<vmem>>)
      %add3A_93 = arith.constant 1 : i32
      %add3A_94 = arith.addi %mul3A_70, %add3A_93 : i32
      "tpu.region"() ({
        %run_scoped3A_103 = tpu.sem_alloc : memref<!tpu.dma_semaphore, #tpu.memory_space<semaphore_mem>>
        %dma_start3A_104 = arith.constant 0 : i32
        %dma_start3A_105 = tpu.memref_slice %arg8[%add3A_94, %dma_start3A_104] : memref<40x128xi32, #tpu.memory_space<vmem>> -> memref<1x128xi32, #tpu.memory_space<vmem>>
        %dma_start3A_106 = tpu.memref_squeeze %dma_start3A_105 : memref<1x128xi32, #tpu.memory_space<vmem>> -> memref<128xi32, #tpu.memory_space<vmem>>
        %dma_start3A_107 = arith.constant 0 : i32
        %dma_start3A_108 = arith.constant 0 : i32
        %dma_start3A_109 = tpu.memref_slice %arg11[%dma_start3A_107, %dma_start3A_108] : memref<10112x128xf32, #tpu.memory_space<vmem_shared>> -> memref<10112x128xf32, #tpu.memory_space<vmem_shared>>
        tpu.enqueue_indirect_dma source(%arg10 : memref<128x128xf32, #tpu.memory_space<vmem>>) target(%dma_start3A_109 : memref<10112x128xf32, #tpu.memory_space<vmem_shared>>) offsets(%dma_start3A_106 : memref<128xi32, #tpu.memory_space<vmem>>) semaphore(%run_scoped3A_103 : memref<!tpu.dma_semaphore, #tpu.memory_space<semaphore_mem>>) {add = true}
        %dma_wait3A_110 = arith.constant 0 : i32
        %dma_wait3A_111 = tpu.memref_slice %arg8[%add3A_94, %dma_wait3A_110] : memref<40x128xi32, #tpu.memory_space<vmem>> -> memref<1x128xi32, #tpu.memory_space<vmem>>
        %dma_wait3A_112 = tpu.memref_squeeze %dma_wait3A_111 : memref<1x128xi32, #tpu.memory_space<vmem>> -> memref<128xi32, #tpu.memory_space<vmem>>
        %dma_wait3A_113 = arith.constant 0 : i32
        %dma_wait3A_114 = arith.constant 0 : i32
        %dma_wait3A_115 = tpu.memref_slice %arg11[%dma_wait3A_113, %dma_wait3A_114] : memref<10112x128xf32, #tpu.memory_space<vmem_shared>> -> memref<10112x128xf32, #tpu.memory_space<vmem_shared>>
        tpu.wait_indirect_dma semaphore(%run_scoped3A_103 : memref<!tpu.dma_semaphore, #tpu.memory_space<semaphore_mem>>) src(%arg10 : memref<128x128xf32, #tpu.memory_space<vmem>>) dst(%dma_wait3A_115 : memref<10112x128xf32, #tpu.memory_space<vmem_shared>>)
        tpu.yield
      }) : () -> ()
      %add3A_95 = arith.constant 3 : i32
      %add3A_96 = arith.addi %mul3A_70, %add3A_95 : i32
      %mul3A_97 = arith.constant 128 : i32
      %mul3A_98 = arith.muli %add3A_96, %mul3A_97 : i32
      %dma_start3A_99 = tpu.memref_slice %arg7[%mul3A_98] : memref<5120xi32, #tpu.memory_space<vmem>> -> memref<128xi32, #tpu.memory_space<vmem>>
      %dma_start3A_100 = arith.constant 0 : i32
      %dma_start3A_101 = arith.constant 0 : i32
      %dma_start3A_102 = tpu.memref_slice %arg2[%dma_start3A_100, %dma_start3A_101] : memref<10000x128xf32, #tpu.memory_space<hbm>> -> memref<10000x128xf32, #tpu.memory_space<hbm>>
      tpu.enqueue_indirect_dma source(%dma_start3A_102 : memref<10000x128xf32, #tpu.memory_space<hbm>>) target(%arg10 : memref<128x128xf32, #tpu.memory_space<vmem>>) offsets(%dma_start3A_99 : memref<128xi32, #tpu.memory_space<vmem>>) semaphore(%arg13 : memref<!tpu.dma_semaphore, #tpu.memory_space<semaphore_mem>>)
    }
    %scan3A_24 = arith.constant 19 : i32
    %dma_wait3A_25 = arith.constant 4864 : i32
    %dma_wait3A_26 = tpu.memref_slice %arg7[%dma_wait3A_25] : memref<5120xi32, #tpu.memory_space<vmem>> -> memref<128xi32, #tpu.memory_space<vmem>>
    %dma_wait3A_27 = arith.constant 0 : i32
    %dma_wait3A_28 = arith.constant 0 : i32
    %dma_wait3A_29 = tpu.memref_slice %arg2[%dma_wait3A_27, %dma_wait3A_28] : memref<10000x128xf32, #tpu.memory_space<hbm>> -> memref<10000x128xf32, #tpu.memory_space<hbm>>
    tpu.wait_indirect_dma semaphore(%arg12 : memref<!tpu.dma_semaphore, #tpu.memory_space<semaphore_mem>>) src(%dma_wait3A_29 : memref<10000x128xf32, #tpu.memory_space<hbm>>) dst(%arg9 : memref<128x128xf32, #tpu.memory_space<vmem>>)
    %run_scoped3A_30 = arith.constant 38 : i32
    "tpu.region"() ({
      %run_scoped3A_68 = tpu.sem_alloc : memref<!tpu.dma_semaphore, #tpu.memory_space<semaphore_mem>>
      %dma_start3A_69 = arith.constant 0 : i32
      %dma_start3A_70 = tpu.memref_slice %arg8[%run_scoped3A_30, %dma_start3A_69] : memref<40x128xi32, #tpu.memory_space<vmem>> -> memref<1x128xi32, #tpu.memory_space<vmem>>
      %dma_start3A_71 = tpu.memref_squeeze %dma_start3A_70 : memref<1x128xi32, #tpu.memory_space<vmem>> -> memref<128xi32, #tpu.memory_space<vmem>>
      %dma_start3A_72 = arith.constant 0 : i32
      %dma_start3A_73 = arith.constant 0 : i32
      %dma_start3A_74 = tpu.memref_slice %arg11[%dma_start3A_72, %dma_start3A_73] : memref<10112x128xf32, #tpu.memory_space<vmem_shared>> -> memref<10112x128xf32, #tpu.memory_space<vmem_shared>>
      tpu.enqueue_indirect_dma source(%arg9 : memref<128x128xf32, #tpu.memory_space<vmem>>) target(%dma_start3A_74 : memref<10112x128xf32, #tpu.memory_space<vmem_shared>>) offsets(%dma_start3A_71 : memref<128xi32, #tpu.memory_space<vmem>>) semaphore(%run_scoped3A_68 : memref<!tpu.dma_semaphore, #tpu.memory_space<semaphore_mem>>) {add = true}
      %dma_wait3A_75 = arith.constant 0 : i32
      %dma_wait3A_76 = tpu.memref_slice %arg8[%run_scoped3A_30, %dma_wait3A_75] : memref<40x128xi32, #tpu.memory_space<vmem>> -> memref<1x128xi32, #tpu.memory_space<vmem>>
      %dma_wait3A_77 = tpu.memref_squeeze %dma_wait3A_76 : memref<1x128xi32, #tpu.memory_space<vmem>> -> memref<128xi32, #tpu.memory_space<vmem>>
      %dma_wait3A_78 = arith.constant 0 : i32
      %dma_wait3A_79 = arith.constant 0 : i32
      %dma_wait3A_80 = tpu.memref_slice %arg11[%dma_wait3A_78, %dma_wait3A_79] : memref<10112x128xf32, #tpu.memory_space<vmem_shared>> -> memref<10112x128xf32, #tpu.memory_space<vmem_shared>>
      tpu.wait_indirect_dma semaphore(%run_scoped3A_68 : memref<!tpu.dma_semaphore, #tpu.memory_space<semaphore_mem>>) src(%arg9 : memref<128x128xf32, #tpu.memory_space<vmem>>) dst(%dma_wait3A_80 : memref<10112x128xf32, #tpu.memory_space<vmem_shared>>)
      tpu.yield
    }) : () -> ()
    %dma_wait3A_31 = arith.constant 4992 : i32
    %dma_wait3A_32 = tpu.memref_slice %arg7[%dma_wait3A_31] : memref<5120xi32, #tpu.memory_space<vmem>> -> memref<128xi32, #tpu.memory_space<vmem>>
    %dma_wait3A_33 = arith.constant 0 : i32
    %dma_wait3A_34 = arith.constant 0 : i32
    %dma_wait3A_35 = tpu.memref_slice %arg2[%dma_wait3A_33, %dma_wait3A_34] : memref<10000x128xf32, #tpu.memory_space<hbm>> -> memref<10000x128xf32, #tpu.memory_space<hbm>>
    tpu.wait_indirect_dma semaphore(%arg13 : memref<!tpu.dma_semaphore, #tpu.memory_space<semaphore_mem>>) src(%dma_wait3A_35 : memref<10000x128xf32, #tpu.memory_space<hbm>>) dst(%arg10 : memref<128x128xf32, #tpu.memory_space<vmem>>)
    %run_scoped3A_36 = arith.constant 39 : i32
    "tpu.region"() ({
      %run_scoped3A_68 = tpu.sem_alloc : memref<!tpu.dma_semaphore, #tpu.memory_space<semaphore_mem>>
      %dma_start3A_69 = arith.constant 0 : i32
      %dma_start3A_70 = tpu.memref_slice %arg8[%run_scoped3A_36, %dma_start3A_69] : memref<40x128xi32, #tpu.memory_space<vmem>> -> memref<1x128xi32, #tpu.memory_space<vmem>>
      %dma_start3A_71 = tpu.memref_squeeze %dma_start3A_70 : memref<1x128xi32, #tpu.memory_space<vmem>> -> memref<128xi32, #tpu.memory_space<vmem>>
      %dma_start3A_72 = arith.constant 0 : i32
      %dma_start3A_73 = arith.constant 0 : i32
      %dma_start3A_74 = tpu.memref_slice %arg11[%dma_start3A_72, %dma_start3A_73] : memref<10112x128xf32, #tpu.memory_space<vmem_shared>> -> memref<10112x128xf32, #tpu.memory_space<vmem_shared>>
      tpu.enqueue_indirect_dma source(%arg10 : memref<128x128xf32, #tpu.memory_space<vmem>>) target(%dma_start3A_74 : memref<10112x128xf32, #tpu.memory_space<vmem_shared>>) offsets(%dma_start3A_71 : memref<128xi32, #tpu.memory_space<vmem>>) semaphore(%run_scoped3A_68 : memref<!tpu.dma_semaphore, #tpu.memory_space<semaphore_mem>>) {add = true}
      %dma_wait3A_75 = arith.constant 0 : i32
      %dma_wait3A_76 = tpu.memref_slice %arg8[%run_scoped3A_36, %dma_wait3A_75] : memref<40x128xi32, #tpu.memory_space<vmem>> -> memref<1x128xi32, #tpu.memory_space<vmem>>
      %dma_wait3A_77 = tpu.memref_squeeze %dma_wait3A_76 : memref<1x128xi32, #tpu.memory_space<vmem>> -> memref<128xi32, #tpu.memory_space<vmem>>
      %dma_wait3A_78 = arith.constant 0 : i32
      %dma_wait3A_79 = arith.constant 0 : i32
      %dma_wait3A_80 = tpu.memref_slice %arg11[%dma_wait3A_78, %dma_wait3A_79] : memref<10112x128xf32, #tpu.memory_space<vmem_shared>> -> memref<10112x128xf32, #tpu.memory_space<vmem_shared>>
      tpu.wait_indirect_dma semaphore(%run_scoped3A_68 : memref<!tpu.dma_semaphore, #tpu.memory_space<semaphore_mem>>) src(%arg10 : memref<128x128xf32, #tpu.memory_space<vmem>>) dst(%dma_wait3A_80 : memref<10112x128xf32, #tpu.memory_space<vmem_shared>>)
      tpu.yield
    }) : () -> ()
    %run_scoped3A_37 = arith.constant 1 : i32
    "tpu.region"() ({
      %run_scoped3A_68 = tpu.sem_alloc : memref<!tpu.dma_semaphore, #tpu.memory_space<semaphore_mem>>
      %dma_start3A_69 = arith.constant 0 : i32
      %dma_start3A_70 = tpu.memref_slice %arg3[%add3A, %run_scoped3A_37, %dma_start3A_69] : memref<32x2x5120xi32, #tpu.memory_space<hbm>> -> memref<1x1x5120xi32, #tpu.memory_space<hbm>>
      %dma_start3A_71 = tpu.memref_squeeze %dma_start3A_70 : memref<1x1x5120xi32, #tpu.memory_space<hbm>> -> memref<5120xi32, #tpu.memory_space<hbm>>
      %dma_start3A_72 = arith.constant 0 : i32
      %dma_start3A_73 = tpu.memref_slice %arg3[%add3A, %run_scoped3A_37, %dma_start3A_72] : memref<32x2x5120xi32, #tpu.memory_space<hbm>> -> memref<1x1x5120xi32, #tpu.memory_space<hbm>>
      %dma_start3A_74 = tpu.memref_squeeze %dma_start3A_73 : memref<1x1x5120xi32, #tpu.memory_space<hbm>> -> memref<5120xi32, #tpu.memory_space<hbm>>
      tpu.enqueue_dma source(%dma_start3A_74 : memref<5120xi32, #tpu.memory_space<hbm>>) target(%arg7 : memref<5120xi32, #tpu.memory_space<vmem>>) target_semaphore(%run_scoped3A_68 : memref<!tpu.dma_semaphore, #tpu.memory_space<semaphore_mem>>)
      %dma_wait3A_75 = arith.constant 0 : i32
      %dma_wait3A_76 = tpu.memref_slice %arg3[%add3A, %run_scoped3A_37, %dma_wait3A_75] : memref<32x2x5120xi32, #tpu.memory_space<hbm>> -> memref<1x1x5120xi32, #tpu.memory_space<hbm>>
      %dma_wait3A_77 = tpu.memref_squeeze %dma_wait3A_76 : memref<1x1x5120xi32, #tpu.memory_space<hbm>> -> memref<5120xi32, #tpu.memory_space<hbm>>
      %dma_wait3A_78 = arith.constant 0 : i32
      %dma_wait3A_79 = tpu.memref_slice %arg3[%add3A, %run_scoped3A_37, %dma_wait3A_78] : memref<32x2x5120xi32, #tpu.memory_space<hbm>> -> memref<1x1x5120xi32, #tpu.memory_space<hbm>>
      %dma_wait3A_80 = tpu.memref_squeeze %dma_wait3A_79 : memref<1x1x5120xi32, #tpu.memory_space<hbm>> -> memref<5120xi32, #tpu.memory_space<hbm>>
      tpu.wait_dma2 semaphore(%run_scoped3A_68 : memref<!tpu.dma_semaphore, #tpu.memory_space<semaphore_mem>>) src(%dma_wait3A_80 : memref<5120xi32, #tpu.memory_space<hbm>>) dst(%arg7 : memref<5120xi32, #tpu.memory_space<vmem>>)
      tpu.yield
    }) : () -> ()
    %run_scoped3A_38 = arith.constant 1 : i32
    "tpu.region"() ({
      %run_scoped3A_68 = tpu.sem_alloc : memref<!tpu.dma_semaphore, #tpu.memory_space<semaphore_mem>>
      %dma_start3A_69 = arith.constant 0 : i32
      %dma_start3A_70 = arith.constant 0 : i32
      %dma_start3A_71 = tpu.memref_slice %arg4[%add3A, %run_scoped3A_38, %dma_start3A_69, %dma_start3A_70] : memref<32x2x40x128xi32, #tpu.memory_space<hbm>> -> memref<1x1x40x128xi32, #tpu.memory_space<hbm>>
      %dma_start3A_72 = tpu.memref_squeeze %dma_start3A_71 : memref<1x1x40x128xi32, #tpu.memory_space<hbm>> -> memref<40x128xi32, #tpu.memory_space<hbm>>
      %dma_start3A_73 = arith.constant 0 : i32
      %dma_start3A_74 = arith.constant 0 : i32
      %dma_start3A_75 = tpu.memref_slice %arg4[%add3A, %run_scoped3A_38, %dma_start3A_73, %dma_start3A_74] : memref<32x2x40x128xi32, #tpu.memory_space<hbm>> -> memref<1x1x40x128xi32, #tpu.memory_space<hbm>>
      %dma_start3A_76 = tpu.memref_squeeze %dma_start3A_75 : memref<1x1x40x128xi32, #tpu.memory_space<hbm>> -> memref<40x128xi32, #tpu.memory_space<hbm>>
      tpu.enqueue_dma source(%dma_start3A_76 : memref<40x128xi32, #tpu.memory_space<hbm>>) target(%arg8 : memref<40x128xi32, #tpu.memory_space<vmem>>) target_semaphore(%run_scoped3A_68 : memref<!tpu.dma_semaphore, #tpu.memory_space<semaphore_mem>>)
      %dma_wait3A_77 = arith.constant 0 : i32
      %dma_wait3A_78 = arith.constant 0 : i32
      %dma_wait3A_79 = tpu.memref_slice %arg4[%add3A, %run_scoped3A_38, %dma_wait3A_77, %dma_wait3A_78] : memref<32x2x40x128xi32, #tpu.memory_space<hbm>> -> memref<1x1x40x128xi32, #tpu.memory_space<hbm>>
      %dma_wait3A_80 = tpu.memref_squeeze %dma_wait3A_79 : memref<1x1x40x128xi32, #tpu.memory_space<hbm>> -> memref<40x128xi32, #tpu.memory_space<hbm>>
      %dma_wait3A_81 = arith.constant 0 : i32
      %dma_wait3A_82 = arith.constant 0 : i32
      %dma_wait3A_83 = tpu.memref_slice %arg4[%add3A, %run_scoped3A_38, %dma_wait3A_81, %dma_wait3A_82] : memref<32x2x40x128xi32, #tpu.memory_space<hbm>> -> memref<1x1x40x128xi32, #tpu.memory_space<hbm>>
      %dma_wait3A_84 = tpu.memref_squeeze %dma_wait3A_83 : memref<1x1x40x128xi32, #tpu.memory_space<hbm>> -> memref<40x128xi32, #tpu.memory_space<hbm>>
      tpu.wait_dma2 semaphore(%run_scoped3A_68 : memref<!tpu.dma_semaphore, #tpu.memory_space<semaphore_mem>>) src(%dma_wait3A_84 : memref<40x128xi32, #tpu.memory_space<hbm>>) dst(%arg8 : memref<40x128xi32, #tpu.memory_space<vmem>>)
      tpu.yield
    }) : () -> ()
    %dma_start3A_39 = arith.constant 0 : i32
    %dma_start3A_40 = tpu.memref_slice %arg7[%dma_start3A_39] : memref<5120xi32, #tpu.memory_space<vmem>> -> memref<128xi32, #tpu.memory_space<vmem>>
    %dma_start3A_41 = arith.constant 0 : i32
    %dma_start3A_42 = arith.constant 0 : i32
    %dma_start3A_43 = tpu.memref_slice %arg2[%dma_start3A_41, %dma_start3A_42] : memref<10000x128xf32, #tpu.memory_space<hbm>> -> memref<10000x128xf32, #tpu.memory_space<hbm>>
    tpu.enqueue_indirect_dma source(%dma_start3A_43 : memref<10000x128xf32, #tpu.memory_space<hbm>>) target(%arg9 : memref<128x128xf32, #tpu.memory_space<vmem>>) offsets(%dma_start3A_40 : memref<128xi32, #tpu.memory_space<vmem>>) semaphore(%arg12 : memref<!tpu.dma_semaphore, #tpu.memory_space<semaphore_mem>>)
    %dma_start3A_44 = arith.constant 128 : i32
    %dma_start3A_45 = tpu.memref_slice %arg7[%dma_start3A_44] : memref<5120xi32, #tpu.memory_space<vmem>> -> memref<128xi32, #tpu.memory_space<vmem>>
    %dma_start3A_46 = arith.constant 0 : i32
    %dma_start3A_47 = arith.constant 0 : i32
    %dma_start3A_48 = tpu.memref_slice %arg2[%dma_start3A_46, %dma_start3A_47] : memref<10000x128xf32, #tpu.memory_space<hbm>> -> memref<10000x128xf32, #tpu.memory_space<hbm>>
    tpu.enqueue_indirect_dma source(%dma_start3A_48 : memref<10000x128xf32, #tpu.memory_space<hbm>>) target(%arg10 : memref<128x128xf32, #tpu.memory_space<vmem>>) offsets(%dma_start3A_45 : memref<128xi32, #tpu.memory_space<vmem>>) semaphore(%arg13 : memref<!tpu.dma_semaphore, #tpu.memory_space<semaphore_mem>>)
    %scan3A_49 = arith.constant 0 : i32
    %scan3A_50 = arith.constant 0 : i32
    %scan3A_51 = arith.constant 19 : i32
    %scan3A_52 = arith.addi %scan3A_50, %scan3A_51 : i32
    %scan3A_53 = arith.constant 1 : i32
    scf.for %scan3A_68 = %scan3A_50 to %scan3A_52 step %scan3A_53  : i32 {
      %mul3A_69 = arith.constant 2 : i32
      %mul3A_70 = arith.muli %mul3A_69, %scan3A_68 : i32
      %mul3A_71 = arith.constant 128 : i32
      %mul3A_72 = arith.muli %mul3A_70, %mul3A_71 : i32
      %dma_wait3A_73 = tpu.memref_slice %arg7[%mul3A_72] : memref<5120xi32, #tpu.memory_space<vmem>> -> memref<128xi32, #tpu.memory_space<vmem>>
      %dma_wait3A_74 = arith.constant 0 : i32
      %dma_wait3A_75 = arith.constant 0 : i32
      %dma_wait3A_76 = tpu.memref_slice %arg2[%dma_wait3A_74, %dma_wait3A_75] : memref<10000x128xf32, #tpu.memory_space<hbm>> -> memref<10000x128xf32, #tpu.memory_space<hbm>>
      tpu.wait_indirect_dma semaphore(%arg12 : memref<!tpu.dma_semaphore, #tpu.memory_space<semaphore_mem>>) src(%dma_wait3A_76 : memref<10000x128xf32, #tpu.memory_space<hbm>>) dst(%arg9 : memref<128x128xf32, #tpu.memory_space<vmem>>)
      "tpu.region"() ({
        %run_scoped3A_103 = tpu.sem_alloc : memref<!tpu.dma_semaphore, #tpu.memory_space<semaphore_mem>>
        %dma_start3A_104 = arith.constant 0 : i32
        %dma_start3A_105 = tpu.memref_slice %arg8[%mul3A_70, %dma_start3A_104] : memref<40x128xi32, #tpu.memory_space<vmem>> -> memref<1x128xi32, #tpu.memory_space<vmem>>
        %dma_start3A_106 = tpu.memref_squeeze %dma_start3A_105 : memref<1x128xi32, #tpu.memory_space<vmem>> -> memref<128xi32, #tpu.memory_space<vmem>>
        %dma_start3A_107 = arith.constant 0 : i32
        %dma_start3A_108 = arith.constant 0 : i32
        %dma_start3A_109 = tpu.memref_slice %arg11[%dma_start3A_107, %dma_start3A_108] : memref<10112x128xf32, #tpu.memory_space<vmem_shared>> -> memref<10112x128xf32, #tpu.memory_space<vmem_shared>>
        tpu.enqueue_indirect_dma source(%arg9 : memref<128x128xf32, #tpu.memory_space<vmem>>) target(%dma_start3A_109 : memref<10112x128xf32, #tpu.memory_space<vmem_shared>>) offsets(%dma_start3A_106 : memref<128xi32, #tpu.memory_space<vmem>>) semaphore(%run_scoped3A_103 : memref<!tpu.dma_semaphore, #tpu.memory_space<semaphore_mem>>) {add = true}
        %dma_wait3A_110 = arith.constant 0 : i32
        %dma_wait3A_111 = tpu.memref_slice %arg8[%mul3A_70, %dma_wait3A_110] : memref<40x128xi32, #tpu.memory_space<vmem>> -> memref<1x128xi32, #tpu.memory_space<vmem>>
        %dma_wait3A_112 = tpu.memref_squeeze %dma_wait3A_111 : memref<1x128xi32, #tpu.memory_space<vmem>> -> memref<128xi32, #tpu.memory_space<vmem>>
        %dma_wait3A_113 = arith.constant 0 : i32
        %dma_wait3A_114 = arith.constant 0 : i32
        %dma_wait3A_115 = tpu.memref_slice %arg11[%dma_wait3A_113, %dma_wait3A_114] : memref<10112x128xf32, #tpu.memory_space<vmem_shared>> -> memref<10112x128xf32, #tpu.memory_space<vmem_shared>>
        tpu.wait_indirect_dma semaphore(%run_scoped3A_103 : memref<!tpu.dma_semaphore, #tpu.memory_space<semaphore_mem>>) src(%arg9 : memref<128x128xf32, #tpu.memory_space<vmem>>) dst(%dma_wait3A_115 : memref<10112x128xf32, #tpu.memory_space<vmem_shared>>)
        tpu.yield
      }) : () -> ()
      %add3A_77 = arith.constant 2 : i32
      %add3A_78 = arith.addi %mul3A_70, %add3A_77 : i32
      %mul3A_79 = arith.constant 128 : i32
      %mul3A_80 = arith.muli %add3A_78, %mul3A_79 : i32
      %dma_start3A_81 = tpu.memref_slice %arg7[%mul3A_80] : memref<5120xi32, #tpu.memory_space<vmem>> -> memref<128xi32, #tpu.memory_space<vmem>>
      %dma_start3A_82 = arith.constant 0 : i32
      %dma_start3A_83 = arith.constant 0 : i32
      %dma_start3A_84 = tpu.memref_slice %arg2[%dma_start3A_82, %dma_start3A_83] : memref<10000x128xf32, #tpu.memory_space<hbm>> -> memref<10000x128xf32, #tpu.memory_space<hbm>>
      tpu.enqueue_indirect_dma source(%dma_start3A_84 : memref<10000x128xf32, #tpu.memory_space<hbm>>) target(%arg9 : memref<128x128xf32, #tpu.memory_space<vmem>>) offsets(%dma_start3A_81 : memref<128xi32, #tpu.memory_space<vmem>>) semaphore(%arg12 : memref<!tpu.dma_semaphore, #tpu.memory_space<semaphore_mem>>)
      %add3A_85 = arith.constant 1 : i32
      %add3A_86 = arith.addi %mul3A_70, %add3A_85 : i32
      %mul3A_87 = arith.constant 128 : i32
      %mul3A_88 = arith.muli %add3A_86, %mul3A_87 : i32
      %dma_wait3A_89 = tpu.memref_slice %arg7[%mul3A_88] : memref<5120xi32, #tpu.memory_space<vmem>> -> memref<128xi32, #tpu.memory_space<vmem>>
      %dma_wait3A_90 = arith.constant 0 : i32
      %dma_wait3A_91 = arith.constant 0 : i32
      %dma_wait3A_92 = tpu.memref_slice %arg2[%dma_wait3A_90, %dma_wait3A_91] : memref<10000x128xf32, #tpu.memory_space<hbm>> -> memref<10000x128xf32, #tpu.memory_space<hbm>>
      tpu.wait_indirect_dma semaphore(%arg13 : memref<!tpu.dma_semaphore, #tpu.memory_space<semaphore_mem>>) src(%dma_wait3A_92 : memref<10000x128xf32, #tpu.memory_space<hbm>>) dst(%arg10 : memref<128x128xf32, #tpu.memory_space<vmem>>)
      %add3A_93 = arith.constant 1 : i32
      %add3A_94 = arith.addi %mul3A_70, %add3A_93 : i32
      "tpu.region"() ({
        %run_scoped3A_103 = tpu.sem_alloc : memref<!tpu.dma_semaphore, #tpu.memory_space<semaphore_mem>>
        %dma_start3A_104 = arith.constant 0 : i32
        %dma_start3A_105 = tpu.memref_slice %arg8[%add3A_94, %dma_start3A_104] : memref<40x128xi32, #tpu.memory_space<vmem>> -> memref<1x128xi32, #tpu.memory_space<vmem>>
        %dma_start3A_106 = tpu.memref_squeeze %dma_start3A_105 : memref<1x128xi32, #tpu.memory_space<vmem>> -> memref<128xi32, #tpu.memory_space<vmem>>
        %dma_start3A_107 = arith.constant 0 : i32
        %dma_start3A_108 = arith.constant 0 : i32
        %dma_start3A_109 = tpu.memref_slice %arg11[%dma_start3A_107, %dma_start3A_108] : memref<10112x128xf32, #tpu.memory_space<vmem_shared>> -> memref<10112x128xf32, #tpu.memory_space<vmem_shared>>
        tpu.enqueue_indirect_dma source(%arg10 : memref<128x128xf32, #tpu.memory_space<vmem>>) target(%dma_start3A_109 : memref<10112x128xf32, #tpu.memory_space<vmem_shared>>) offsets(%dma_start3A_106 : memref<128xi32, #tpu.memory_space<vmem>>) semaphore(%run_scoped3A_103 : memref<!tpu.dma_semaphore, #tpu.memory_space<semaphore_mem>>) {add = true}
        %dma_wait3A_110 = arith.constant 0 : i32
        %dma_wait3A_111 = tpu.memref_slice %arg8[%add3A_94, %dma_wait3A_110] : memref<40x128xi32, #tpu.memory_space<vmem>> -> memref<1x128xi32, #tpu.memory_space<vmem>>
        %dma_wait3A_112 = tpu.memref_squeeze %dma_wait3A_111 : memref<1x128xi32, #tpu.memory_space<vmem>> -> memref<128xi32, #tpu.memory_space<vmem>>
        %dma_wait3A_113 = arith.constant 0 : i32
        %dma_wait3A_114 = arith.constant 0 : i32
        %dma_wait3A_115 = tpu.memref_slice %arg11[%dma_wait3A_113, %dma_wait3A_114] : memref<10112x128xf32, #tpu.memory_space<vmem_shared>> -> memref<10112x128xf32, #tpu.memory_space<vmem_shared>>
        tpu.wait_indirect_dma semaphore(%run_scoped3A_103 : memref<!tpu.dma_semaphore, #tpu.memory_space<semaphore_mem>>) src(%arg10 : memref<128x128xf32, #tpu.memory_space<vmem>>) dst(%dma_wait3A_115 : memref<10112x128xf32, #tpu.memory_space<vmem_shared>>)
        tpu.yield
      }) : () -> ()
      %add3A_95 = arith.constant 3 : i32
      %add3A_96 = arith.addi %mul3A_70, %add3A_95 : i32
      %mul3A_97 = arith.constant 128 : i32
      %mul3A_98 = arith.muli %add3A_96, %mul3A_97 : i32
      %dma_start3A_99 = tpu.memref_slice %arg7[%mul3A_98] : memref<5120xi32, #tpu.memory_space<vmem>> -> memref<128xi32, #tpu.memory_space<vmem>>
      %dma_start3A_100 = arith.constant 0 : i32
      %dma_start3A_101 = arith.constant 0 : i32
      %dma_start3A_102 = tpu.memref_slice %arg2[%dma_start3A_100, %dma_start3A_101] : memref<10000x128xf32, #tpu.memory_space<hbm>> -> memref<10000x128xf32, #tpu.memory_space<hbm>>
      tpu.enqueue_indirect_dma source(%dma_start3A_102 : memref<10000x128xf32, #tpu.memory_space<hbm>>) target(%arg10 : memref<128x128xf32, #tpu.memory_space<vmem>>) offsets(%dma_start3A_99 : memref<128xi32, #tpu.memory_space<vmem>>) semaphore(%arg13 : memref<!tpu.dma_semaphore, #tpu.memory_space<semaphore_mem>>)
    }
    %scan3A_54 = arith.constant 19 : i32
    %dma_wait3A_55 = arith.constant 4864 : i32
    %dma_wait3A_56 = tpu.memref_slice %arg7[%dma_wait3A_55] : memref<5120xi32, #tpu.memory_space<vmem>> -> memref<128xi32, #tpu.memory_space<vmem>>
    %dma_wait3A_57 = arith.constant 0 : i32
    %dma_wait3A_58 = arith.constant 0 : i32
    %dma_wait3A_59 = tpu.memref_slice %arg2[%dma_wait3A_57, %dma_wait3A_58] : memref<10000x128xf32, #tpu.memory_space<hbm>> -> memref<10000x128xf32, #tpu.memory_space<hbm>>
    tpu.wait_indirect_dma semaphore(%arg12 : memref<!tpu.dma_semaphore, #tpu.memory_space<semaphore_mem>>) src(%dma_wait3A_59 : memref<10000x128xf32, #tpu.memory_space<hbm>>) dst(%arg9 : memref<128x128xf32, #tpu.memory_space<vmem>>)
    %run_scoped3A_60 = arith.constant 38 : i32
    "tpu.region"() ({
      %run_scoped3A_68 = tpu.sem_alloc : memref<!tpu.dma_semaphore, #tpu.memory_space<semaphore_mem>>
      %dma_start3A_69 = arith.constant 0 : i32
      %dma_start3A_70 = tpu.memref_slice %arg8[%run_scoped3A_60, %dma_start3A_69] : memref<40x128xi32, #tpu.memory_space<vmem>> -> memref<1x128xi32, #tpu.memory_space<vmem>>
      %dma_start3A_71 = tpu.memref_squeeze %dma_start3A_70 : memref<1x128xi32, #tpu.memory_space<vmem>> -> memref<128xi32, #tpu.memory_space<vmem>>
      %dma_start3A_72 = arith.constant 0 : i32
      %dma_start3A_73 = arith.constant 0 : i32
      %dma_start3A_74 = tpu.memref_slice %arg11[%dma_start3A_72, %dma_start3A_73] : memref<10112x128xf32, #tpu.memory_space<vmem_shared>> -> memref<10112x128xf32, #tpu.memory_space<vmem_shared>>
      tpu.enqueue_indirect_dma source(%arg9 : memref<128x128xf32, #tpu.memory_space<vmem>>) target(%dma_start3A_74 : memref<10112x128xf32, #tpu.memory_space<vmem_shared>>) offsets(%dma_start3A_71 : memref<128xi32, #tpu.memory_space<vmem>>) semaphore(%run_scoped3A_68 : memref<!tpu.dma_semaphore, #tpu.memory_space<semaphore_mem>>) {add = true}
      %dma_wait3A_75 = arith.constant 0 : i32
      %dma_wait3A_76 = tpu.memref_slice %arg8[%run_scoped3A_60, %dma_wait3A_75] : memref<40x128xi32, #tpu.memory_space<vmem>> -> memref<1x128xi32, #tpu.memory_space<vmem>>
      %dma_wait3A_77 = tpu.memref_squeeze %dma_wait3A_76 : memref<1x128xi32, #tpu.memory_space<vmem>> -> memref<128xi32, #tpu.memory_space<vmem>>
      %dma_wait3A_78 = arith.constant 0 : i32
      %dma_wait3A_79 = arith.constant 0 : i32
      %dma_wait3A_80 = tpu.memref_slice %arg11[%dma_wait3A_78, %dma_wait3A_79] : memref<10112x128xf32, #tpu.memory_space<vmem_shared>> -> memref<10112x128xf32, #tpu.memory_space<vmem_shared>>
      tpu.wait_indirect_dma semaphore(%run_scoped3A_68 : memref<!tpu.dma_semaphore, #tpu.memory_space<semaphore_mem>>) src(%arg9 : memref<128x128xf32, #tpu.memory_space<vmem>>) dst(%dma_wait3A_80 : memref<10112x128xf32, #tpu.memory_space<vmem_shared>>)
      tpu.yield
    }) : () -> ()
    %dma_wait3A_61 = arith.constant 4992 : i32
    %dma_wait3A_62 = tpu.memref_slice %arg7[%dma_wait3A_61] : memref<5120xi32, #tpu.memory_space<vmem>> -> memref<128xi32, #tpu.memory_space<vmem>>
    %dma_wait3A_63 = arith.constant 0 : i32
    %dma_wait3A_64 = arith.constant 0 : i32
    %dma_wait3A_65 = tpu.memref_slice %arg2[%dma_wait3A_63, %dma_wait3A_64] : memref<10000x128xf32, #tpu.memory_space<hbm>> -> memref<10000x128xf32, #tpu.memory_space<hbm>>
    tpu.wait_indirect_dma semaphore(%arg13 : memref<!tpu.dma_semaphore, #tpu.memory_space<semaphore_mem>>) src(%dma_wait3A_65 : memref<10000x128xf32, #tpu.memory_space<hbm>>) dst(%arg10 : memref<128x128xf32, #tpu.memory_space<vmem>>)
    %run_scoped3A_66 = arith.constant 39 : i32
    "tpu.region"() ({
      %run_scoped3A_68 = tpu.sem_alloc : memref<!tpu.dma_semaphore, #tpu.memory_space<semaphore_mem>>
      %dma_start3A_69 = arith.constant 0 : i32
      %dma_start3A_70 = tpu.memref_slice %arg8[%run_scoped3A_66, %dma_start3A_69] : memref<40x128xi32, #tpu.memory_space<vmem>> -> memref<1x128xi32, #tpu.memory_space<vmem>>
      %dma_start3A_71 = tpu.memref_squeeze %dma_start3A_70 : memref<1x128xi32, #tpu.memory_space<vmem>> -> memref<128xi32, #tpu.memory_space<vmem>>
      %dma_start3A_72 = arith.constant 0 : i32
      %dma_start3A_73 = arith.constant 0 : i32
      %dma_start3A_74 = tpu.memref_slice %arg11[%dma_start3A_72, %dma_start3A_73] : memref<10112x128xf32, #tpu.memory_space<vmem_shared>> -> memref<10112x128xf32, #tpu.memory_space<vmem_shared>>
      tpu.enqueue_indirect_dma source(%arg10 : memref<128x128xf32, #tpu.memory_space<vmem>>) target(%dma_start3A_74 : memref<10112x128xf32, #tpu.memory_space<vmem_shared>>) offsets(%dma_start3A_71 : memref<128xi32, #tpu.memory_space<vmem>>) semaphore(%run_scoped3A_68 : memref<!tpu.dma_semaphore, #tpu.memory_space<semaphore_mem>>) {add = true}
      %dma_wait3A_75 = arith.constant 0 : i32
      %dma_wait3A_76 = tpu.memref_slice %arg8[%run_scoped3A_66, %dma_wait3A_75] : memref<40x128xi32, #tpu.memory_space<vmem>> -> memref<1x128xi32, #tpu.memory_space<vmem>>
      %dma_wait3A_77 = tpu.memref_squeeze %dma_wait3A_76 : memref<1x128xi32, #tpu.memory_space<vmem>> -> memref<128xi32, #tpu.memory_space<vmem>>
      %dma_wait3A_78 = arith.constant 0 : i32
      %dma_wait3A_79 = arith.constant 0 : i32
      %dma_wait3A_80 = tpu.memref_slice %arg11[%dma_wait3A_78, %dma_wait3A_79] : memref<10112x128xf32, #tpu.memory_space<vmem_shared>> -> memref<10112x128xf32, #tpu.memory_space<vmem_shared>>
      tpu.wait_indirect_dma semaphore(%run_scoped3A_68 : memref<!tpu.dma_semaphore, #tpu.memory_space<semaphore_mem>>) src(%arg10 : memref<128x128xf32, #tpu.memory_space<vmem>>) dst(%dma_wait3A_80 : memref<10112x128xf32, #tpu.memory_space<vmem_shared>>)
      tpu.yield
    }) : () -> ()
    %barrier3A_67 = arith.constant 0 : index
    tpu.barrier barrier_id(%barrier3A_67)
    "tpu.region"() ({
      %run_scoped3A_68 = tpu.sem_alloc : memref<!tpu.dma_semaphore, #tpu.memory_space<semaphore_mem>>
      %dma_start3A_69 = arith.constant 0 : i32
      %dma_start3A_70 = tpu.memref_slice %arg6[%arg0, %mul3A_2, %dma_start3A_69] : memref<2x10112x128xf32, #tpu.memory_space<hbm>> -> memref<1x632x128xf32, #tpu.memory_space<hbm>>
      %dma_start3A_71 = tpu.memref_squeeze %dma_start3A_70 : memref<1x632x128xf32, #tpu.memory_space<hbm>> -> memref<632x128xf32, #tpu.memory_space<hbm>>
      %dma_start3A_72 = arith.constant 0 : i32
      %dma_start3A_73 = tpu.memref_slice %arg11[%mul3A_2, %dma_start3A_72] : memref<10112x128xf32, #tpu.memory_space<vmem_shared>> -> memref<632x128xf32, #tpu.memory_space<vmem_shared>>
      tpu.enqueue_dma source(%dma_start3A_73 : memref<632x128xf32, #tpu.memory_space<vmem_shared>>) target(%dma_start3A_71 : memref<632x128xf32, #tpu.memory_space<hbm>>) target_semaphore(%run_scoped3A_68 : memref<!tpu.dma_semaphore, #tpu.memory_space<semaphore_mem>>)
      %dma_wait3A_74 = arith.constant 0 : i32
      %dma_wait3A_75 = tpu.memref_slice %arg6[%arg0, %mul3A_2, %dma_wait3A_74] : memref<2x10112x128xf32, #tpu.memory_space<hbm>> -> memref<1x632x128xf32, #tpu.memory_space<hbm>>
      %dma_wait3A_76 = tpu.memref_squeeze %dma_wait3A_75 : memref<1x632x128xf32, #tpu.memory_space<hbm>> -> memref<632x128xf32, #tpu.memory_space<hbm>>
      %dma_wait3A_77 = arith.constant 0 : i32
      %dma_wait3A_78 = tpu.memref_slice %arg11[%mul3A_2, %dma_wait3A_77] : memref<10112x128xf32, #tpu.memory_space<vmem_shared>> -> memref<632x128xf32, #tpu.memory_space<vmem_shared>>
      tpu.wait_dma2 semaphore(%run_scoped3A_68 : memref<!tpu.dma_semaphore, #tpu.memory_space<semaphore_mem>>) src(%dma_wait3A_78 : memref<632x128xf32, #tpu.memory_space<vmem_shared>>) dst(%dma_wait3A_76 : memref<632x128xf32, #tpu.memory_space<hbm>>)
      tpu.yield
    }) : () -> ()
    return
  }
}

module attributes {stable_mosaic.version = 14 : i64} {
  func.func @_tc1_body(%arg0: i32, %arg1: memref<5000x128xf32, #tpu.memory_space<vmem>>, %arg2: memref<2x5000x1xf32, #tpu.memory_space<vmem>>, %arg3: memref<5000x128xf32, #tpu.memory_space<vmem>>) attributes {dimension_semantics = [#tpu.dimension_semantics<arbitrary>], iteration_bounds = array<i64: 2>, scalar_prefetch = 0 : i64, scratch_operands = 0 : i64, tpu.core_type = #tpu.core_type<tc>, window_params = [{transform_indices = @transform_0, window_bounds = array<i64: 5000, 128>}, {transform_indices = @transform_1, window_bounds = array<i64: 2, 5000, 1>}, {transform_indices = @transform_2, window_bounds = array<i64: 5000, 128>}]} {
    %get3A = arith.constant 0 : index
    %get3A_0 = arith.constant 0 : index
    %get3A_1 = arith.constant 0 : index
    %get3A_2 = vector.load %arg2[%get3A, %get3A_0, %get3A_1] : memref<2x5000x1xf32, #tpu.memory_space<vmem>>, vector<1x5000x1xf32>
    %get3A_3 = vector.shape_cast %get3A_2 : vector<1x5000x1xf32> to vector<5000xf32>
    %get3A_4 = arith.constant 1 : index
    %get3A_5 = arith.constant 0 : index
    %get3A_6 = arith.constant 0 : index
    %get3A_7 = vector.load %arg2[%get3A_4, %get3A_5, %get3A_6] : memref<2x5000x1xf32, #tpu.memory_space<vmem>>, vector<1x5000x1xf32>
    %get3A_8 = vector.shape_cast %get3A_7 : vector<1x5000x1xf32> to vector<5000xf32>
    %add3A = arith.addf %get3A_3, %get3A_8 : vector<5000xf32>
    %add3A_9 = arith.constant 1.000000e+00 : f32
    %add3A_10 = vector.broadcast %add3A_9 : f32 to vector<5000xf32>
    %add3A_11 = arith.addf %add3A, %add3A_10 : vector<5000xf32>
    %rsqrt3A = math.rsqrt %add3A_11 : vector<5000xf32>
    %get3A_12 = arith.constant 0 : index
    %get3A_13 = arith.constant 0 : index
    %get3A_14 = vector.load %arg1[%get3A_12, %get3A_13] : memref<5000x128xf32, #tpu.memory_space<vmem>>, vector<5000x128xf32>
    %broadcast_in_dim3A = vector.shape_cast %rsqrt3A : vector<5000xf32> to vector<5000x1xf32>
    %mul3A = vector.broadcast %broadcast_in_dim3A : vector<5000x1xf32> to vector<5000x128xf32>
    %mul3A_15 = arith.mulf %get3A_14, %mul3A : vector<5000x128xf32>
    %swap3A = arith.constant 0 : index
    %swap3A_16 = arith.constant 0 : index
    %swap3A_17 = vector.load %arg3[%swap3A, %swap3A_16] : memref<5000x128xf32, #tpu.memory_space<vmem>>, vector<5000x128xf32>
    tpu.vector_store %arg3[%swap3A, %swap3A_16], %mul3A_15 {strides = array<i32>} : memref<5000x128xf32, #tpu.memory_space<vmem>>, vector<5000x128xf32>,
    return
  }
  func.func @transform_0(%arg0: i32) -> (i32, i32) {
    %c0_i32 = arith.constant 0 : i32
    %c0_i32_0 = arith.constant 0 : i32
    return %arg0, %c0_i32 : i32, i32
  }
  func.func @transform_1(%arg0: i32) -> (i32, i32, i32) {
    %c0_i32 = arith.constant 0 : i32
    %c0_i32_0 = arith.constant 0 : i32
    %c0_i32_1 = arith.constant 0 : i32
    return %c0_i32, %arg0, %c0_i32_0 : i32, i32, i32
  }
  func.func @transform_2(%arg0: i32) -> (i32, i32) {
    %c0_i32 = arith.constant 0 : i32
    %c0_i32_0 = arith.constant 0 : i32
    return %arg0, %c0_i32 : i32, i32
  }
}

module attributes {stable_mosaic.version = 14 : i64} {
  func.func @_tc2_body(%arg0: i32, %arg1: memref<2x5000x128xf32, #tpu.memory_space<vmem>>, %arg2: memref<5000x128xf32, #tpu.memory_space<vmem>>, %arg3: memref<2x5000x1xf32, #tpu.memory_space<vmem>>, %arg4: memref<128x180xf32, #tpu.memory_space<vmem>>, %arg5: memref<1x180xf32, #tpu.memory_space<vmem>>, %arg6: memref<180x128xf32, #tpu.memory_space<vmem>>, %arg7: memref<5000x128xf32, #tpu.memory_space<vmem>>) attributes {dimension_semantics = [#tpu.dimension_semantics<arbitrary>], iteration_bounds = array<i64: 2>, scalar_prefetch = 0 : i64, scratch_operands = 0 : i64, tpu.core_type = #tpu.core_type<tc>, window_params = [{transform_indices = @transform_0, window_bounds = array<i64: 2, 5000, 128>}, {transform_indices = @transform_1, window_bounds = array<i64: 5000, 128>}, {transform_indices = @transform_2, window_bounds = array<i64: 2, 5000, 1>}, {pipeline_mode = #tpu.pipeline_mode<synchronous>, transform_indices = @transform_3, window_bounds = array<i64: 128, 180>}, {pipeline_mode = #tpu.pipeline_mode<synchronous>, transform_indices = @transform_4, window_bounds = array<i64: 1, 180>}, {pipeline_mode = #tpu.pipeline_mode<synchronous>, transform_indices = @transform_5, window_bounds = array<i64: 180, 128>}, {transform_indices = @transform_6, window_bounds = array<i64: 5000, 128>}]} {
    %get3A = arith.constant 0 : index
    %get3A_0 = arith.constant 0 : index
    %get3A_1 = arith.constant 0 : index
    %get3A_2 = vector.load %arg3[%get3A, %get3A_0, %get3A_1] : memref<2x5000x1xf32, #tpu.memory_space<vmem>>, vector<1x5000x1xf32>
    %get3A_3 = vector.shape_cast %get3A_2 : vector<1x5000x1xf32> to vector<5000xf32>
    %get3A_4 = arith.constant 1 : index
    %get3A_5 = arith.constant 0 : index
    %get3A_6 = arith.constant 0 : index
    %get3A_7 = vector.load %arg3[%get3A_4, %get3A_5, %get3A_6] : memref<2x5000x1xf32, #tpu.memory_space<vmem>>, vector<1x5000x1xf32>
    %get3A_8 = vector.shape_cast %get3A_7 : vector<1x5000x1xf32> to vector<5000xf32>
    %add3A = arith.addf %get3A_3, %get3A_8 : vector<5000xf32>
    %add3A_9 = arith.constant 1.000000e+00 : f32
    %add3A_10 = vector.broadcast %add3A_9 : f32 to vector<5000xf32>
    %add3A_11 = arith.addf %add3A, %add3A_10 : vector<5000xf32>
    %rsqrt3A = math.rsqrt %add3A_11 : vector<5000xf32>
    %get3A_12 = arith.constant 0 : index
    %get3A_13 = arith.constant 0 : index
    %get3A_14 = arith.constant 0 : index
    %get3A_15 = vector.load %arg1[%get3A_12, %get3A_13, %get3A_14] : memref<2x5000x128xf32, #tpu.memory_space<vmem>>, vector<1x5000x128xf32>
    %get3A_16 = vector.shape_cast %get3A_15 : vector<1x5000x128xf32> to vector<5000x128xf32>
    %get3A_17 = arith.constant 1 : index
    %get3A_18 = arith.constant 0 : index
    %get3A_19 = arith.constant 0 : index
    %get3A_20 = vector.load %arg1[%get3A_17, %get3A_18, %get3A_19] : memref<2x5000x128xf32, #tpu.memory_space<vmem>>, vector<1x5000x128xf32>
    %get3A_21 = vector.shape_cast %get3A_20 : vector<1x5000x128xf32> to vector<5000x128xf32>
    %add3A_22 = arith.addf %get3A_16, %get3A_21 : vector<5000x128xf32>
    %get3A_23 = arith.constant 0 : index
    %get3A_24 = arith.constant 0 : index
    %get3A_25 = vector.load %arg2[%get3A_23, %get3A_24] : memref<5000x128xf32, #tpu.memory_space<vmem>>, vector<5000x128xf32>
    %add3A_26 = arith.addf %add3A_22, %get3A_25 : vector<5000x128xf32>
    %broadcast_in_dim3A = vector.shape_cast %rsqrt3A : vector<5000xf32> to vector<5000x1xf32>
    %mul3A = vector.broadcast %broadcast_in_dim3A : vector<5000x1xf32> to vector<5000x128xf32>
    %mul3A_27 = arith.mulf %add3A_26, %mul3A : vector<5000x128xf32>
    %get3A_28 = arith.constant 0 : index
    %get3A_29 = arith.constant 0 : index
    %get3A_30 = vector.load %arg4[%get3A_28, %get3A_29] : memref<128x180xf32, #tpu.memory_space<vmem>>, vector<128x180xf32>
    %dot_general3A = arith.constant dense<0.000000e+00> : vector<5000x180xf32>
    %dot_general3A_31 = tpu.matmul %mul3A_27, %get3A_30, %dot_general3A {dimension_numbers = #tpu.dot_dimension_numbers<[1], [0], [0], [1], [0, 0, 1, 1], [], []>, transpose_lhs_hint = false} : vector<5000x128xf32>, vector<128x180xf32>, vector<5000x180xf32> -> vector<5000x180xf32>
    %get3A_32 = arith.constant 0 : index
    %get3A_33 = arith.constant 0 : index
    %get3A_34 = vector.load %arg5[%get3A_32, %get3A_33] : memref<1x180xf32, #tpu.memory_space<vmem>>, vector<1x180xf32>
    %add3A_35 = vector.broadcast %get3A_34 : vector<1x180xf32> to vector<5000x180xf32>
    %add3A_36 = arith.addf %dot_general3A_31, %add3A_35 : vector<5000x180xf32>
    %ge3A = arith.constant 0.000000e+00 : f32
    %ge3A_37 = vector.broadcast %ge3A : f32 to vector<5000x180xf32>
    %ge3A_38 = arith.cmpf oge, %add3A_36, %ge3A_37 : vector<5000x180xf32>
    %mul3A_39 = arith.constant 0.00999999977 : f32
    %mul3A_40 = vector.broadcast %mul3A_39 : f32 to vector<5000x180xf32>
    %mul3A_41 = arith.mulf %mul3A_40, %add3A_36 : vector<5000x180xf32>
    %select_n3A = arith.select %ge3A_38, %add3A_36, %mul3A_41 : vector<5000x180xi1>, vector<5000x180xf32>
    %get3A_42 = arith.constant 0 : index
    %get3A_43 = arith.constant 0 : index
    %get3A_44 = vector.load %arg6[%get3A_42, %get3A_43] : memref<180x128xf32, #tpu.memory_space<vmem>>, vector<180x128xf32>
    %dot_general3A_45 = arith.constant dense<0.000000e+00> : vector<5000x128xf32>
    %dot_general3A_46 = tpu.matmul %select_n3A, %get3A_44, %dot_general3A_45 {dimension_numbers = #tpu.dot_dimension_numbers<[1], [0], [0], [1], [0, 0, 1, 1], [], []>, transpose_lhs_hint = false} : vector<5000x180xf32>, vector<180x128xf32>, vector<5000x128xf32> -> vector<5000x128xf32>
    %broadcast_in_dim3A_47 = vector.shape_cast %rsqrt3A : vector<5000xf32> to vector<5000x1xf32>
    %mul3A_48 = vector.broadcast %broadcast_in_dim3A_47 : vector<5000x1xf32> to vector<5000x128xf32>
    %mul3A_49 = arith.mulf %dot_general3A_46, %mul3A_48 : vector<5000x128xf32>
    %swap3A = arith.constant 0 : index
    %swap3A_50 = arith.constant 0 : index
    %swap3A_51 = vector.load %arg7[%swap3A, %swap3A_50] : memref<5000x128xf32, #tpu.memory_space<vmem>>, vector<5000x128xf32>
    tpu.vector_store %arg7[%swap3A, %swap3A_50], %mul3A_49 {strides = array<i32>} : memref<5000x128xf32, #tpu.memory_space<vmem>>, vector<5000x128xf32>,
    return
  }
  func.func @transform_0(%arg0: i32) -> (i32, i32, i32) {
    %c0_i32 = arith.constant 0 : i32
    %c0_i32_0 = arith.constant 0 : i32
    %c0_i32_1 = arith.constant 0 : i32
    return %c0_i32, %arg0, %c0_i32_0 : i32, i32, i32
  }
  func.func @transform_1(%arg0: i32) -> (i32, i32) {
    %c0_i32 = arith.constant 0 : i32
    %c0_i32_0 = arith.constant 0 : i32
    return %arg0, %c0_i32 : i32, i32
  }
  func.func @transform_2(%arg0: i32) -> (i32, i32, i32) {
    %c0_i32 = arith.constant 0 : i32
    %c0_i32_0 = arith.constant 0 : i32
    %c0_i32_1 = arith.constant 0 : i32
    return %c0_i32, %arg0, %c0_i32_0 : i32, i32, i32
  }
  func.func @transform_3(%arg0: i32) -> (i32, i32) {
    %c0_i32 = arith.constant 0 : i32
    %c0_i32_0 = arith.constant 0 : i32
    %c0_i32_1 = arith.constant 0 : i32
    return %c0_i32, %c0_i32_0 : i32, i32
  }
  func.func @transform_4(%arg0: i32) -> (i32, i32) {
    %c0_i32 = arith.constant 0 : i32
    %c0_i32_0 = arith.constant 0 : i32
    %c0_i32_1 = arith.constant 0 : i32
    return %c0_i32, %c0_i32_0 : i32, i32
  }
  func.func @transform_5(%arg0: i32) -> (i32, i32) {
    %c0_i32 = arith.constant 0 : i32
    %c0_i32_0 = arith.constant 0 : i32
    %c0_i32_1 = arith.constant 0 : i32
    return %c0_i32, %c0_i32_0 : i32, i32
  }
  func.func @transform_6(%arg0: i32) -> (i32, i32) {
    %c0_i32 = arith.constant 0 : i32
    %c0_i32_0 = arith.constant 0 : i32
    return %arg0, %c0_i32 : i32, i32
  }
}

module attributes {stable_mosaic.version = 14 : i64} {
  func.func @_tc3_body(%arg0: i32, %arg1: memref<2x5000x128xf32, #tpu.memory_space<vmem>>, %arg2: memref<5000x128xf32, #tpu.memory_space<vmem>>, %arg3: memref<2x5000x1xf32, #tpu.memory_space<vmem>>, %arg4: memref<1x128xf32, #tpu.memory_space<vmem>>, %arg5: memref<128x40xf32, #tpu.memory_space<vmem>>, %arg6: memref<1x40xf32, #tpu.memory_space<vmem>>, %arg7: memref<5000x40xf32, #tpu.memory_space<vmem>>) attributes {dimension_semantics = [#tpu.dimension_semantics<arbitrary>], iteration_bounds = array<i64: 2>, scalar_prefetch = 0 : i64, scratch_operands = 0 : i64, tpu.core_type = #tpu.core_type<tc>, window_params = [{transform_indices = @transform_0, window_bounds = array<i64: 2, 5000, 128>}, {transform_indices = @transform_1, window_bounds = array<i64: 5000, 128>}, {transform_indices = @transform_2, window_bounds = array<i64: 2, 5000, 1>}, {pipeline_mode = #tpu.pipeline_mode<synchronous>, transform_indices = @transform_3, window_bounds = array<i64: 1, 128>}, {pipeline_mode = #tpu.pipeline_mode<synchronous>, transform_indices = @transform_4, window_bounds = array<i64: 128, 40>}, {pipeline_mode = #tpu.pipeline_mode<synchronous>, transform_indices = @transform_5, window_bounds = array<i64: 1, 40>}, {transform_indices = @transform_6, window_bounds = array<i64: 5000, 40>}]} {
    %get3A = arith.constant 0 : index
    %get3A_0 = arith.constant 0 : index
    %get3A_1 = arith.constant 0 : index
    %get3A_2 = vector.load %arg3[%get3A, %get3A_0, %get3A_1] : memref<2x5000x1xf32, #tpu.memory_space<vmem>>, vector<1x5000x1xf32>
    %get3A_3 = vector.shape_cast %get3A_2 : vector<1x5000x1xf32> to vector<5000xf32>
    %get3A_4 = arith.constant 1 : index
    %get3A_5 = arith.constant 0 : index
    %get3A_6 = arith.constant 0 : index
    %get3A_7 = vector.load %arg3[%get3A_4, %get3A_5, %get3A_6] : memref<2x5000x1xf32, #tpu.memory_space<vmem>>, vector<1x5000x1xf32>
    %get3A_8 = vector.shape_cast %get3A_7 : vector<1x5000x1xf32> to vector<5000xf32>
    %add3A = arith.addf %get3A_3, %get3A_8 : vector<5000xf32>
    %add3A_9 = arith.constant 1.000000e+00 : f32
    %add3A_10 = vector.broadcast %add3A_9 : f32 to vector<5000xf32>
    %add3A_11 = arith.addf %add3A, %add3A_10 : vector<5000xf32>
    %rsqrt3A = math.rsqrt %add3A_11 : vector<5000xf32>
    %get3A_12 = arith.constant 0 : index
    %get3A_13 = arith.constant 0 : index
    %get3A_14 = arith.constant 0 : index
    %get3A_15 = vector.load %arg1[%get3A_12, %get3A_13, %get3A_14] : memref<2x5000x128xf32, #tpu.memory_space<vmem>>, vector<1x5000x128xf32>
    %get3A_16 = vector.shape_cast %get3A_15 : vector<1x5000x128xf32> to vector<5000x128xf32>
    %get3A_17 = arith.constant 1 : index
    %get3A_18 = arith.constant 0 : index
    %get3A_19 = arith.constant 0 : index
    %get3A_20 = vector.load %arg1[%get3A_17, %get3A_18, %get3A_19] : memref<2x5000x128xf32, #tpu.memory_space<vmem>>, vector<1x5000x128xf32>
    %get3A_21 = vector.shape_cast %get3A_20 : vector<1x5000x128xf32> to vector<5000x128xf32>
    %add3A_22 = arith.addf %get3A_16, %get3A_21 : vector<5000x128xf32>
    %get3A_23 = arith.constant 0 : index
    %get3A_24 = arith.constant 0 : index
    %get3A_25 = vector.load %arg2[%get3A_23, %get3A_24] : memref<5000x128xf32, #tpu.memory_space<vmem>>, vector<5000x128xf32>
    %add3A_26 = arith.addf %add3A_22, %get3A_25 : vector<5000x128xf32>
    %broadcast_in_dim3A = vector.shape_cast %rsqrt3A : vector<5000xf32> to vector<5000x1xf32>
    %mul3A = vector.broadcast %broadcast_in_dim3A : vector<5000x1xf32> to vector<5000x128xf32>
    %mul3A_27 = arith.mulf %add3A_26, %mul3A : vector<5000x128xf32>
    %get3A_28 = arith.constant 0 : index
    %get3A_29 = arith.constant 0 : index
    %get3A_30 = vector.load %arg4[%get3A_28, %get3A_29] : memref<1x128xf32, #tpu.memory_space<vmem>>, vector<1x128xf32>
    %add3A_31 = vector.broadcast %get3A_30 : vector<1x128xf32> to vector<5000x128xf32>
    %add3A_32 = arith.addf %mul3A_27, %add3A_31 : vector<5000x128xf32>
    %ge3A = arith.constant 0.000000e+00 : f32
    %ge3A_33 = vector.broadcast %ge3A : f32 to vector<5000x128xf32>
    %ge3A_34 = arith.cmpf oge, %add3A_32, %ge3A_33 : vector<5000x128xf32>
    %mul3A_35 = arith.constant 0.00999999977 : f32
    %mul3A_36 = vector.broadcast %mul3A_35 : f32 to vector<5000x128xf32>
    %mul3A_37 = arith.mulf %mul3A_36, %add3A_32 : vector<5000x128xf32>
    %select_n3A = arith.select %ge3A_34, %add3A_32, %mul3A_37 : vector<5000x128xi1>, vector<5000x128xf32>
    %get3A_38 = arith.constant 0 : index
    %get3A_39 = arith.constant 0 : index
    %get3A_40 = vector.load %arg5[%get3A_38, %get3A_39] : memref<128x40xf32, #tpu.memory_space<vmem>>, vector<128x40xf32>
    %dot_general3A = arith.constant dense<0.000000e+00> : vector<5000x40xf32>
    %dot_general3A_41 = tpu.matmul %select_n3A, %get3A_40, %dot_general3A {dimension_numbers = #tpu.dot_dimension_numbers<[1], [0], [0], [1], [0, 0, 1, 1], [], []>, transpose_lhs_hint = false} : vector<5000x128xf32>, vector<128x40xf32>, vector<5000x40xf32> -> vector<5000x40xf32>
    %get3A_42 = arith.constant 0 : index
    %get3A_43 = arith.constant 0 : index
    %get3A_44 = vector.load %arg6[%get3A_42, %get3A_43] : memref<1x40xf32, #tpu.memory_space<vmem>>, vector<1x40xf32>
    %add3A_45 = vector.broadcast %get3A_44 : vector<1x40xf32> to vector<5000x40xf32>
    %add3A_46 = arith.addf %dot_general3A_41, %add3A_45 : vector<5000x40xf32>
    %reduce_max3A = arith.constant dense<0xFF800000> : vector<5000xf32>
    %reduce_max3A_47 = vector.multi_reduction <maximumf>, %add3A_46, %reduce_max3A [1] : vector<5000x40xf32> to vector<5000xf32>
    %broadcast_in_dim3A_48 = vector.shape_cast %reduce_max3A_47 : vector<5000xf32> to vector<5000x1xf32>
    %sub3A = vector.broadcast %broadcast_in_dim3A_48 : vector<5000x1xf32> to vector<5000x40xf32>
    %sub3A_49 = arith.subf %add3A_46, %sub3A : vector<5000x40xf32>
    %exp3A = math.exp %sub3A_49 : vector<5000x40xf32>
    %reduce_sum3A = arith.constant dense<0.000000e+00> : vector<5000xf32>
    %reduce_sum3A_50 = vector.multi_reduction <add>, %exp3A, %reduce_sum3A [1] : vector<5000x40xf32> to vector<5000xf32>
    %broadcast_in_dim3A_51 = vector.shape_cast %reduce_sum3A_50 : vector<5000xf32> to vector<5000x1xf32>
    %log3A = math.log %broadcast_in_dim3A_51 : vector<5000x1xf32>
    %add3A_52 = arith.addf %log3A, %broadcast_in_dim3A_48 : vector<5000x1xf32>
    %sub3A_53 = vector.broadcast %add3A_52 : vector<5000x1xf32> to vector<5000x40xf32>
    %sub3A_54 = arith.subf %add3A_46, %sub3A_53 : vector<5000x40xf32>
    %swap3A = arith.constant 0 : index
    %swap3A_55 = arith.constant 0 : index
    %swap3A_56 = vector.load %arg7[%swap3A, %swap3A_55] : memref<5000x40xf32, #tpu.memory_space<vmem>>, vector<5000x40xf32>
    tpu.vector_store %arg7[%swap3A, %swap3A_55], %sub3A_54 {strides = array<i32>} : memref<5000x40xf32, #tpu.memory_space<vmem>>, vector<5000x40xf32>,
    return
  }
  func.func @transform_0(%arg0: i32) -> (i32, i32, i32) {
    %c0_i32 = arith.constant 0 : i32
    %c0_i32_0 = arith.constant 0 : i32
    %c0_i32_1 = arith.constant 0 : i32
    return %c0_i32, %arg0, %c0_i32_0 : i32, i32, i32
  }
  func.func @transform_1(%arg0: i32) -> (i32, i32) {
    %c0_i32 = arith.constant 0 : i32
    %c0_i32_0 = arith.constant 0 : i32
    return %arg0, %c0_i32 : i32, i32
  }
  func.func @transform_2(%arg0: i32) -> (i32, i32, i32) {
    %c0_i32 = arith.constant 0 : i32
    %c0_i32_0 = arith.constant 0 : i32
    %c0_i32_1 = arith.constant 0 : i32
    return %c0_i32, %arg0, %c0_i32_0 : i32, i32, i32
  }
  func.func @transform_3(%arg0: i32) -> (i32, i32) {
    %c0_i32 = arith.constant 0 : i32
    %c0_i32_0 = arith.constant 0 : i32
    %c0_i32_1 = arith.constant 0 : i32
    return %c0_i32, %c0_i32_0 : i32, i32
  }
  func.func @transform_4(%arg0: i32) -> (i32, i32) {
    %c0_i32 = arith.constant 0 : i32
    %c0_i32_0 = arith.constant 0 : i32
    %c0_i32_1 = arith.constant 0 : i32
    return %c0_i32, %c0_i32_0 : i32, i32
  }
  func.func @transform_5(%arg0: i32) -> (i32, i32) {
    %c0_i32 = arith.constant 0 : i32
    %c0_i32_0 = arith.constant 0 : i32
    %c0_i32_1 = arith.constant 0 : i32
    return %c0_i32, %c0_i32_0 : i32, i32
  }
  func.func @transform_6(%arg0: i32) -> (i32, i32) {
    %c0_i32 = arith.constant 0 : i32
    %c0_i32_0 = arith.constant 0 : i32
    return %arg0, %c0_i32 : i32, i32
  }
}

</mosaic_0001>

<sc_bundles>
// kernel: kernel.11.cloned.1.call-start
scs
__scs_entry_jumppad:
0x0: {  	(pc) =	sbr.rel $0x88, $3  }
0x1: {  	(tag) =	ssettag $0x0;
	lr =	simm.s32 $0x1  }
0x2: {  	[smem:$0x3F99] =	sst lr;
	_ =	strace $0xD0000000  }
0x3: {  	_ = 	snop  }
0x4: {  	_ = 	snop  }
0x5: {  	_ = 	snop  }
0x6: {  	_ = 	snop  }
0x7: {  	_ = 	snop  }
__scs_overlays_trampoline_lowered:
0x8: {  	[smem:$0x3FA8] =	sst s0  }
0x9: {  	[smem:$0x3FA9] =	sst s1  }
0xa: {  	[smem:$0x3FAA] =	sst s2  }
0xb: {  	[smem:$0x3FAB] =	sst s3  }
0xc: {  	[smem:$0x3FAC] =	sst s4  }
0xd: {  	[smem:$0x3FAD] =	sst s5  }
0xe: {  	[smem:$0x3FAE] =	sst s6  }
0xf: {  	[smem:$0x3FAF] =	sst s7  }
0x10: {  	[smem:$0x3FB0] =	sst s8  }
0x11: {  	[smem:$0x3FB1] =	sst s9;
	s0 =	simm.s32 @!p0 $0x0  }
0x12: {  	s1 =	sld [smem:$0x3F97];
	s0 =	simm.s32 @p0 $0x1  }
0x13: {  	[smem:$0x3FB2] =	sst s0;
	s0 =	simm.s32 @!p1 $0x0  }
0x14: {  	s2 =	sld [smem:$0x3F96];
	s0 =	simm.s32 @p1 $0x1  }
0x15: {  	[smem:$0x3FB3] =	sst s0;
	s0 =	simm.s32 @!p2 $0x0  }
0x16: {  	s3 =	sld [smem:$0x3FDB];
	s0 =	simm.s32 @p2 $0x1  }
0x17: {  	s4 =	simm.s32 $0x1BF5;
	[smem:$0x3FB5] =	sst s0  }
0x18: {  	s0 =	sld [smem:$0x3F98];
	_ =	swait.ge [sflag:s4], $0x0  }
0x19: {  	s7 =	sld [smem:$0x3F99]  }
0x1a: {  	s8 =	sadd.s32 $0xFFFFE003, lr  }
0x1b: {  	s9 =	sadd.s32 $0xFFFFFEF7, lr;
	s5 =	simm.s32 $0xFFFFFFFF;
	p2 =	slt.u32 s8, $0xFFFFF086  }
0x1c: {  	p1 =	slt.u32 s9, $0xF7A;
	s5 =	simm.s32 @!p2 $0x0  }
0x1d: {  	s5 =	simm.s32 @p1 $0x1;
	p0 =	seq.s32 s7, s2  }
0x1e: {  	s7 =	smul.u32 @!p0 $0xF7A, s2;
	p2 =	seq.s32 @!p0 s5, $0x0  }
0x1f: {  	s9 =	smul.u32 $0xF7A, s1;
	s8 =	simm.s32 @!p0 $0x1BF5;
	p2 =	por !p2, p0  }
0x20: {  	[sflag:s8] =	ssyncset.s32 @!p0 $0xFFFFF086;
	s6 =	sadd.s32 @!p0 s3, s7;
	s7 =	simm.s32 @!p0 $0x108  }
0x21: {  	s3 =	sadd.s32 s3, s9;
	s6 =	sadd.s32 @!p0 $0x88, s6;
	s7 =	simm.s32 @p2 $0x1082  }
0x22: {  	[simem:s7], [sflag:s8] =	dma.local @!p0 [hbm:s6], $0xF7A  }
0x23: {  	s9 =	sor.u32 $0xD0000000, s2;
	s6 =	simm.s32 $0x108;
	_ =	swait.ge @!p0 [sflag:s8], $0x0  }
0x24: {  	s3 =	sadd.s32 $0x88, s3;
	s6 =	simm.s32 @!p1 $0x1082;
	[sflag:s4] =	ssyncset.s32 $0xFFFFF086  }
0x25: {  	[simem:s6], [sflag:s4] =	dma.local [hbm:s3], $0xF7A  }
0x26: {  	[smem:$0x3F99] =	sst s1;
	(tag) =	ssettag s2;
	_ =	strace s9  }
0x27: {  	s1 =	sld [smem:$0x3FA9]  }
0x28: {  	s2 =	sld [smem:$0x3FAA]  }
0x29: {  	s4 =	sld [smem:$0x3FAC]  }
0x2a: {  	p0 =	seq.s32 s5, $0x0;
	s5 =	sld [smem:$0x3FAD]  }
0x2b: {  	s6 =	sld [smem:$0x3FAE]  }
0x2c: {  	s7 =	sld [smem:$0x3FAF]  }
0x2d: {  	s3 =	simm.s32 $0x108;
	s8 =	sld [smem:$0x3FB0]  }
0x2e: {  	s3 =	simm.s32 @!p0 $0x1082;
	s9 =	sld [smem:$0x3FB1]  }
0x2f: {  	lr =	sadd.s32 s0, s3;
	s0 =	sld [smem:$0x3FA8]  }
0x30: {  	s3 =	sld [smem:$0x3FAB]  }
0x31: {  	[smem:$0x3FB4] =	sst s10  }
0x32: {  	s10 =	sld [smem:$0x3FB2];
	_ =	sdelay $0x3  }
0x33: {  	p0 =	seq.s32 s10, $0x1;
	s10 =	sld [smem:$0x3FB4];
	_ =	sdelay $0x3  }
0x34: {  	[smem:$0x3FB4] =	sst s10  }
0x35: {  	s10 =	sld [smem:$0x3FB3];
	_ =	sdelay $0x3  }
0x36: {  	p1 =	seq.s32 s10, $0x1;
	s10 =	sld [smem:$0x3FB4];
	_ =	sdelay $0x3  }
0x37: {  	[smem:$0x3FB4] =	sst s10  }
0x38: {  	s10 =	sld [smem:$0x3FB5]  }
0x39: {  	_ = 	snop;
	(pc) =	sbr.ind lr, $3  }
0x3a: {  	_ = 	snop  }
0x3b: {  	_ = 	snop  }
0x3c: {  	p2 =	seq.s32 s10, $0x1;
	s10 =	sld [smem:$0x3FB4]  }
0x3d: {  	_ =	shalt  }
0x3e: {  	_ =	shalt  }
0x3f: {  	_ =	shalt  }
0x40: {  	_ =	shalt  }
0x41: {  	_ =	shalt  }
0x42: {  	_ =	shalt  }
0x43: {  	_ =	shalt  }
0x44: {  	_ =	shalt  }
0x45: {  	_ =	shalt  }
0x46: {  	_ =	shalt  }
0x47: {  	_ =	shalt  }
0x48: {  	_ =	shalt  }
0x49: {  	_ =	shalt  }
0x4a: {  	_ =	shalt  }
0x4b: {  	_ =	shalt  }
0x4c: {  	_ =	shalt  }
0x4d: {  	_ =	shalt  }
0x4e: {  	_ =	shalt  }
0x4f: {  	_ =	shalt  }
0x50: {  	_ =	shalt  }
0x51: {  	_ =	shalt  }
0x52: {  	_ =	shalt  }
0x53: {  	_ =	shalt  }
0x54: {  	_ =	shalt  }
0x55: {  	_ =	shalt  }
0x56: {  	_ =	shalt  }
0x57: {  	_ =	shalt  }
0x58: {  	_ =	shalt  }
0x59: {  	_ =	shalt  }
0x5a: {  	_ =	shalt  }
0x5b: {  	_ =	shalt  }
0x5c: {  	_ =	shalt  }
0x5d: {  	_ =	shalt  }
0x5e: {  	_ =	shalt  }
0x5f: {  	_ =	shalt  }
0x60: {  	_ =	shalt  }
0x61: {  	_ =	shalt  }
0x62: {  	_ =	shalt  }
0x63: {  	_ =	shalt  }
0x64: {  	_ =	shalt  }
0x65: {  	_ =	shalt  }
0x66: {  	_ =	shalt  }
0x67: {  	_ =	shalt  }
0x68: {  	_ =	shalt  }
0x69: {  	_ =	shalt  }
0x6a: {  	_ =	shalt  }
0x6b: {  	_ =	shalt  }
0x6c: {  	_ =	shalt  }
0x6d: {  	_ =	shalt  }
0x6e: {  	_ =	shalt  }
0x6f: {  	_ =	shalt  }
0x70: {  	_ =	shalt  }
0x71: {  	_ =	shalt  }
0x72: {  	_ =	shalt  }
0x73: {  	_ =	shalt  }
0x74: {  	_ =	shalt  }
0x75: {  	_ =	shalt  }
0x76: {  	_ =	shalt  }
0x77: {  	_ =	shalt  }
0x78: {  	_ =	shalt  }
0x79: {  	_ =	shalt  }
0x7a: {  	_ =	shalt  }
0x7b: {  	_ =	shalt  }
0x7c: {  	_ =	shalt  }
0x7d: {  	_ =	shalt  }
0x7e: {  	_ =	shalt  }
0x7f: {  	_ =	shalt  }
0x80: {  	_ =	shalt  }
0x81: {  	_ =	shalt  }
0x82: {  	_ =	shalt  }
0x83: {  	_ =	shalt  }
0x84: {  	_ =	shalt  }
0x85: {  	_ =	shalt  }
0x86: {  	_ =	shalt  }
0x87: {  	_ =	shalt  }
.Lfunc_end0:
.L_simem_size_0:
called_computation.1_lowered:
.L_overlay_start_0:
0x88: {  	s2 =	sld [smem:$0x3FD9]  }
0x89: {  	s3 =	sld [smem:$0x3FFE];
	_ =	sdelay $0x1  }
0x8a: {  	s1 =	srdreg.scid  }
0x8b: {  	s0 =	sand.u32 $0x1, s1  }
0x8c: {  	s16 =	sshll.u32 s0, $0xA;
	s2 =	sadd.s32 s3, s2  }
0x8d: {  	s2 =	sadd.s32 s2, s16  }
0x8e: {  	[smem:$0x3FC0] =	sst s2  }
0x8f: {  	_ = 	snop  }
0x90: {  	(tm) =	ssettm $0x1  }
0x91: {  	s17 =	sld [smem:$0x3FFB];
	_ =	sdelay $0x3  }
0x92: {  	_ =	strace s17  }
0x93: {  	s2 =	sld [smem:$0x3FFC];
	_ =	sdelay $0x3  }
0x94: {  	_ =	strace s2  }
0x95: {  	s2 =	sld [smem:$0x3FFD];
	_ =	sdelay $0x3  }
0x96: {  	_ =	strace s2  }
0x97: {  	_ =	strace $0x8FFFFFFF  }
0x98: {  	s18 =	sld [smem:$0x3FDB];
	_ =	sdelay $0x1  }
0x99: {  	s19 =	simm.s32 $_scs_section_size  }
0x9a: {  	s4 =	simm.s32 $_size__tile_overlayer_lowered;
	s5 =	simm.s32 $_tile_overlayer_lowered  }
0x9b: {  	s22 =	simm.s32 $0x1BFF;
	s21 =	sshll.u32 s5, $0x1;
	s2 =	sadd.s32 s19, s18  }
0x9c: {  	s6 =	simm.s32 $0x0;
	s20 =	sshll.u32 s4, $0x1;
	s4 =	sadd.s32 s21, s2  }
0x9d: {  	[timem:s6], [sflag:s22] =	dma.local [hbm:s4], s20  }
0x9e: {  	_ =	swait.ge [sflag:s22], s20  }
0x9f: {  	s3 =	ssub.s32 $0x0, s20;
	[sflag:s22] =	ssyncset.done $0x0  }
0xa0: {  	[sflag:s22] =	ssyncadd.s32 s3;
	_ =	sdelay $0x1  }
0xa1: {  	s23 =	simm.s32 $0x1B8B  }
0xa2: {  	_ =	swait.ge [sflag:s23], $0x1  }
0xa3: {  	[sflag:s23] =	ssyncset.done $0x0  }
0xa4: {  	s25 =	simm.s32 $0x1B8E;
	s24 =	sld [smem:$0x3FFE];
	[sflag:s23] =	ssyncadd.s32 $0xFFFFFFFF  }
0xa5: {  	s26 =	simm.s32 $execute0_lowered;
	[smem:$0x3FD2] =	sst s25  }
0xa6: {  	s4 =	sshll.u32 s26, $0x1;
	_ =	strace $0x80000049;
	[dreg:$0x1] =	wrdreg $0xFFFFFFFF  }
0xa7: {  	s28 =	simm.s32 $_size_execute0_lowered;
	s2 =	sadd.s32 s2, s4;
	[dreg:$0x0] =	wrdreg $0x0  }
0xa8: {  	s4 =	sshll.u32 s28, $0x1;
	[dreg:$0x2] =	wrdreg s2  }
0xa9: {  	[dreg:$0x3] =	wrdreg s4  }
0xaa: {  	[dreg:$0x4] =	wrdreg $0xC0  }
0xab: {  	_ =	task [dreg:s6], $0x5FFFF  }
0xac: {  	[dreg:$0x1] =	wrdreg $0xFFFFFFFF  }
0xad: {  	[dreg:$0x0] =	wrdreg $0x60  }
0xae: {  	[dreg:$0x2] =	wrdreg s24  }
0xaf: {  	[dreg:$0x3] =	wrdreg $0xA8000  }
0xb0: {  	[dreg:$0x4] =	wrdreg $0x9  }
0xb1: {  	_ =	task.clear_ibuf [dreg:s6], $0x5FFFF;
	_ =	strace $0x90000049  }
0xb2: {  	s29 =	simm.s32 $0x9;
	_ =	strace $0x8000004B  }
0xb3: {  	_ =	swait.ge [sflag:s29], $0x1  }
0xb4: {  	[sflag:s29] =	ssyncadd.s32 $0xFFFFFFFF  }
0xb5: {  	_ =	strace $0x9000004B  }
0xb6: {  	_ =	sfence  }
0xb7: {  	s30 =	sld [smem:$0x0];
	_ =	sdelay $0x2  }
0xb8: {  	s31 =	sshll.u32 s1, $0xD;
	s1 =	sshrl.u32 s1, $0x2  }
0xb9: {  	s3 =	sand.u32 $0x4000, s31;
	s1 =	sadd.s32 s1, s30  }
0xba: {  	s0 =	sor.u32 s3, s0;
	s1 =	sshll.u32 s1, $0x11  }
0xbb: {  	s0 =	sor.u32 s1, s0  }
0xbc: {  	s0 =	sadd.s32 $0x8F2B, s0  }
0xbd: {  	[sflag:s0] =	ssyncadd.remote.s32 $0x1  }
0xbe: {  	_ =	sfence.sel $0xFFFF  }
0xbf: {  	[dreg:$0x0] =	wrdreg $0xFFFFFFFF;
	(pc) =	sbr.abs _section_cstart, $3  }
0xc0: {  	[dreg:$0x1] =	wrdreg $0xFFFFFFFF  }
0xc1: {  	_ =	task.clear_ibuf [dreg:s6], $0x2FFFF;
	_ =	strace $0x9FFFFFFF  }
0xc2: {  	(tm) =	ssettm $0x7FFFFFFF  }
0xc3: {  	_ =	shalt  }
tec
execute0_lowered:
.L_overlay_start_1:
0x0: {  	(tag) =	ssettag $0x1  }
0x1: {  	s0 =	srdreg.scid;
	s6 =	rddreg [dreg:$0x0]  }
0x2: {  	s2 =	rddreg [dreg:$0x1];
	s3 =	simm.s32 $0x0;
	s15 =	simm.s32 $0x80  }
0x3: {  	s16 =	simm.s32 $0x100;
	s17 =	simm.s32 $0x4;
	s18 =	simm.s32 $0x1400  }
0x4: {  	s19 =	simm.s32 $0x3;
	s20 =	simm.s32 $0x2800;
	s21 =	simm.s32 $0x6800  }
0x5: {  	s22 =	simm.s32 $0x1;
	s23 =	simm.s32 $0x2;
	s24 =	simm.s32 $0x2700  }
0x6: {  	s25 =	simm.s32 $0x2780;
	s5 =	sand.u32 $0x1, s0;
	s0 =	stileid.u32  }
0x7: {  	s26 =	simm.s32 $0x0;
	[smem:$0x7FF] =	sst s3;
	s7 =	smul.u32 $0x13C00, s0  }
0x8: {  	s1 =	sshll.u32 s5, $0x4;
	s9 =	smul.u32 $0x13C000, s5;
	s5 =	ssub.s32 $0x2, s5  }
0x9: {  	s29 =	smul.u32 $0x4F000, s0;
	s1 =	sor.u32 s0, s1;
	s30 =	sshrl.u32 s5, $0x1  }
0xa: {  	s4 =	smul.u32 $0x2800, s1;
	s1 =	rddreg [dreg:$0x2];
	_ =	strace $0x8000004A  }
0xb: {  	s28 =	sshrl.u32 s7, $0x3;
	s7 =	sadd.s32 s7, s9;
	s31 =	sshrl.u32 s29, $0x2  }
0xc: {  	s13 =	ssub.s32 s5, s30;
	s5 =	sshll.u32 s0, $0x6;
	s7 =	sshrl.u32 s7, $0x3  }
0xd: {  	s14 =	sadd.s32 s31, s2;
	s13 =	smax.u32 s13, $0x1;
	s8 =	sshrl.u32 s4, $0x3  }
0xe: {  	s4 =	sadd.s32 $0x3E800, s6;
	s12 =	sadd.s32 s7, s6;
	s7 =	sor.u32 $0x1C03, s5  }
0xf: {  	s14 =	sshrl.u32 s14, $0x3;
	s11 =	sadd.s32 s8, s6;
	s8 =	sadd.s32 s28, s6  }
0x10: {  	s12 =	sadd.s32 $0x65A00, s12;
	s6 =	sadd.s32 $0x2600, s8;
	s8 =	sadd.s32 $0x34800, s11  }
0x11: {  	s9 =	sadd.s32 $0x2A800, s11;
	s10 =	sadd.s32 $0x34810, s11;
	s11 =	sadd.s32 $0x2AA80, s11  }
.LBB2_1:
0x12: {  	[spmem:s14], [sflag:s7] =	dma.local [hbm:s6], $0x2780  }
0x13: {  	[tilespmem:s3], [sflag:$0x4] =	stream.strided.gather [hbm4b:s8+s15], $0x1400, s16, s15, $0x38;
	[tilespmem:$0x1E400] =	vst v63  }
0x14: {  	_ =	swait.ge [sflag:s17], $0x1400  }
0x15: {  	[sflag:s17] =	ssyncset.done $0x0  }
0x16: {  	[sflag:s17] =	ssyncadd.s32 $0xFFFFEC00  }
0x17: {  	[tilespmem:s18], [sflag:$0x4] =	stream.linear.gather [hbm4b:s9+s3], $0x1400, $0x38;
	[tilespmem:$0x1E400] =	vst v63  }
0x18: {  	_ =	swait.ge [sflag:s17], $0x1400  }
0x19: {  	[sflag:s17] =	ssyncset.done $0x0  }
0x1a: {  	[sflag:s17] =	ssyncadd.s32 $0xFFFFEC00  }
0x1b: {  	_ =	swait.ge [sflag:s19], $0x2780  }
0x1c: {  	[sflag:s19] =	ssyncset.done $0x0  }
0x1d: {  	[sflag:s19] =	ssyncadd.s32 $0xFFFFD880  }
0x1e: {  	[bflag:$0x0] =	sbarrier.arrive $0xFFFF  }
0x1f: {  	[tilespmem:s20], [sflag:$0x1] =	stream.indirect.gather [hbm4b:s4+s15], $0x80, s3, s15, $0xb8;
	[tilespmem:$0x1E400] =	vst v63  }
0x20: {  	_ = 	snop  }
0x21: {  	[tilespmem:s21], [sflag:$0x2] =	stream.indirect.gather [hbm4b:s4+s15], $0x80, s15, s15, $0xb8;
	[tilespmem:$0x1E400] =	vst v63  }
0x22: {  	_ =	swait.ge [sflag:s22], $0x4000  }
0x23: {  	[sflag:s22] =	ssyncset.done $0x0  }
0x24: {  	s28 =	simm.s32 $0x1400;
	[sflag:s22] =	ssyncadd.s32 $0xFFFFC000  }
0x25: {  	[spmem:s2] =	stream.indirect.scatter.add.f32 [tilespmem:s20], [sflag:$0x4], $0x80, s28, s15, $0xb8;
	[tilespmem:$0x1E400] =	vst v63  }
0x26: {  	_ =	swait.ge [sflag:s17], $0x4000  }
0x27: {  	[sflag:s17] =	ssyncset.done $0x0  }
0x28: {  	s28 =	simm.s32 $0x100;
	[sflag:s17] =	ssyncadd.s32 $0xFFFFC000  }
0x29: {  	[tilespmem:s20], [sflag:$0x1] =	stream.indirect.gather [hbm4b:s4+s15], $0x80, s28, s15, $0xb8;
	[tilespmem:$0x1E400] =	vst v63  }
0x2a: {  	_ =	swait.ge [sflag:s23], $0x4000  }
0x2b: {  	[sflag:s23] =	ssyncset.done $0x0  }
0x2c: {  	s28 =	simm.s32 $0x1480;
	[sflag:s23] =	ssyncadd.s32 $0xFFFFC000  }
0x2d: {  	[spmem:s2] =	stream.indirect.scatter.add.f32 [tilespmem:s21], [sflag:$0x4], $0x80, s28, s15, $0xb8;
	[tilespmem:$0x1E400] =	vst v63  }
0x2e: {  	_ =	swait.ge [sflag:s17], $0x4000  }
0x2f: {  	[sflag:s17] =	ssyncset.done $0x0  }
0x30: {  	s29 =	simm.s32 $0x180;
	s28 =	simm.s32 $0x400;
	[sflag:s17] =	ssyncadd.s32 $0xFFFFC000  }
.LBB2_2:
0x31: {  	[tilespmem:s21], [sflag:$0x2] =	stream.indirect.gather [hbm4b:s4+s15], $0x80, s29, s15, $0xb8;
	[tilespmem:$0x1E400] =	vst v63  }
0x32: {  	s29 =	smov.u32 s28  }
0x33: {  	p0 =	sne.s32 s28, $0x4800;
	s28 =	sadd.s32 $0x400, s28;
	_ =	swait.ge [sflag:s22], $0x4000  }
0x34: {  	s29 =	sshra.s32 s29, $0x2;
	[sflag:s22] =	ssyncset.done $0x0  }
0x35: {  	s30 =	sadd.s32 $0x1400, s29;
	[sflag:s22] =	ssyncadd.s32 $0xFFFFC000  }
0x36: {  	[spmem:s2] =	stream.indirect.scatter.add.f32 [tilespmem:s20], [sflag:$0x4], $0x80, s30, s15, $0xb8;
	[tilespmem:$0x1E400] =	vst v63  }
0x37: {  	_ =	swait.ge [sflag:s17], $0x4000  }
0x38: {  	[sflag:s17] =	ssyncset.done $0x0  }
0x39: {  	s30 =	sadd.s32 $0x100, s29;
	[sflag:s17] =	ssyncadd.s32 $0xFFFFC000  }
0x3a: {  	[tilespmem:s20], [sflag:$0x1] =	stream.indirect.gather [hbm4b:s4+s15], $0x80, s30, s15, $0xb8;
	[tilespmem:$0x1E400] =	vst v63  }
0x3b: {  	_ =	swait.ge [sflag:s23], $0x4000  }
0x3c: {  	[sflag:s23] =	ssyncset.done $0x0  }
.Ltmp0:
0x3d: {  	s30 =	sadd.s32 $0x1480, s29;
	[sflag:s23] =	ssyncadd.s32 $0xFFFFC000;
	(pc) =	sbr.rel @p0 .LBB2_2-.Ltmp0, $4  }
0x3e: {  	[spmem:s2] =	stream.indirect.scatter.add.f32 [tilespmem:s21], [sflag:$0x4], $0x80, s30, s15, $0xb8;
	[tilespmem:$0x1E400] =	vst v63  }
0x3f: {  	_ =	swait.ge [sflag:s17], $0x4000  }
0x40: {  	[sflag:s17] =	ssyncset.done $0x0  }
0x41: {  	s29 =	sadd.s32 $0x180, s29;
	[sflag:s17] =	ssyncadd.s32 $0xFFFFC000  }
0x42: {  	[tilespmem:s21], [sflag:$0x2] =	stream.indirect.gather [hbm4b:s4+s15], $0x80, s29, s15, $0xb8;
	[tilespmem:$0x1E400] =	vst v63  }
0x43: {  	_ =	swait.ge [sflag:s22], $0x4000  }
0x44: {  	[sflag:s22] =	ssyncset.done $0x0  }
0x45: {  	[sflag:s22] =	ssyncadd.s32 $0xFFFFC000  }
0x46: {  	[spmem:s2] =	stream.indirect.scatter.add.f32 [tilespmem:s20], [sflag:$0x4], $0x80, s24, s15, $0xb8;
	[tilespmem:$0x1E400] =	vst v63  }
0x47: {  	_ =	swait.ge [sflag:s17], $0x4000  }
0x48: {  	[sflag:s17] =	ssyncset.done $0x0  }
0x49: {  	[sflag:s17] =	ssyncadd.s32 $0xFFFFC000  }
0x4a: {  	_ =	swait.ge [sflag:s23], $0x4000  }
0x4b: {  	[sflag:s23] =	ssyncset.done $0x0  }
0x4c: {  	[sflag:s23] =	ssyncadd.s32 $0xFFFFC000  }
0x4d: {  	[spmem:s2] =	stream.indirect.scatter.add.f32 [tilespmem:s21], [sflag:$0x4], $0x80, s25, s15, $0xb8;
	[tilespmem:$0x1E400] =	vst v63  }
0x4e: {  	_ =	swait.ge [sflag:s17], $0x4000  }
0x4f: {  	[sflag:s17] =	ssyncset.done $0x0  }
0x50: {  	s28 =	simm.s32 $0x0;
	[sflag:s17] =	ssyncadd.s32 $0xFFFFC000  }
0x51: {  	[tilespmem:s28], [sflag:$0x4] =	stream.strided.gather [hbm4b:s10+s15], $0x1400, s16, s15, $0x38;
	[tilespmem:$0x1E400] =	vst v63  }
0x52: {  	_ =	swait.ge [sflag:s17], $0x1400  }
0x53: {  	[sflag:s17] =	ssyncset.done $0x0  }
0x54: {  	[sflag:s17] =	ssyncadd.s32 $0xFFFFEC00  }
0x55: {  	[tilespmem:s18], [sflag:$0x4] =	stream.linear.gather [hbm4b:s11+s28], $0x1400, $0x38;
	[tilespmem:$0x1E400] =	vst v63  }
0x56: {  	_ =	swait.ge [sflag:s17], $0x1400  }
0x57: {  	[sflag:s17] =	ssyncset.done $0x0  }
0x58: {  	[sflag:s17] =	ssyncadd.s32 $0xFFFFEC00  }
0x59: {  	[tilespmem:s20], [sflag:$0x1] =	stream.indirect.gather [hbm4b:s4+s15], $0x80, s28, s15, $0xb8;
	[tilespmem:$0x1E400] =	vst v63  }
0x5a: {  	_ = 	snop  }
0x5b: {  	[tilespmem:s21], [sflag:$0x2] =	stream.indirect.gather [hbm4b:s4+s15], $0x80, s15, s15, $0xb8;
	[tilespmem:$0x1E400] =	vst v63  }
0x5c: {  	_ =	swait.ge [sflag:s22], $0x4000  }
0x5d: {  	[sflag:s22] =	ssyncset.done $0x0  }
0x5e: {  	s28 =	simm.s32 $0x1400;
	[sflag:s22] =	ssyncadd.s32 $0xFFFFC000  }
0x5f: {  	[spmem:s2] =	stream.indirect.scatter.add.f32 [tilespmem:s20], [sflag:$0x4], $0x80, s28, s15, $0xb8;
	[tilespmem:$0x1E400] =	vst v63  }
0x60: {  	_ =	swait.ge [sflag:s17], $0x4000  }
0x61: {  	[sflag:s17] =	ssyncset.done $0x0  }
0x62: {  	s28 =	simm.s32 $0x100;
	[sflag:s17] =	ssyncadd.s32 $0xFFFFC000  }
0x63: {  	[tilespmem:s20], [sflag:$0x1] =	stream.indirect.gather [hbm4b:s4+s15], $0x80, s28, s15, $0xb8;
	[tilespmem:$0x1E400] =	vst v63  }
0x64: {  	_ =	swait.ge [sflag:s23], $0x4000  }
0x65: {  	[sflag:s23] =	ssyncset.done $0x0  }
0x66: {  	s28 =	simm.s32 $0x1480;
	[sflag:s23] =	ssyncadd.s32 $0xFFFFC000  }
0x67: {  	[spmem:s2] =	stream.indirect.scatter.add.f32 [tilespmem:s21], [sflag:$0x4], $0x80, s28, s15, $0xb8;
	[tilespmem:$0x1E400] =	vst v63  }
0x68: {  	_ =	swait.ge [sflag:s17], $0x4000  }
0x69: {  	[sflag:s17] =	ssyncset.done $0x0  }
0x6a: {  	s29 =	simm.s32 $0x180;
	s28 =	simm.s32 $0x400;
	[sflag:s17] =	ssyncadd.s32 $0xFFFFC000  }
.LBB2_4:
0x6b: {  	[tilespmem:s21], [sflag:$0x2] =	stream.indirect.gather [hbm4b:s4+s15], $0x80, s29, s15, $0xb8;
	[tilespmem:$0x1E400] =	vst v63  }
0x6c: {  	s29 =	smov.u32 s28  }
0x6d: {  	p0 =	sne.s32 s28, $0x4800;
	s28 =	sadd.s32 $0x400, s28;
	_ =	swait.ge [sflag:s22], $0x4000  }
0x6e: {  	s29 =	sshra.s32 s29, $0x2;
	[sflag:s22] =	ssyncset.done $0x0  }
0x6f: {  	s30 =	sadd.s32 $0x1400, s29;
	[sflag:s22] =	ssyncadd.s32 $0xFFFFC000  }
0x70: {  	[spmem:s2] =	stream.indirect.scatter.add.f32 [tilespmem:s20], [sflag:$0x4], $0x80, s30, s15, $0xb8;
	[tilespmem:$0x1E400] =	vst v63  }
0x71: {  	_ =	swait.ge [sflag:s17], $0x4000  }
0x72: {  	[sflag:s17] =	ssyncset.done $0x0  }
0x73: {  	s30 =	sadd.s32 $0x100, s29;
	[sflag:s17] =	ssyncadd.s32 $0xFFFFC000  }
0x74: {  	[tilespmem:s20], [sflag:$0x1] =	stream.indirect.gather [hbm4b:s4+s15], $0x80, s30, s15, $0xb8;
	[tilespmem:$0x1E400] =	vst v63  }
0x75: {  	_ =	swait.ge [sflag:s23], $0x4000  }
0x76: {  	[sflag:s23] =	ssyncset.done $0x0  }
.Ltmp1:
0x77: {  	s30 =	sadd.s32 $0x1480, s29;
	[sflag:s23] =	ssyncadd.s32 $0xFFFFC000;
	(pc) =	sbr.rel @p0 .LBB2_4-.Ltmp1, $4  }
0x78: {  	[spmem:s2] =	stream.indirect.scatter.add.f32 [tilespmem:s21], [sflag:$0x4], $0x80, s30, s15, $0xb8;
	[tilespmem:$0x1E400] =	vst v63  }
0x79: {  	_ =	swait.ge [sflag:s17], $0x4000  }
0x7a: {  	[sflag:s17] =	ssyncset.done $0x0  }
0x7b: {  	s29 =	sadd.s32 $0x180, s29;
	[sflag:s17] =	ssyncadd.s32 $0xFFFFC000  }
0x7c: {  	[tilespmem:s21], [sflag:$0x2] =	stream.indirect.gather [hbm4b:s4+s15], $0x80, s29, s15, $0xb8;
	[tilespmem:$0x1E400] =	vst v63  }
0x7d: {  	_ =	swait.ge [sflag:s22], $0x4000  }
0x7e: {  	[sflag:s22] =	ssyncset.done $0x0  }
0x7f: {  	[sflag:s22] =	ssyncadd.s32 $0xFFFFC000  }
0x80: {  	[spmem:s2] =	stream.indirect.scatter.add.f32 [tilespmem:s20], [sflag:$0x4], $0x80, s24, s15, $0xb8;
	[tilespmem:$0x1E400] =	vst v63  }
0x81: {  	_ =	swait.ge [sflag:s17], $0x4000  }
0x82: {  	[sflag:s17] =	ssyncset.done $0x0  }
0x83: {  	[sflag:s17] =	ssyncadd.s32 $0xFFFFC000  }
0x84: {  	_ =	swait.ge [sflag:s23], $0x4000  }
0x85: {  	[sflag:s23] =	ssyncset.done $0x0  }
0x86: {  	[sflag:s23] =	ssyncadd.s32 $0xFFFFC000  }
0x87: {  	[spmem:s2] =	stream.indirect.scatter.add.f32 [tilespmem:s21], [sflag:$0x4], $0x80, s25, s15, $0xb8;
	[tilespmem:$0x1E400] =	vst v63  }
0x88: {  	_ =	swait.ge [sflag:s17], $0x4000  }
0x89: {  	s26 =	sadd.s32 $0x1, s26;
	[sflag:s17] =	ssyncset.done $0x0  }
0x8a: {  	p0 =	sne.s32 s26, s13;
	[sflag:s17] =	ssyncadd.s32 $0xFFFFC000  }
.Ltmp2:
0x8b: {  	s28 =	sor.u32 $0x1C04, s5;
	[bflag:$0x0] =	sbarrier.arrive $0xFFFF;
	(pc) =	sbr.rel @p0 .LBB2_1-.Ltmp2, $4  }
0x8c: {  	[hbm:s12], [sflag:s28] =	dma.local [spmem:s14], $0x2780  }
0x8d: {  	_ =	swait.ge [sflag:s17], $0x2780  }
0x8e: {  	[sflag:s17] =	ssyncset.done $0x0  }
0x8f: {  	[sflag:s17] =	ssyncadd.s32 $0xFFFFD880  }
0x90: {  	_ =	sfence.sel $0x180000  }
0x91: {  	[bflag:$0x0] =	sbarrier.arrive $0xFFFF  }
0x92: {  	p0 =	sne.s32 s0, $0x0;
	_ =	strace $0x9000004A  }
0x93: {  	s0 =	sadd.s32 @!p0 $0x100000, s1;
	[bflag:$0x2] =	sbarrier.arrive $0xFFFF  }
0x94: {  	[sflag:s0] =	ssyncadd.tile.s32 @!p0 $0x1;
	_ =	shalt  }
.Lfunc_end2:
_tile_overlayer_lowered:
.L_overlay_start_2:
0x95: {  	(tag) =	ssettag $0x2  }
0x96: {  	s0 =	rddreg [dreg:$0x0];
	s2 =	stileid.u32  }
0x97: {  	s1 =	rddreg [dreg:$0x1];
	p0 =	sne.s32 s2, $0x0  }
0x98: {  	s3 =	rddreg [dreg:$0x2];
	[bflag:$0x3] =	sbarrier.arrive $0xFFFF;
	s2 =	simm.s32 @!p0 $0x1C04  }
0x99: {  	[timem:s3], [sflag:s2] =	dma.local @!p0 [hbm:s0], s1  }
0x9a: {  	s0 =	simm.s32 @!p0 $0x4  }
0x9b: {  	_ =	swait.ge @!p0 [sflag:s0], s1  }
0x9c: {  	s1 =	ssub.s32 @!p0 $0x0, s1;
	[sflag:s0] =	ssyncset.done @!p0 $0x0  }
0x9d: {  	[sflag:s0] =	ssyncadd.s32 @!p0 s1  }
0x9e: {  	[bflag:$0x3] =	sbarrier.arrive $0xFFFF  }
0x9f: {  	_ =	shalt  }

// kernel: kernel.14.cloned.1.call-start
scs
__scs_entry_jumppad:
0x0: {  	(pc) =	sbr.rel $0x88, $3  }
0x1: {  	(tag) =	ssettag $0x0;
	lr =	simm.s32 $0x1  }
0x2: {  	[smem:$0x3F99] =	sst lr;
	_ =	strace $0xD0000000  }
0x3: {  	_ = 	snop  }
0x4: {  	_ = 	snop  }
0x5: {  	_ = 	snop  }
0x6: {  	_ = 	snop  }
0x7: {  	_ = 	snop  }
__scs_overlays_trampoline_lowered:
0x8: {  	[smem:$0x3FA8] =	sst s0  }
0x9: {  	[smem:$0x3FA9] =	sst s1  }
0xa: {  	[smem:$0x3FAA] =	sst s2  }
0xb: {  	[smem:$0x3FAB] =	sst s3  }
0xc: {  	[smem:$0x3FAC] =	sst s4  }
0xd: {  	[smem:$0x3FAD] =	sst s5  }
0xe: {  	[smem:$0x3FAE] =	sst s6  }
0xf: {  	[smem:$0x3FAF] =	sst s7  }
0x10: {  	[smem:$0x3FB0] =	sst s8  }
0x11: {  	[smem:$0x3FB1] =	sst s9;
	s0 =	simm.s32 @!p0 $0x0  }
0x12: {  	s1 =	sld [smem:$0x3F97];
	s0 =	simm.s32 @p0 $0x1  }
0x13: {  	[smem:$0x3FB2] =	sst s0;
	s0 =	simm.s32 @!p1 $0x0  }
0x14: {  	s2 =	sld [smem:$0x3F96];
	s0 =	simm.s32 @p1 $0x1  }
0x15: {  	[smem:$0x3FB3] =	sst s0;
	s0 =	simm.s32 @!p2 $0x0  }
0x16: {  	s3 =	sld [smem:$0x3FDB];
	s0 =	simm.s32 @p2 $0x1  }
0x17: {  	s4 =	simm.s32 $0x1BF5;
	[smem:$0x3FB5] =	sst s0  }
0x18: {  	s0 =	sld [smem:$0x3F98];
	_ =	swait.ge [sflag:s4], $0x0  }
0x19: {  	s7 =	sld [smem:$0x3F99]  }
0x1a: {  	s8 =	sadd.s32 $0xFFFFE003, lr  }
0x1b: {  	s9 =	sadd.s32 $0xFFFFFEF7, lr;
	s5 =	simm.s32 $0xFFFFFFFF;
	p2 =	slt.u32 s8, $0xFFFFF086  }
0x1c: {  	p1 =	slt.u32 s9, $0xF7A;
	s5 =	simm.s32 @!p2 $0x0  }
0x1d: {  	s5 =	simm.s32 @p1 $0x1;
	p0 =	seq.s32 s7, s2  }
0x1e: {  	s7 =	smul.u32 @!p0 $0xF7A, s2;
	p2 =	seq.s32 @!p0 s5, $0x0  }
0x1f: {  	s9 =	smul.u32 $0xF7A, s1;
	s8 =	simm.s32 @!p0 $0x1BF5;
	p2 =	por !p2, p0  }
0x20: {  	[sflag:s8] =	ssyncset.s32 @!p0 $0xFFFFF086;
	s6 =	sadd.s32 @!p0 s3, s7;
	s7 =	simm.s32 @!p0 $0x108  }
0x21: {  	s3 =	sadd.s32 s3, s9;
	s6 =	sadd.s32 @!p0 $0x88, s6;
	s7 =	simm.s32 @p2 $0x1082  }
0x22: {  	[simem:s7], [sflag:s8] =	dma.local @!p0 [hbm:s6], $0xF7A  }
0x23: {  	s9 =	sor.u32 $0xD0000000, s2;
	s6 =	simm.s32 $0x108;
	_ =	swait.ge @!p0 [sflag:s8], $0x0  }
0x24: {  	s3 =	sadd.s32 $0x88, s3;
	s6 =	simm.s32 @!p1 $0x1082;
	[sflag:s4] =	ssyncset.s32 $0xFFFFF086  }
0x25: {  	[simem:s6], [sflag:s4] =	dma.local [hbm:s3], $0xF7A  }
0x26: {  	[smem:$0x3F99] =	sst s1;
	(tag) =	ssettag s2;
	_ =	strace s9  }
0x27: {  	s1 =	sld [smem:$0x3FA9]  }
0x28: {  	s2 =	sld [smem:$0x3FAA]  }
0x29: {  	s4 =	sld [smem:$0x3FAC]  }
0x2a: {  	p0 =	seq.s32 s5, $0x0;
	s5 =	sld [smem:$0x3FAD]  }
0x2b: {  	s6 =	sld [smem:$0x3FAE]  }
0x2c: {  	s7 =	sld [smem:$0x3FAF]  }
0x2d: {  	s3 =	simm.s32 $0x108;
	s8 =	sld [smem:$0x3FB0]  }
0x2e: {  	s3 =	simm.s32 @!p0 $0x1082;
	s9 =	sld [smem:$0x3FB1]  }
0x2f: {  	lr =	sadd.s32 s0, s3;
	s0 =	sld [smem:$0x3FA8]  }
0x30: {  	s3 =	sld [smem:$0x3FAB]  }
0x31: {  	[smem:$0x3FB4] =	sst s10  }
0x32: {  	s10 =	sld [smem:$0x3FB2];
	_ =	sdelay $0x3  }
0x33: {  	p0 =	seq.s32 s10, $0x1;
	s10 =	sld [smem:$0x3FB4];
	_ =	sdelay $0x3  }
0x34: {  	[smem:$0x3FB4] =	sst s10  }
0x35: {  	s10 =	sld [smem:$0x3FB3];
	_ =	sdelay $0x3  }
0x36: {  	p1 =	seq.s32 s10, $0x1;
	s10 =	sld [smem:$0x3FB4];
	_ =	sdelay $0x3  }
0x37: {  	[smem:$0x3FB4] =	sst s10  }
0x38: {  	s10 =	sld [smem:$0x3FB5]  }
0x39: {  	_ = 	snop;
	(pc) =	sbr.ind lr, $3  }
0x3a: {  	_ = 	snop  }
0x3b: {  	_ = 	snop  }
0x3c: {  	p2 =	seq.s32 s10, $0x1;
	s10 =	sld [smem:$0x3FB4]  }
0x3d: {  	_ =	shalt  }
0x3e: {  	_ =	shalt  }
0x3f: {  	_ =	shalt  }
0x40: {  	_ =	shalt  }
0x41: {  	_ =	shalt  }
0x42: {  	_ =	shalt  }
0x43: {  	_ =	shalt  }
0x44: {  	_ =	shalt  }
0x45: {  	_ =	shalt  }
0x46: {  	_ =	shalt  }
0x47: {  	_ =	shalt  }
0x48: {  	_ =	shalt  }
0x49: {  	_ =	shalt  }
0x4a: {  	_ =	shalt  }
0x4b: {  	_ =	shalt  }
0x4c: {  	_ =	shalt  }
0x4d: {  	_ =	shalt  }
0x4e: {  	_ =	shalt  }
0x4f: {  	_ =	shalt  }
0x50: {  	_ =	shalt  }
0x51: {  	_ =	shalt  }
0x52: {  	_ =	shalt  }
0x53: {  	_ =	shalt  }
0x54: {  	_ =	shalt  }
0x55: {  	_ =	shalt  }
0x56: {  	_ =	shalt  }
0x57: {  	_ =	shalt  }
0x58: {  	_ =	shalt  }
0x59: {  	_ =	shalt  }
0x5a: {  	_ =	shalt  }
0x5b: {  	_ =	shalt  }
0x5c: {  	_ =	shalt  }
0x5d: {  	_ =	shalt  }
0x5e: {  	_ =	shalt  }
0x5f: {  	_ =	shalt  }
0x60: {  	_ =	shalt  }
0x61: {  	_ =	shalt  }
0x62: {  	_ =	shalt  }
0x63: {  	_ =	shalt  }
0x64: {  	_ =	shalt  }
0x65: {  	_ =	shalt  }
0x66: {  	_ =	shalt  }
0x67: {  	_ =	shalt  }
0x68: {  	_ =	shalt  }
0x69: {  	_ =	shalt  }
0x6a: {  	_ =	shalt  }
0x6b: {  	_ =	shalt  }
0x6c: {  	_ =	shalt  }
0x6d: {  	_ =	shalt  }
0x6e: {  	_ =	shalt  }
0x6f: {  	_ =	shalt  }
0x70: {  	_ =	shalt  }
0x71: {  	_ =	shalt  }
0x72: {  	_ =	shalt  }
0x73: {  	_ =	shalt  }
0x74: {  	_ =	shalt  }
0x75: {  	_ =	shalt  }
0x76: {  	_ =	shalt  }
0x77: {  	_ =	shalt  }
0x78: {  	_ =	shalt  }
0x79: {  	_ =	shalt  }
0x7a: {  	_ =	shalt  }
0x7b: {  	_ =	shalt  }
0x7c: {  	_ =	shalt  }
0x7d: {  	_ =	shalt  }
0x7e: {  	_ =	shalt  }
0x7f: {  	_ =	shalt  }
0x80: {  	_ =	shalt  }
0x81: {  	_ =	shalt  }
0x82: {  	_ =	shalt  }
0x83: {  	_ =	shalt  }
0x84: {  	_ =	shalt  }
0x85: {  	_ =	shalt  }
0x86: {  	_ =	shalt  }
0x87: {  	_ =	shalt  }
.Lfunc_end0:
.L_simem_size_0:
called_computation.2_lowered:
.L_overlay_start_0:
0x88: {  	s2 =	sld [smem:$0x3FD9]  }
0x89: {  	s3 =	sld [smem:$0x3FFE];
	_ =	sdelay $0x1  }
0x8a: {  	s1 =	srdreg.scid  }
0x8b: {  	s0 =	sand.u32 $0x1, s1  }
0x8c: {  	s16 =	sshll.u32 s0, $0xA;
	s2 =	sadd.s32 s3, s2  }
0x8d: {  	s2 =	sadd.s32 s2, s16  }
0x8e: {  	[smem:$0x3FC0] =	sst s2  }
0x8f: {  	_ = 	snop  }
0x90: {  	(tm) =	ssettm $0x1  }
0x91: {  	s17 =	sld [smem:$0x3FFB];
	_ =	sdelay $0x3  }
0x92: {  	_ =	strace s17  }
0x93: {  	s2 =	sld [smem:$0x3FFC];
	_ =	sdelay $0x3  }
0x94: {  	_ =	strace s2  }
0x95: {  	s2 =	sld [smem:$0x3FFD];
	_ =	sdelay $0x3  }
0x96: {  	_ =	strace s2  }
0x97: {  	_ =	strace $0x8FFFFFFF  }
0x98: {  	s18 =	sld [smem:$0x3FDB];
	_ =	sdelay $0x1  }
0x99: {  	s19 =	simm.s32 $_scs_section_size  }
0x9a: {  	s4 =	simm.s32 $_size__tile_overlayer_lowered;
	s5 =	simm.s32 $_tile_overlayer_lowered  }
0x9b: {  	s22 =	simm.s32 $0x1BFF;
	s21 =	sshll.u32 s5, $0x1;
	s2 =	sadd.s32 s19, s18  }
0x9c: {  	s6 =	simm.s32 $0x0;
	s20 =	sshll.u32 s4, $0x1;
	s4 =	sadd.s32 s21, s2  }
0x9d: {  	[timem:s6], [sflag:s22] =	dma.local [hbm:s4], s20  }
0x9e: {  	_ =	swait.ge [sflag:s22], s20  }
0x9f: {  	s3 =	ssub.s32 $0x0, s20;
	[sflag:s22] =	ssyncset.done $0x0  }
0xa0: {  	[sflag:s22] =	ssyncadd.s32 s3;
	_ =	sdelay $0x1  }
0xa1: {  	s23 =	simm.s32 $0x1B8B  }
0xa2: {  	_ =	swait.ge [sflag:s23], $0x1  }
0xa3: {  	[sflag:s23] =	ssyncset.done $0x0  }
0xa4: {  	s25 =	simm.s32 $0x1B8E;
	s24 =	sld [smem:$0x3FFE];
	[sflag:s23] =	ssyncadd.s32 $0xFFFFFFFF  }
0xa5: {  	s26 =	simm.s32 $execute0_lowered;
	[smem:$0x3FD2] =	sst s25  }
0xa6: {  	s4 =	sshll.u32 s26, $0x1;
	_ =	strace $0x8000004C;
	[dreg:$0x1] =	wrdreg $0xFFFFFFFF  }
0xa7: {  	s28 =	simm.s32 $_size_execute0_lowered;
	s2 =	sadd.s32 s2, s4;
	[dreg:$0x0] =	wrdreg $0x0  }
0xa8: {  	s4 =	sshll.u32 s28, $0x1;
	[dreg:$0x2] =	wrdreg s2  }
0xa9: {  	[dreg:$0x3] =	wrdreg s4  }
0xaa: {  	[dreg:$0x4] =	wrdreg $0xC0  }
0xab: {  	_ =	task [dreg:s6], $0x5FFFF  }
0xac: {  	[dreg:$0x1] =	wrdreg $0xFFFFFFFF  }
0xad: {  	[dreg:$0x0] =	wrdreg $0x60  }
0xae: {  	[dreg:$0x2] =	wrdreg s24  }
0xaf: {  	[dreg:$0x3] =	wrdreg $0xA8000  }
0xb0: {  	[dreg:$0x4] =	wrdreg $0x9  }
0xb1: {  	_ =	task.clear_ibuf [dreg:s6], $0x5FFFF;
	_ =	strace $0x9000004C  }
0xb2: {  	s29 =	simm.s32 $0x9;
	_ =	strace $0x8000004E  }
0xb3: {  	_ =	swait.ge [sflag:s29], $0x1  }
0xb4: {  	[sflag:s29] =	ssyncadd.s32 $0xFFFFFFFF  }
0xb5: {  	_ =	strace $0x9000004E  }
0xb6: {  	_ =	sfence  }
0xb7: {  	s30 =	sld [smem:$0x0];
	_ =	sdelay $0x2  }
0xb8: {  	s31 =	sshll.u32 s1, $0xD;
	s1 =	sshrl.u32 s1, $0x2  }
0xb9: {  	s3 =	sand.u32 $0x4000, s31;
	s1 =	sadd.s32 s1, s30  }
0xba: {  	s0 =	sor.u32 s3, s0;
	s1 =	sshll.u32 s1, $0x11  }
0xbb: {  	s0 =	sor.u32 s1, s0  }
0xbc: {  	s0 =	sadd.s32 $0x8F2B, s0  }
0xbd: {  	[sflag:s0] =	ssyncadd.remote.s32 $0x1  }
0xbe: {  	_ =	sfence.sel $0xFFFF  }
0xbf: {  	[dreg:$0x0] =	wrdreg $0xFFFFFFFF;
	(pc) =	sbr.abs _section_cstart, $3  }
0xc0: {  	[dreg:$0x1] =	wrdreg $0xFFFFFFFF  }
0xc1: {  	_ =	task.clear_ibuf [dreg:s6], $0x2FFFF;
	_ =	strace $0x9FFFFFFF  }
0xc2: {  	(tm) =	ssettm $0x7FFFFFFF  }
0xc3: {  	_ =	shalt  }
tec
execute0_lowered:
.L_overlay_start_1:
0x0: {  	(tag) =	ssettag $0x1  }
0x1: {  	s0 =	srdreg.scid;
	s6 =	rddreg [dreg:$0x0]  }
0x2: {  	s2 =	rddreg [dreg:$0x1];
	s3 =	simm.s32 $0x0;
	s15 =	simm.s32 $0x80  }
0x3: {  	s16 =	simm.s32 $0x100;
	s17 =	simm.s32 $0x4;
	s18 =	simm.s32 $0x1400  }
0x4: {  	s19 =	simm.s32 $0x3;
	s20 =	simm.s32 $0x2800;
	s21 =	simm.s32 $0x6800  }
0x5: {  	s22 =	simm.s32 $0x1;
	s23 =	simm.s32 $0x2;
	s24 =	simm.s32 $0x2700  }
0x6: {  	s25 =	simm.s32 $0x2780;
	s5 =	sand.u32 $0x1, s0;
	s0 =	stileid.u32  }
0x7: {  	s26 =	simm.s32 $0x0;
	[smem:$0x7FF] =	sst s3;
	s7 =	smul.u32 $0x13C00, s0  }
0x8: {  	s1 =	sshll.u32 s5, $0x4;
	s9 =	smul.u32 $0x13C000, s5;
	s5 =	ssub.s32 $0x2, s5  }
0x9: {  	s29 =	smul.u32 $0x4F000, s0;
	s1 =	sor.u32 s0, s1;
	s30 =	sshrl.u32 s5, $0x1  }
0xa: {  	s4 =	smul.u32 $0x2800, s1;
	s1 =	rddreg [dreg:$0x2];
	_ =	strace $0x8000004D  }
0xb: {  	s28 =	sshrl.u32 s7, $0x3;
	s7 =	sadd.s32 s7, s9;
	s31 =	sshrl.u32 s29, $0x2  }
0xc: {  	s13 =	ssub.s32 s5, s30;
	s5 =	sshll.u32 s0, $0x6;
	s7 =	sshrl.u32 s7, $0x3  }
0xd: {  	s14 =	sadd.s32 s31, s2;
	s13 =	smax.u32 s13, $0x1;
	s8 =	sshrl.u32 s4, $0x3  }
0xe: {  	s4 =	sadd.s32 $0x3E800, s6;
	s12 =	sadd.s32 s7, s6;
	s7 =	sor.u32 $0x1C03, s5  }
0xf: {  	s14 =	sshrl.u32 s14, $0x3;
	s11 =	sadd.s32 s8, s6;
	s8 =	sadd.s32 s28, s6  }
0x10: {  	s12 =	sadd.s32 $0x65A00, s12;
	s6 =	sadd.s32 $0x2600, s8;
	s8 =	sadd.s32 $0x34800, s11  }
0x11: {  	s9 =	sadd.s32 $0x2A800, s11;
	s10 =	sadd.s32 $0x34810, s11;
	s11 =	sadd.s32 $0x2AA80, s11  }
.LBB2_1:
0x12: {  	[spmem:s14], [sflag:s7] =	dma.local [hbm:s6], $0x2780  }
0x13: {  	[tilespmem:s3], [sflag:$0x4] =	stream.strided.gather [hbm4b:s8+s15], $0x1400, s16, s15, $0x38;
	[tilespmem:$0x1E400] =	vst v63  }
0x14: {  	_ =	swait.ge [sflag:s17], $0x1400  }
0x15: {  	[sflag:s17] =	ssyncset.done $0x0  }
0x16: {  	[sflag:s17] =	ssyncadd.s32 $0xFFFFEC00  }
0x17: {  	[tilespmem:s18], [sflag:$0x4] =	stream.linear.gather [hbm4b:s9+s3], $0x1400, $0x38;
	[tilespmem:$0x1E400] =	vst v63  }
0x18: {  	_ =	swait.ge [sflag:s17], $0x1400  }
0x19: {  	[sflag:s17] =	ssyncset.done $0x0  }
0x1a: {  	[sflag:s17] =	ssyncadd.s32 $0xFFFFEC00  }
0x1b: {  	_ =	swait.ge [sflag:s19], $0x2780  }
0x1c: {  	[sflag:s19] =	ssyncset.done $0x0  }
0x1d: {  	[sflag:s19] =	ssyncadd.s32 $0xFFFFD880  }
0x1e: {  	[bflag:$0x0] =	sbarrier.arrive $0xFFFF  }
0x1f: {  	[tilespmem:s20], [sflag:$0x1] =	stream.indirect.gather [hbm4b:s4+s15], $0x80, s3, s15, $0xb8;
	[tilespmem:$0x1E400] =	vst v63  }
0x20: {  	_ = 	snop  }
0x21: {  	[tilespmem:s21], [sflag:$0x2] =	stream.indirect.gather [hbm4b:s4+s15], $0x80, s15, s15, $0xb8;
	[tilespmem:$0x1E400] =	vst v63  }
0x22: {  	_ =	swait.ge [sflag:s22], $0x4000  }
0x23: {  	[sflag:s22] =	ssyncset.done $0x0  }
0x24: {  	s28 =	simm.s32 $0x1400;
	[sflag:s22] =	ssyncadd.s32 $0xFFFFC000  }
0x25: {  	[spmem:s2] =	stream.indirect.scatter.add.f32 [tilespmem:s20], [sflag:$0x4], $0x80, s28, s15, $0xb8;
	[tilespmem:$0x1E400] =	vst v63  }
0x26: {  	_ =	swait.ge [sflag:s17], $0x4000  }
0x27: {  	[sflag:s17] =	ssyncset.done $0x0  }
0x28: {  	s28 =	simm.s32 $0x100;
	[sflag:s17] =	ssyncadd.s32 $0xFFFFC000  }
0x29: {  	[tilespmem:s20], [sflag:$0x1] =	stream.indirect.gather [hbm4b:s4+s15], $0x80, s28, s15, $0xb8;
	[tilespmem:$0x1E400] =	vst v63  }
0x2a: {  	_ =	swait.ge [sflag:s23], $0x4000  }
0x2b: {  	[sflag:s23] =	ssyncset.done $0x0  }
0x2c: {  	s28 =	simm.s32 $0x1480;
	[sflag:s23] =	ssyncadd.s32 $0xFFFFC000  }
0x2d: {  	[spmem:s2] =	stream.indirect.scatter.add.f32 [tilespmem:s21], [sflag:$0x4], $0x80, s28, s15, $0xb8;
	[tilespmem:$0x1E400] =	vst v63  }
0x2e: {  	_ =	swait.ge [sflag:s17], $0x4000  }
0x2f: {  	[sflag:s17] =	ssyncset.done $0x0  }
0x30: {  	s29 =	simm.s32 $0x180;
	s28 =	simm.s32 $0x400;
	[sflag:s17] =	ssyncadd.s32 $0xFFFFC000  }
.LBB2_2:
0x31: {  	[tilespmem:s21], [sflag:$0x2] =	stream.indirect.gather [hbm4b:s4+s15], $0x80, s29, s15, $0xb8;
	[tilespmem:$0x1E400] =	vst v63  }
0x32: {  	s29 =	smov.u32 s28  }
0x33: {  	p0 =	sne.s32 s28, $0x4800;
	s28 =	sadd.s32 $0x400, s28;
	_ =	swait.ge [sflag:s22], $0x4000  }
0x34: {  	s29 =	sshra.s32 s29, $0x2;
	[sflag:s22] =	ssyncset.done $0x0  }
0x35: {  	s30 =	sadd.s32 $0x1400, s29;
	[sflag:s22] =	ssyncadd.s32 $0xFFFFC000  }
0x36: {  	[spmem:s2] =	stream.indirect.scatter.add.f32 [tilespmem:s20], [sflag:$0x4], $0x80, s30, s15, $0xb8;
	[tilespmem:$0x1E400] =	vst v63  }
0x37: {  	_ =	swait.ge [sflag:s17], $0x4000  }
0x38: {  	[sflag:s17] =	ssyncset.done $0x0  }
0x39: {  	s30 =	sadd.s32 $0x100, s29;
	[sflag:s17] =	ssyncadd.s32 $0xFFFFC000  }
0x3a: {  	[tilespmem:s20], [sflag:$0x1] =	stream.indirect.gather [hbm4b:s4+s15], $0x80, s30, s15, $0xb8;
	[tilespmem:$0x1E400] =	vst v63  }
0x3b: {  	_ =	swait.ge [sflag:s23], $0x4000  }
0x3c: {  	[sflag:s23] =	ssyncset.done $0x0  }
.Ltmp0:
0x3d: {  	s30 =	sadd.s32 $0x1480, s29;
	[sflag:s23] =	ssyncadd.s32 $0xFFFFC000;
	(pc) =	sbr.rel @p0 .LBB2_2-.Ltmp0, $4  }
0x3e: {  	[spmem:s2] =	stream.indirect.scatter.add.f32 [tilespmem:s21], [sflag:$0x4], $0x80, s30, s15, $0xb8;
	[tilespmem:$0x1E400] =	vst v63  }
0x3f: {  	_ =	swait.ge [sflag:s17], $0x4000  }
0x40: {  	[sflag:s17] =	ssyncset.done $0x0  }
0x41: {  	s29 =	sadd.s32 $0x180, s29;
	[sflag:s17] =	ssyncadd.s32 $0xFFFFC000  }
0x42: {  	[tilespmem:s21], [sflag:$0x2] =	stream.indirect.gather [hbm4b:s4+s15], $0x80, s29, s15, $0xb8;
	[tilespmem:$0x1E400] =	vst v63  }
0x43: {  	_ =	swait.ge [sflag:s22], $0x4000  }
0x44: {  	[sflag:s22] =	ssyncset.done $0x0  }
0x45: {  	[sflag:s22] =	ssyncadd.s32 $0xFFFFC000  }
0x46: {  	[spmem:s2] =	stream.indirect.scatter.add.f32 [tilespmem:s20], [sflag:$0x4], $0x80, s24, s15, $0xb8;
	[tilespmem:$0x1E400] =	vst v63  }
0x47: {  	_ =	swait.ge [sflag:s17], $0x4000  }
0x48: {  	[sflag:s17] =	ssyncset.done $0x0  }
0x49: {  	[sflag:s17] =	ssyncadd.s32 $0xFFFFC000  }
0x4a: {  	_ =	swait.ge [sflag:s23], $0x4000  }
0x4b: {  	[sflag:s23] =	ssyncset.done $0x0  }
0x4c: {  	[sflag:s23] =	ssyncadd.s32 $0xFFFFC000  }
0x4d: {  	[spmem:s2] =	stream.indirect.scatter.add.f32 [tilespmem:s21], [sflag:$0x4], $0x80, s25, s15, $0xb8;
	[tilespmem:$0x1E400] =	vst v63  }
0x4e: {  	_ =	swait.ge [sflag:s17], $0x4000  }
0x4f: {  	[sflag:s17] =	ssyncset.done $0x0  }
0x50: {  	s28 =	simm.s32 $0x0;
	[sflag:s17] =	ssyncadd.s32 $0xFFFFC000  }
0x51: {  	[tilespmem:s28], [sflag:$0x4] =	stream.strided.gather [hbm4b:s10+s15], $0x1400, s16, s15, $0x38;
	[tilespmem:$0x1E400] =	vst v63  }
0x52: {  	_ =	swait.ge [sflag:s17], $0x1400  }
0x53: {  	[sflag:s17] =	ssyncset.done $0x0  }
0x54: {  	[sflag:s17] =	ssyncadd.s32 $0xFFFFEC00  }
0x55: {  	[tilespmem:s18], [sflag:$0x4] =	stream.linear.gather [hbm4b:s11+s28], $0x1400, $0x38;
	[tilespmem:$0x1E400] =	vst v63  }
0x56: {  	_ =	swait.ge [sflag:s17], $0x1400  }
0x57: {  	[sflag:s17] =	ssyncset.done $0x0  }
0x58: {  	[sflag:s17] =	ssyncadd.s32 $0xFFFFEC00  }
0x59: {  	[tilespmem:s20], [sflag:$0x1] =	stream.indirect.gather [hbm4b:s4+s15], $0x80, s28, s15, $0xb8;
	[tilespmem:$0x1E400] =	vst v63  }
0x5a: {  	_ = 	snop  }
0x5b: {  	[tilespmem:s21], [sflag:$0x2] =	stream.indirect.gather [hbm4b:s4+s15], $0x80, s15, s15, $0xb8;
	[tilespmem:$0x1E400] =	vst v63  }
0x5c: {  	_ =	swait.ge [sflag:s22], $0x4000  }
0x5d: {  	[sflag:s22] =	ssyncset.done $0x0  }
0x5e: {  	s28 =	simm.s32 $0x1400;
	[sflag:s22] =	ssyncadd.s32 $0xFFFFC000  }
0x5f: {  	[spmem:s2] =	stream.indirect.scatter.add.f32 [tilespmem:s20], [sflag:$0x4], $0x80, s28, s15, $0xb8;
	[tilespmem:$0x1E400] =	vst v63  }
0x60: {  	_ =	swait.ge [sflag:s17], $0x4000  }
0x61: {  	[sflag:s17] =	ssyncset.done $0x0  }
0x62: {  	s28 =	simm.s32 $0x100;
	[sflag:s17] =	ssyncadd.s32 $0xFFFFC000  }
0x63: {  	[tilespmem:s20], [sflag:$0x1] =	stream.indirect.gather [hbm4b:s4+s15], $0x80, s28, s15, $0xb8;
	[tilespmem:$0x1E400] =	vst v63  }
0x64: {  	_ =	swait.ge [sflag:s23], $0x4000  }
0x65: {  	[sflag:s23] =	ssyncset.done $0x0  }
0x66: {  	s28 =	simm.s32 $0x1480;
	[sflag:s23] =	ssyncadd.s32 $0xFFFFC000  }
0x67: {  	[spmem:s2] =	stream.indirect.scatter.add.f32 [tilespmem:s21], [sflag:$0x4], $0x80, s28, s15, $0xb8;
	[tilespmem:$0x1E400] =	vst v63  }
0x68: {  	_ =	swait.ge [sflag:s17], $0x4000  }
0x69: {  	[sflag:s17] =	ssyncset.done $0x0  }
0x6a: {  	s29 =	simm.s32 $0x180;
	s28 =	simm.s32 $0x400;
	[sflag:s17] =	ssyncadd.s32 $0xFFFFC000  }
.LBB2_4:
0x6b: {  	[tilespmem:s21], [sflag:$0x2] =	stream.indirect.gather [hbm4b:s4+s15], $0x80, s29, s15, $0xb8;
	[tilespmem:$0x1E400] =	vst v63  }
0x6c: {  	s29 =	smov.u32 s28  }
0x6d: {  	p0 =	sne.s32 s28, $0x4800;
	s28 =	sadd.s32 $0x400, s28;
	_ =	swait.ge [sflag:s22], $0x4000  }
0x6e: {  	s29 =	sshra.s32 s29, $0x2;
	[sflag:s22] =	ssyncset.done $0x0  }
0x6f: {  	s30 =	sadd.s32 $0x1400, s29;
	[sflag:s22] =	ssyncadd.s32 $0xFFFFC000  }
0x70: {  	[spmem:s2] =	stream.indirect.scatter.add.f32 [tilespmem:s20], [sflag:$0x4], $0x80, s30, s15, $0xb8;
	[tilespmem:$0x1E400] =	vst v63  }
0x71: {  	_ =	swait.ge [sflag:s17], $0x4000  }
0x72: {  	[sflag:s17] =	ssyncset.done $0x0  }
0x73: {  	s30 =	sadd.s32 $0x100, s29;
	[sflag:s17] =	ssyncadd.s32 $0xFFFFC000  }
0x74: {  	[tilespmem:s20], [sflag:$0x1] =	stream.indirect.gather [hbm4b:s4+s15], $0x80, s30, s15, $0xb8;
	[tilespmem:$0x1E400] =	vst v63  }
0x75: {  	_ =	swait.ge [sflag:s23], $0x4000  }
0x76: {  	[sflag:s23] =	ssyncset.done $0x0  }
.Ltmp1:
0x77: {  	s30 =	sadd.s32 $0x1480, s29;
	[sflag:s23] =	ssyncadd.s32 $0xFFFFC000;
	(pc) =	sbr.rel @p0 .LBB2_4-.Ltmp1, $4  }
0x78: {  	[spmem:s2] =	stream.indirect.scatter.add.f32 [tilespmem:s21], [sflag:$0x4], $0x80, s30, s15, $0xb8;
	[tilespmem:$0x1E400] =	vst v63  }
0x79: {  	_ =	swait.ge [sflag:s17], $0x4000  }
0x7a: {  	[sflag:s17] =	ssyncset.done $0x0  }
0x7b: {  	s29 =	sadd.s32 $0x180, s29;
	[sflag:s17] =	ssyncadd.s32 $0xFFFFC000  }
0x7c: {  	[tilespmem:s21], [sflag:$0x2] =	stream.indirect.gather [hbm4b:s4+s15], $0x80, s29, s15, $0xb8;
	[tilespmem:$0x1E400] =	vst v63  }
0x7d: {  	_ =	swait.ge [sflag:s22], $0x4000  }
0x7e: {  	[sflag:s22] =	ssyncset.done $0x0  }
0x7f: {  	[sflag:s22] =	ssyncadd.s32 $0xFFFFC000  }
0x80: {  	[spmem:s2] =	stream.indirect.scatter.add.f32 [tilespmem:s20], [sflag:$0x4], $0x80, s24, s15, $0xb8;
	[tilespmem:$0x1E400] =	vst v63  }
0x81: {  	_ =	swait.ge [sflag:s17], $0x4000  }
0x82: {  	[sflag:s17] =	ssyncset.done $0x0  }
0x83: {  	[sflag:s17] =	ssyncadd.s32 $0xFFFFC000  }
0x84: {  	_ =	swait.ge [sflag:s23], $0x4000  }
0x85: {  	[sflag:s23] =	ssyncset.done $0x0  }
0x86: {  	[sflag:s23] =	ssyncadd.s32 $0xFFFFC000  }
0x87: {  	[spmem:s2] =	stream.indirect.scatter.add.f32 [tilespmem:s21], [sflag:$0x4], $0x80, s25, s15, $0xb8;
	[tilespmem:$0x1E400] =	vst v63  }
0x88: {  	_ =	swait.ge [sflag:s17], $0x4000  }
0x89: {  	s26 =	sadd.s32 $0x1, s26;
	[sflag:s17] =	ssyncset.done $0x0  }
0x8a: {  	p0 =	sne.s32 s26, s13;
	[sflag:s17] =	ssyncadd.s32 $0xFFFFC000  }
.Ltmp2:
0x8b: {  	s28 =	sor.u32 $0x1C04, s5;
	[bflag:$0x0] =	sbarrier.arrive $0xFFFF;
	(pc) =	sbr.rel @p0 .LBB2_1-.Ltmp2, $4  }
0x8c: {  	[hbm:s12], [sflag:s28] =	dma.local [spmem:s14], $0x2780  }
0x8d: {  	_ =	swait.ge [sflag:s17], $0x2780  }
0x8e: {  	[sflag:s17] =	ssyncset.done $0x0  }
0x8f: {  	[sflag:s17] =	ssyncadd.s32 $0xFFFFD880  }
0x90: {  	_ =	sfence.sel $0x180000  }
0x91: {  	[bflag:$0x0] =	sbarrier.arrive $0xFFFF  }
0x92: {  	p0 =	sne.s32 s0, $0x0;
	_ =	strace $0x9000004D  }
0x93: {  	s0 =	sadd.s32 @!p0 $0x100000, s1;
	[bflag:$0x2] =	sbarrier.arrive $0xFFFF  }
0x94: {  	[sflag:s0] =	ssyncadd.tile.s32 @!p0 $0x1;
	_ =	shalt  }
.Lfunc_end2:
_tile_overlayer_lowered:
.L_overlay_start_2:
0x95: {  	(tag) =	ssettag $0x2  }
0x96: {  	s0 =	rddreg [dreg:$0x0];
	s2 =	stileid.u32  }
0x97: {  	s1 =	rddreg [dreg:$0x1];
	p0 =	sne.s32 s2, $0x0  }
0x98: {  	s3 =	rddreg [dreg:$0x2];
	[bflag:$0x3] =	sbarrier.arrive $0xFFFF;
	s2 =	simm.s32 @!p0 $0x1C04  }
0x99: {  	[timem:s3], [sflag:s2] =	dma.local @!p0 [hbm:s0], s1  }
0x9a: {  	s0 =	simm.s32 @!p0 $0x4  }
0x9b: {  	_ =	swait.ge @!p0 [sflag:s0], s1  }
0x9c: {  	s1 =	ssub.s32 @!p0 $0x0, s1;
	[sflag:s0] =	ssyncset.done @!p0 $0x0  }
0x9d: {  	[sflag:s0] =	ssyncadd.s32 @!p0 s1  }
0x9e: {  	[bflag:$0x3] =	sbarrier.arrive $0xFFFF  }
0x9f: {  	_ =	shalt  }

// kernel: kernel.8.cloned.1.call-start
scs
__scs_entry_jumppad:
0x0: {  	(pc) =	sbr.rel $0x88, $3  }
0x1: {  	(tag) =	ssettag $0x0;
	lr =	simm.s32 $0x1  }
0x2: {  	[smem:$0x3F99] =	sst lr;
	_ =	strace $0xD0000000  }
0x3: {  	_ = 	snop  }
0x4: {  	_ = 	snop  }
0x5: {  	_ = 	snop  }
0x6: {  	_ = 	snop  }
0x7: {  	_ = 	snop  }
__scs_overlays_trampoline_lowered:
0x8: {  	[smem:$0x3FA8] =	sst s0  }
0x9: {  	[smem:$0x3FA9] =	sst s1  }
0xa: {  	[smem:$0x3FAA] =	sst s2  }
0xb: {  	[smem:$0x3FAB] =	sst s3  }
0xc: {  	[smem:$0x3FAC] =	sst s4  }
0xd: {  	[smem:$0x3FAD] =	sst s5  }
0xe: {  	[smem:$0x3FAE] =	sst s6  }
0xf: {  	[smem:$0x3FAF] =	sst s7  }
0x10: {  	[smem:$0x3FB0] =	sst s8  }
0x11: {  	[smem:$0x3FB1] =	sst s9;
	s0 =	simm.s32 @!p0 $0x0  }
0x12: {  	s1 =	sld [smem:$0x3F97];
	s0 =	simm.s32 @p0 $0x1  }
0x13: {  	[smem:$0x3FB2] =	sst s0;
	s0 =	simm.s32 @!p1 $0x0  }
0x14: {  	s2 =	sld [smem:$0x3F96];
	s0 =	simm.s32 @p1 $0x1  }
0x15: {  	[smem:$0x3FB3] =	sst s0;
	s0 =	simm.s32 @!p2 $0x0  }
0x16: {  	s3 =	sld [smem:$0x3FDB];
	s0 =	simm.s32 @p2 $0x1  }
0x17: {  	s4 =	simm.s32 $0x1BF5;
	[smem:$0x3FB5] =	sst s0  }
0x18: {  	s0 =	sld [smem:$0x3F98];
	_ =	swait.ge [sflag:s4], $0x0  }
0x19: {  	s7 =	sld [smem:$0x3F99]  }
0x1a: {  	s8 =	sadd.s32 $0xFFFFE003, lr  }
0x1b: {  	s9 =	sadd.s32 $0xFFFFFEF7, lr;
	s5 =	simm.s32 $0xFFFFFFFF;
	p2 =	slt.u32 s8, $0xFFFFF086  }
0x1c: {  	p1 =	slt.u32 s9, $0xF7A;
	s5 =	simm.s32 @!p2 $0x0  }
0x1d: {  	s5 =	simm.s32 @p1 $0x1;
	p0 =	seq.s32 s7, s2  }
0x1e: {  	s7 =	smul.u32 @!p0 $0xF7A, s2;
	p2 =	seq.s32 @!p0 s5, $0x0  }
0x1f: {  	s9 =	smul.u32 $0xF7A, s1;
	s8 =	simm.s32 @!p0 $0x1BF5;
	p2 =	por !p2, p0  }
0x20: {  	[sflag:s8] =	ssyncset.s32 @!p0 $0xFFFFF086;
	s6 =	sadd.s32 @!p0 s3, s7;
	s7 =	simm.s32 @!p0 $0x108  }
0x21: {  	s3 =	sadd.s32 s3, s9;
	s6 =	sadd.s32 @!p0 $0x88, s6;
	s7 =	simm.s32 @p2 $0x1082  }
0x22: {  	[simem:s7], [sflag:s8] =	dma.local @!p0 [hbm:s6], $0xF7A  }
0x23: {  	s9 =	sor.u32 $0xD0000000, s2;
	s6 =	simm.s32 $0x108;
	_ =	swait.ge @!p0 [sflag:s8], $0x0  }
0x24: {  	s3 =	sadd.s32 $0x88, s3;
	s6 =	simm.s32 @!p1 $0x1082;
	[sflag:s4] =	ssyncset.s32 $0xFFFFF086  }
0x25: {  	[simem:s6], [sflag:s4] =	dma.local [hbm:s3], $0xF7A  }
0x26: {  	[smem:$0x3F99] =	sst s1;
	(tag) =	ssettag s2;
	_ =	strace s9  }
0x27: {  	s1 =	sld [smem:$0x3FA9]  }
0x28: {  	s2 =	sld [smem:$0x3FAA]  }
0x29: {  	s4 =	sld [smem:$0x3FAC]  }
0x2a: {  	p0 =	seq.s32 s5, $0x0;
	s5 =	sld [smem:$0x3FAD]  }
0x2b: {  	s6 =	sld [smem:$0x3FAE]  }
0x2c: {  	s7 =	sld [smem:$0x3FAF]  }
0x2d: {  	s3 =	simm.s32 $0x108;
	s8 =	sld [smem:$0x3FB0]  }
0x2e: {  	s3 =	simm.s32 @!p0 $0x1082;
	s9 =	sld [smem:$0x3FB1]  }
0x2f: {  	lr =	sadd.s32 s0, s3;
	s0 =	sld [smem:$0x3FA8]  }
0x30: {  	s3 =	sld [smem:$0x3FAB]  }
0x31: {  	[smem:$0x3FB4] =	sst s10  }
0x32: {  	s10 =	sld [smem:$0x3FB2];
	_ =	sdelay $0x3  }
0x33: {  	p0 =	seq.s32 s10, $0x1;
	s10 =	sld [smem:$0x3FB4];
	_ =	sdelay $0x3  }
0x34: {  	[smem:$0x3FB4] =	sst s10  }
0x35: {  	s10 =	sld [smem:$0x3FB3];
	_ =	sdelay $0x3  }
0x36: {  	p1 =	seq.s32 s10, $0x1;
	s10 =	sld [smem:$0x3FB4];
	_ =	sdelay $0x3  }
0x37: {  	[smem:$0x3FB4] =	sst s10  }
0x38: {  	s10 =	sld [smem:$0x3FB5]  }
0x39: {  	_ = 	snop;
	(pc) =	sbr.ind lr, $3  }
0x3a: {  	_ = 	snop  }
0x3b: {  	_ = 	snop  }
0x3c: {  	p2 =	seq.s32 s10, $0x1;
	s10 =	sld [smem:$0x3FB4]  }
0x3d: {  	_ =	shalt  }
0x3e: {  	_ =	shalt  }
0x3f: {  	_ =	shalt  }
0x40: {  	_ =	shalt  }
0x41: {  	_ =	shalt  }
0x42: {  	_ =	shalt  }
0x43: {  	_ =	shalt  }
0x44: {  	_ =	shalt  }
0x45: {  	_ =	shalt  }
0x46: {  	_ =	shalt  }
0x47: {  	_ =	shalt  }
0x48: {  	_ =	shalt  }
0x49: {  	_ =	shalt  }
0x4a: {  	_ =	shalt  }
0x4b: {  	_ =	shalt  }
0x4c: {  	_ =	shalt  }
0x4d: {  	_ =	shalt  }
0x4e: {  	_ =	shalt  }
0x4f: {  	_ =	shalt  }
0x50: {  	_ =	shalt  }
0x51: {  	_ =	shalt  }
0x52: {  	_ =	shalt  }
0x53: {  	_ =	shalt  }
0x54: {  	_ =	shalt  }
0x55: {  	_ =	shalt  }
0x56: {  	_ =	shalt  }
0x57: {  	_ =	shalt  }
0x58: {  	_ =	shalt  }
0x59: {  	_ =	shalt  }
0x5a: {  	_ =	shalt  }
0x5b: {  	_ =	shalt  }
0x5c: {  	_ =	shalt  }
0x5d: {  	_ =	shalt  }
0x5e: {  	_ =	shalt  }
0x5f: {  	_ =	shalt  }
0x60: {  	_ =	shalt  }
0x61: {  	_ =	shalt  }
0x62: {  	_ =	shalt  }
0x63: {  	_ =	shalt  }
0x64: {  	_ =	shalt  }
0x65: {  	_ =	shalt  }
0x66: {  	_ =	shalt  }
0x67: {  	_ =	shalt  }
0x68: {  	_ =	shalt  }
0x69: {  	_ =	shalt  }
0x6a: {  	_ =	shalt  }
0x6b: {  	_ =	shalt  }
0x6c: {  	_ =	shalt  }
0x6d: {  	_ =	shalt  }
0x6e: {  	_ =	shalt  }
0x6f: {  	_ =	shalt  }
0x70: {  	_ =	shalt  }
0x71: {  	_ =	shalt  }
0x72: {  	_ =	shalt  }
0x73: {  	_ =	shalt  }
0x74: {  	_ =	shalt  }
0x75: {  	_ =	shalt  }
0x76: {  	_ =	shalt  }
0x77: {  	_ =	shalt  }
0x78: {  	_ =	shalt  }
0x79: {  	_ =	shalt  }
0x7a: {  	_ =	shalt  }
0x7b: {  	_ =	shalt  }
0x7c: {  	_ =	shalt  }
0x7d: {  	_ =	shalt  }
0x7e: {  	_ =	shalt  }
0x7f: {  	_ =	shalt  }
0x80: {  	_ =	shalt  }
0x81: {  	_ =	shalt  }
0x82: {  	_ =	shalt  }
0x83: {  	_ =	shalt  }
0x84: {  	_ =	shalt  }
0x85: {  	_ =	shalt  }
0x86: {  	_ =	shalt  }
0x87: {  	_ =	shalt  }
.Lfunc_end0:
.L_simem_size_0:
called_computation_lowered:
.L_overlay_start_0:
0x88: {  	s2 =	sld [smem:$0x3FD9]  }
0x89: {  	s3 =	sld [smem:$0x3FFE];
	_ =	sdelay $0x1  }
0x8a: {  	s1 =	srdreg.scid  }
0x8b: {  	s0 =	sand.u32 $0x1, s1  }
0x8c: {  	s17 =	sshll.u32 s0, $0xA;
	s2 =	sadd.s32 s3, s2  }
0x8d: {  	s2 =	sadd.s32 s2, s17  }
0x8e: {  	[smem:$0x3FC0] =	sst s2  }
0x8f: {  	_ = 	snop  }
0x90: {  	s2 =	sld [smem:$0x3FD0];
	(tm) =	ssettm $0x1  }
0x91: {  	s18 =	sld [smem:$0x3FFB];
	_ =	sdelay $0x3  }
0x92: {  	_ =	strace s18  }
0x93: {  	s3 =	sld [smem:$0x3FFC];
	_ =	sdelay $0x3  }
0x94: {  	_ =	strace s3  }
0x95: {  	s3 =	sld [smem:$0x3FFD];
	_ =	sdelay $0x3  }
0x96: {  	_ =	strace s3  }
0x97: {  	_ =	strace $0x8FFFFFFF  }
0x98: {  	s19 =	sld [smem:$0x3FDB];
	_ =	sdelay $0x1  }
0x99: {  	s4 =	simm.s32 $_scs_section_size  }
0x9a: {  	s5 =	simm.s32 $_size__tile_overlayer_lowered;
	s6 =	simm.s32 $_tile_overlayer_lowered  }
0x9b: {  	s22 =	simm.s32 $0x1BFF;
	s21 =	sshll.u32 s6, $0x1;
	s3 =	sadd.s32 s4, s19  }
0x9c: {  	s7 =	simm.s32 $0x0;
	s20 =	sshll.u32 s5, $0x1;
	s5 =	sadd.s32 s21, s3  }
0x9d: {  	[timem:s7], [sflag:s22] =	dma.local [hbm:s5], s20  }
0x9e: {  	_ =	swait.ge [sflag:s22], s20  }
0x9f: {  	s4 =	ssub.s32 $0x0, s20;
	[sflag:s22] =	ssyncset.done $0x0  }
0xa0: {  	[sflag:s22] =	ssyncadd.s32 s4;
	_ =	sdelay $0x1  }
0xa1: {  	s23 =	simm.s32 $0x1B8B  }
0xa2: {  	_ =	swait.ge [sflag:s23], $0x1  }
0xa3: {  	[sflag:s23] =	ssyncset.done $0x0  }
0xa4: {  	s25 =	simm.s32 $0x1B8E;
	s24 =	sld [smem:$0x3FFE];
	[sflag:s23] =	ssyncadd.s32 $0xFFFFFFFF  }
0xa5: {  	s26 =	simm.s32 $execute0_lowered;
	[smem:$0x3FD2] =	sst s25  }
0xa6: {  	s5 =	sshll.u32 s26, $0x1;
	_ =	strace $0x80000046;
	[dreg:$0x1] =	wrdreg $0xFFFFFFFF  }
0xa7: {  	s28 =	simm.s32 $_size_execute0_lowered;
	s3 =	sadd.s32 s3, s5;
	[dreg:$0x0] =	wrdreg $0x0  }
0xa8: {  	s5 =	sshll.u32 s28, $0x1;
	[dreg:$0x2] =	wrdreg s3  }
0xa9: {  	[dreg:$0x3] =	wrdreg s5  }
0xaa: {  	[dreg:$0x4] =	wrdreg $0xC0  }
0xab: {  	_ =	task [dreg:s7], $0x5FFFF  }
0xac: {  	[dreg:$0x1] =	wrdreg $0xFFFFFFFF  }
0xad: {  	[dreg:$0x0] =	wrdreg $0x60  }
0xae: {  	[dreg:$0x2] =	wrdreg s2  }
0xaf: {  	[dreg:$0x3] =	wrdreg s24  }
0xb0: {  	[dreg:$0x4] =	wrdreg $0x3C800  }
0xb1: {  	[dreg:$0x5] =	wrdreg $0x9  }
0xb2: {  	_ =	task.clear_ibuf [dreg:s7], $0x6FFFF;
	_ =	strace $0x90000046  }
0xb3: {  	s29 =	simm.s32 $0x9;
	_ =	strace $0x80000048  }
0xb4: {  	_ =	swait.ge [sflag:s29], $0x1  }
0xb5: {  	[sflag:s29] =	ssyncadd.s32 $0xFFFFFFFF  }
0xb6: {  	_ =	strace $0x90000048  }
0xb7: {  	_ =	sfence  }
0xb8: {  	s30 =	sld [smem:$0x0];
	_ =	sdelay $0x2  }
0xb9: {  	s31 =	sshll.u32 s1, $0xD;
	s1 =	sshrl.u32 s1, $0x2  }
0xba: {  	s3 =	sand.u32 $0x4000, s31;
	s1 =	sadd.s32 s1, s30  }
0xbb: {  	s0 =	sor.u32 s3, s0;
	s1 =	sshll.u32 s1, $0x11  }
0xbc: {  	s0 =	sor.u32 s1, s0  }
0xbd: {  	s0 =	sadd.s32 $0x8F2B, s0  }
0xbe: {  	[sflag:s0] =	ssyncadd.remote.s32 $0x1  }
0xbf: {  	_ =	sfence.sel $0xFFFF  }
0xc0: {  	[dreg:$0x0] =	wrdreg $0xFFFFFFFF;
	(pc) =	sbr.abs _section_cstart, $3  }
0xc1: {  	[dreg:$0x1] =	wrdreg $0xFFFFFFFF  }
0xc2: {  	_ =	task.clear_ibuf [dreg:s7], $0x2FFFF;
	_ =	strace $0x9FFFFFFF  }
0xc3: {  	(tm) =	ssettm $0x7FFFFFFF  }
tec
execute0_lowered:
.L_overlay_start_1:
0x0: {  	(tag) =	ssettag $0x1  }
0x1: {  	s4 =	rddreg [dreg:$0x0]  }
0x2: {  	s5 =	rddreg [dreg:$0x1];
	s0 =	srdreg.scid  }
0x3: {  	s1 =	rddreg [dreg:$0x2];
	s8 =	stileid.u32  }
0x4: {  	s2 =	simm.s32 $0x0;
	s11 =	simm.s32 $0x80;
	s12 =	simm.s32 $0x100  }
0x5: {  	s13 =	simm.s32 $0x50;
	s3 =	sand.u32 $0x1, s0;
	s0 =	rddreg [dreg:$0x3]  }
0x6: {  	s14 =	simm.s32 $0x3C00;
	s15 =	simm.s32 $0x0;
	[smem:$0x7FF] =	sst s2  }
0x7: {  	p0 =	sne.s32 s8, $0x0;
	s6 =	sshll.u32 s3, $0x4;
	s7 =	smul.u32 $0x500, s3  }
0x8: {  	s9 =	ssub.s32 $0x2, s3;
	_ =	strace $0x80000047;
	s6 =	sor.u32 s8, s6  }
0x9: {  	s3 =	sadd.s32 $0x2600, s5;
	s10 =	sshrl.u32 s9, $0x1;
	s6 =	smul.u32 $0x500, s6  }
0xa: {  	v0 =	vlaneseq.u32;
	s8 =	simm.s32 $0x1400;
	s7 =	sadd.s32 s7, s5;
	s9 =	ssub.s32 s9, s10  }
0xb: {  	v5 =	vimm.f32 $1.000000000e+00;
	v1 =	vor.u32 $0x10, v0;
	s10 =	sshrl.u32 @!p0 s1, $0x3;
	s4 =	sadd.s32 s4, s6;
	s6 =	sadd.s32 $0x29E00, s7  }
0xc: {  	v2 =	vor.u32 $0x20, v0;
	v3 =	vor.u32 $0x30, v0;
	v4 =	vor.u32 $0x40, v0;
	s7 =	smax.u32 s9, $0x1;
	s9 =	simm.s32 $0x1;
	s5 =	sadd.s32 $0x10, s4  }
.LBB2_1:
0xd: {  	[tilespmem:s8], [sflag:$0x1] =	stream.linear.gather [hbm4b:s3+s2], $0x2800, $0x38;
	[tilespmem:$0x3F00] =	vst v63  }
0xe: {  	_ =	swait.ge [sflag:s9], $0x2800  }
0xf: {  	[sflag:s9] =	ssyncset.done $0x0  }
0x10: {  	[sflag:s9] =	ssyncadd.s32 $0xFFFFD800  }
0x11: {  	[tilespmem:$0x3C00] =	vst v0  }
0x12: {  	[tilespmem:$0x3C10] =	vst v1  }
0x13: {  	[tilespmem:$0x3C20] =	vst v2  }
0x14: {  	[tilespmem:$0x3C30] =	vst v3  }
0x15: {  	s16 =	simm.s32 @!p0 $0x1C01;
	[tilespmem:$0x3C40] =	vst v4  }
0x16: {  	[spmem:s10], [sflag:s16] =	dma.local @!p0 [hbm:s3], $0x500  }
0x17: {  	s16 =	simm.s32 @!p0 $0x1  }
0x18: {  	_ =	swait.ge @!p0 [sflag:s16], $0x500  }
0x19: {  	[sflag:s16] =	ssyncset.done @!p0 $0x0  }
0x1a: {  	[sflag:s16] =	ssyncadd.s32 @!p0 $0xFFFFFB00  }
0x1b: {  	[bflag:$0x0] =	sbarrier.arrive $0xFFFF  }
0x1c: {  	[tilespmem:s2], [sflag:$0x1] =	stream.strided.gather [hbm4b:s4+s11], $0x1400, s12, s11, $0x38;
	[tilespmem:$0x3F00] =	vst v63  }
0x1d: {  	_ =	swait.ge [sflag:s9], $0x1400  }
0x1e: {  	[sflag:s9] =	ssyncset.done $0x0  }
0x1f: {  	s16 =	simm.s32 $0x0;
	[sflag:s9] =	ssyncadd.s32 $0xFFFFEC00  }
.LBB2_2:
0x20: {  	s17 =	sshra.s32 s16, $0x2  }
0x21: {  	v6 =	vld [tilespmem:s17+$0x0];
	_ =	sdelay $0x7  }
0x22: {  	[tilespmem:v6+s8+$0x0] =	vst.idx.add.f32.msk $0xffff, v5  }
0x23: {  	v6 =	vld [tilespmem:s17+$0x10];
	_ =	sdelay $0x7  }
0x24: {  	[tilespmem:v6+s8+$0x0] =	vst.idx.add.f32.msk $0xffff, v5  }
0x25: {  	v6 =	vld [tilespmem:s17+$0x20];
	_ =	sdelay $0x7  }
0x26: {  	[tilespmem:v6+s8+$0x0] =	vst.idx.add.f32.msk $0xffff, v5  }
0x27: {  	v6 =	vld [tilespmem:s17+$0x30];
	_ =	sdelay $0x2  }
0x28: {  	p1 =	sne.s32 s16, $0x4F00  }
.Ltmp0:
0x29: {  	_ = 	snop;
	(pc) =	sbr.rel @p1 .LBB2_2-.Ltmp0, $2  }
0x2a: {  	_ =	sdelay $0x2  }
0x2b: {  	s16 =	sadd.s32 $0x100, s16;
	[tilespmem:v6+s8+$0x0] =	vst.idx.add.f32.msk $0xffff, v5  }
0x2c: {  	s16 =	simm.s32 $0x0  }
0x2d: {  	[tilespmem:s16], [sflag:$0x1] =	stream.strided.gather [hbm4b:s5+s11], $0x1400, s12, s11, $0x38;
	[tilespmem:$0x3F00] =	vst v63  }
0x2e: {  	_ =	swait.ge [sflag:s9], $0x1400  }
0x2f: {  	[sflag:s9] =	ssyncset.done $0x0  }
0x30: {  	[sflag:s9] =	ssyncadd.s32 $0xFFFFEC00  }
.LBB2_4:
0x31: {  	s17 =	sshra.s32 s16, $0x2  }
0x32: {  	v6 =	vld [tilespmem:s17+$0x0];
	_ =	sdelay $0x7  }
0x33: {  	[tilespmem:v6+s8+$0x0] =	vst.idx.add.f32.msk $0xffff, v5  }
0x34: {  	v6 =	vld [tilespmem:s17+$0x10];
	_ =	sdelay $0x7  }
0x35: {  	[tilespmem:v6+s8+$0x0] =	vst.idx.add.f32.msk $0xffff, v5  }
0x36: {  	v6 =	vld [tilespmem:s17+$0x20];
	_ =	sdelay $0x7  }
0x37: {  	[tilespmem:v6+s8+$0x0] =	vst.idx.add.f32.msk $0xffff, v5  }
0x38: {  	v6 =	vld [tilespmem:s17+$0x30];
	_ =	sdelay $0x2  }
0x39: {  	p1 =	sne.s32 s16, $0x4F00  }
.Ltmp1:
0x3a: {  	_ = 	snop;
	(pc) =	sbr.rel @p1 .LBB2_4-.Ltmp1, $2  }
0x3b: {  	_ =	sdelay $0x2  }
0x3c: {  	s16 =	sadd.s32 $0x100, s16;
	[tilespmem:v6+s8+$0x0] =	vst.idx.add.f32.msk $0xffff, v5  }
0x3d: {  	[spmem:s1] =	stream.indirect.scatter.add.f32 [tilespmem:s8], [sflag:$0x1], $0x80, s14, s13, $0xb8;
	[tilespmem:$0x3F00] =	vst v63  }
0x3e: {  	_ =	swait.ge [sflag:s9], $0x2800  }
0x3f: {  	[sflag:s9] =	ssyncset.done $0x0  }
0x40: {  	s15 =	sadd.s32 $0x1, s15;
	[sflag:s9] =	ssyncadd.s32 $0xFFFFD800  }
0x41: {  	s16 =	simm.s32 @!p0 $0x1C01;
	p1 =	sne.s32 s15, s7;
	[bflag:$0x0] =	sbarrier.arrive $0xFFFF  }
0x42: {  	[hbm:s6], [sflag:s16] =	dma.local @!p0 [spmem:s10], $0x500  }
.Ltmp2:
0x43: {  	_ = 	snop;
	(pc) =	sbr.rel @p1 .LBB2_1-.Ltmp2, $4  }
0x44: {  	s16 =	simm.s32 @!p0 $0x1  }
0x45: {  	_ =	swait.ge @!p0 [sflag:s16], $0x500  }
0x46: {  	[sflag:s16] =	ssyncset.done @!p0 $0x0  }
0x47: {  	[sflag:s16] =	ssyncadd.s32 @!p0 $0xFFFFFB00  }
0x48: {  	_ =	sfence.sel $0x180000  }
0x49: {  	[bflag:$0x0] =	sbarrier.arrive $0xFFFF  }
0x4a: {  	_ =	strace $0x90000047  }
0x4b: {  	s0 =	sadd.s32 @!p0 $0x100000, s0;
	[bflag:$0x2] =	sbarrier.arrive $0xFFFF  }
0x4c: {  	[sflag:s0] =	ssyncadd.tile.s32 @!p0 $0x1;
	_ =	shalt  }
.Lfunc_end2:
_tile_overlayer_lowered:
.L_overlay_start_2:
0x4d: {  	(tag) =	ssettag $0x2  }
0x4e: {  	s0 =	rddreg [dreg:$0x0];
	s2 =	stileid.u32  }
0x4f: {  	s1 =	rddreg [dreg:$0x1];
	p0 =	sne.s32 s2, $0x0  }
0x50: {  	s3 =	rddreg [dreg:$0x2];
	[bflag:$0x3] =	sbarrier.arrive $0xFFFF;
	s2 =	simm.s32 @!p0 $0x1C01  }
0x51: {  	[timem:s3], [sflag:s2] =	dma.local @!p0 [hbm:s0], s1  }
0x52: {  	s0 =	simm.s32 @!p0 $0x1  }
0x53: {  	_ =	swait.ge @!p0 [sflag:s0], s1  }
0x54: {  	s1 =	ssub.s32 @!p0 $0x0, s1;
	[sflag:s0] =	ssyncset.done @!p0 $0x0  }
0x55: {  	[sflag:s0] =	ssyncadd.s32 @!p0 s1  }
0x56: {  	[bflag:$0x3] =	sbarrier.arrive $0xFFFF  }
0x57: {  	_ =	shalt  }

</sc_bundles>
